<compile_context>
chip_gen: v7x
topology: tpu7x:2x2x1
jax: 0.10.2.dev20260603
libtpu: 0.0.44.dev20260713+nightly
codegen_flags: <defaults>
</compile_context>

<pallas_src>
import functools

import jax
import jax.numpy as jnp
from jax import lax
from jax.experimental import pallas as pl
from jax.experimental.pallas import tpu as pltpu
from jax.experimental.pallas import tpu_sc as plsc

_PRE_T = 0.05
_NMS_T = 0.6
_K = 1000
_KP = 1024
_RP = 104
_OUT = 100

_N = 20000
_NT = 20480
_TILES = 16
_E = _NT // _TILES
_CH = _E // 16
_RUN = _E + 16


def _sc_select_body(scores_hbm, table_hbm, out_hbm,
                    sc_v, key_v, hist_v, allh_v, cnt_v, cnta_v, gt_v, eq_v,
                    sel_v, selg_v, rows_v,
                    sh_hist, sh_cnt, sh_gt, sh_eq, sh_sel, sem):
    sid = lax.axis_index("s")
    base = sid * _E
    lanes = lax.iota(jnp.int32, 16)
    ones_i = jnp.ones((16,), jnp.int32)

    pltpu.sync_copy(scores_hbm.at[pl.ds(base, _E)], sc_v)

    def keys_body(c, _):
        s = sc_v[pl.ds(c * 16, 16)]
        st = jnp.where(s > _PRE_T, s, -1.0)
        k = plsc.bitcast(st, jnp.uint32) ^ jnp.uint32(0x80000000)
        key_v[pl.ds(c * 16, 16)] = k
        return 0

    lax.fori_loop(0, _CH, keys_body, 0)

    rem = jnp.int32(_K)
    prefix = jnp.uint32(0)
    for shift in (24, 16, 8, 0):
        def clr(i, _):
            hist_v[pl.ds(i * 16, 16)] = jnp.zeros((16,), jnp.int32)
            return 0

        lax.fori_loop(0, 16, clr, 0)

        def hb(c, _, shift=shift, prefix=prefix):
            k = key_v[pl.ds(c * 16, 16)]
            digit = ((k >> shift) & jnp.uint32(0xFF)).astype(jnp.int32)
            if shift == 24:
                plsc.addupdate_scatter(hist_v, [digit], ones_i)
            else:
                pm = (k >> (shift + 8)) == (prefix >> (shift + 8))
                plsc.addupdate_scatter(hist_v, [digit], ones_i, mask=pm)
            return 0

        lax.fori_loop(0, _CH, hb, 0)

        pltpu.sync_copy(hist_v, sh_hist.at[sid])
        plsc.subcore_barrier()
        pltpu.sync_copy(sh_hist, allh_v)

        def mg(c, _):
            acc = jnp.zeros((16,), jnp.int32)
            for t in range(_TILES):
                acc = acc + allh_v[t, pl.ds(c * 16, 16)]
            hist_v[pl.ds(c * 16, 16)] = acc
            return 0

        lax.fori_loop(0, 16, mg, 0)
        plsc.subcore_barrier()

        def scan(i, st, rem=rem):
            found, dstar, above = st
            cc = 15 - i
            chunk = hist_v[pl.ds(cc * 16, 16)]
            rev = lax.rev(chunk, (0,))
            cum = jnp.cumsum(rev) + above
            hitv = cum >= rem
            nhit = jnp.sum(hitv.astype(jnp.int32))
            f0 = jnp.min(jnp.where(hitv, lanes, 16))
            excl = cum - rev
            excl_at = jnp.sum(jnp.where(lanes == f0, excl, 0))
            d_new = cc * 16 + 15 - f0
            take = (nhit > 0) & (found == 0)
            found2 = jnp.where(take, 1, found)
            dstar2 = jnp.where(take, d_new, dstar)
            above2 = jnp.where(
                take, excl_at,
                jnp.where(found == 0, above + jnp.sum(chunk), above))
            return (found2, dstar2, above2)

        _, dstar, cnt_gt = lax.fori_loop(
            0, 16, scan, (jnp.int32(0), jnp.int32(0), jnp.int32(0)))
        rem = rem - cnt_gt
        prefix = prefix | (dstar.astype(jnp.uint32) << shift)

    vkey = prefix

    def cp(c, st):
        pg, pe = st
        kk = key_v[pl.ds(c * 16, 16)]
        gidx = base + c * 16 + lanes
        m_gt = kk > vkey
        m_eq = kk == vkey
        plsc.store_compressed(gt_v.at[pl.ds(pg, 16)], gidx, mask=m_gt)
        plsc.store_compressed(eq_v.at[pl.ds(pe, 16)], gidx, mask=m_eq)
        return (pg + jnp.sum(m_gt.astype(jnp.int32)),
                pe + jnp.sum(m_eq.astype(jnp.int32)))

    n_gt, n_eq = lax.fori_loop(0, _CH, cp, (jnp.int32(0), jnp.int32(0)))
    cnt_v[...] = jnp.where(lanes == 0, n_gt, jnp.where(lanes == 1, n_eq, 0))
    pltpu.sync_copy(cnt_v, sh_cnt.at[sid])
    pltpu.sync_copy(gt_v, sh_gt.at[sid])
    pltpu.sync_copy(eq_v, sh_eq.at[sid])
    plsc.subcore_barrier()

    @pl.when(sid == 0)
    def _():
        pltpu.sync_copy(sh_cnt, cnta_v)
        ngt_vec = jnp.zeros((16,), jnp.int32)
        neq_vec = jnp.zeros((16,), jnp.int32)
        for t in range(_TILES):
            row = cnta_v[t, pl.ds(0, 16)]
            ngt_vec = jnp.where(lanes == t, row[0], ngt_vec)
            neq_vec = jnp.where(lanes == t, row[1], neq_vec)
        pos_gt = jnp.cumsum(ngt_vec) - ngt_vec
        total_gt = jnp.sum(ngt_vec)
        excl_eq = jnp.cumsum(neq_vec) - neq_vec
        take_vec = jnp.clip(rem - excl_eq, 0, neq_vec)
        pos_eq = total_gt + jnp.cumsum(take_vec) - take_vec

        def gt_t(t, _):
            n = jnp.sum(jnp.where(lanes == t, ngt_vec, 0))
            pos = jnp.sum(jnp.where(lanes == t, pos_gt, 0))
            pltpu.sync_copy(sh_gt.at[t], gt_v)

            def inner(c, _):
                sel_v[pl.ds(pos + c * 16, 16)] = gt_v[pl.ds(c * 16, 16)]
                return 0

            lax.fori_loop(0, (n + 15) // 16, inner, 0)
            return 0

        lax.fori_loop(0, _TILES, gt_t, 0)

        def eq_t(t, _):
            take = jnp.sum(jnp.where(lanes == t, take_vec, 0))

            @pl.when(take > 0)
            def _():
                pos = jnp.sum(jnp.where(lanes == t, pos_eq, 0))
                pltpu.sync_copy(sh_eq.at[t], eq_v)

                def inner(c, _):
                    sel_v[pl.ds(pos + c * 16, 16)] = eq_v[pl.ds(c * 16, 16)]
                    return 0

                lax.fori_loop(0, (take + 15) // 16, inner, 0)

            return 0

        lax.fori_loop(0, _TILES, eq_t, 0)
        sel_v[pl.ds(_K, 16)] = _N + lanes
        sel_v[pl.ds(_K + 8, 16)] = _N + 8 + lanes
        pltpu.sync_copy(sel_v.at[pl.ds(0, _KP)], sh_sel)

    plsc.subcore_barrier()

    pltpu.sync_copy(sh_sel.at[pl.ds(sid * 64, 64)], selg_v)
    pltpu.async_copy(table_hbm.at[selg_v], rows_v, sem).wait()
    pltpu.sync_copy(rows_v, out_hbm.at[pl.ds(sid * 64, 64)])


def _make_sc_select():
    return functools.partial(
        pl.kernel,
        mesh=plsc.VectorSubcoreMesh(
            core_axis_name="c", subcore_axis_name="s", num_cores=1,
            num_subcores=_TILES),
        compiler_params=pltpu.CompilerParams(
            needs_layout_passes=False, use_tc_tiling_on_sc=False),
        out_type=jax.ShapeDtypeStruct((_KP, 16), jnp.float32),
        scratch_types=[
            pltpu.VMEM((_E,), jnp.float32),
            pltpu.VMEM((_E,), jnp.uint32),
            pltpu.VMEM((256,), jnp.int32),
            pltpu.VMEM((_TILES, 256), jnp.int32),
            pltpu.VMEM((16,), jnp.int32),
            pltpu.VMEM((_TILES, 16), jnp.int32),
            pltpu.VMEM((_RUN,), jnp.int32),
            pltpu.VMEM((_RUN,), jnp.int32),
            pltpu.VMEM((_KP + 16,), jnp.int32),
            pltpu.VMEM((64,), jnp.int32),
            pltpu.VMEM((64, 16), jnp.float32),
            pltpu.VMEM_SHARED((_TILES, 256), jnp.int32),
            pltpu.VMEM_SHARED((_TILES, 16), jnp.int32),
            pltpu.VMEM_SHARED((_TILES, _RUN), jnp.int32),
            pltpu.VMEM_SHARED((_TILES, _RUN), jnp.int32),
            pltpu.VMEM_SHARED((_KP,), jnp.int32),
            pltpu.SemaphoreType.DMA,
        ],
    )(_sc_select_body)


def _nms_body(pr_ref, pc_ref, bx_ref, out_ref):
    m = jnp.max(bx_ref[...]) + 1.0
    x1r = pr_ref[0:1, :]
    y1r = pr_ref[1:2, :]
    x2r = pr_ref[2:3, :]
    y2r = pr_ref[3:4, :]
    rsr = pr_ref[4:5, :]
    lr = pr_ref[5:6, :]
    ixr = pr_ref[6:7, :]
    x1c = pc_ref[:, 0:1]
    y1c = pc_ref[:, 1:2]
    x2c = pc_ref[:, 2:3]
    y2c = pc_ref[:, 3:4]
    rsc = pc_ref[:, 4:5]
    lc = pc_ref[:, 5:6]
    ixc = pc_ref[:, 6:7]

    sr = jnp.where(rsr > _PRE_T, rsr, -1.0)
    scl = jnp.where(rsc > _PRE_T, rsc, -1.0)

    offr = lr * m
    offc = lc * m
    ox1r = x1r + offr
    oy1r = y1r + offr
    ox2r = x2r + offr
    oy2r = y2r + offr
    ox1c = x1c + offc
    oy1c = y1c + offc
    ox2c = x2c + offc
    oy2c = y2c + offc

    area_r = (ox2r - ox1r) * (oy2r - oy1r)
    area_c = (ox2c - ox1c) * (oy2c - oy1c)
    w = jnp.maximum(jnp.minimum(ox2c, ox2r) - jnp.maximum(ox1c, ox1r), 0.0)
    h = jnp.maximum(jnp.minimum(oy2c, oy2r) - jnp.maximum(oy1c, oy1r), 0.0)
    inter = w * h
    union = area_c + area_r - inter
    iou = inter / jnp.maximum(union, 1e-6)

    alive_r = sr > _PRE_T
    alive_c = scl > _PRE_T
    hit = (iou > _NMS_T) & alive_r & alive_c
    prec_cr = (scl > sr) | ((scl == sr) & (ixc < ixr))
    prec_rc = (sr > scl) | ((sr == scl) & (ixr < ixc))
    sup_by_row = hit & prec_cr
    sup_by_col = hit & prec_rc

    def body(carry):
        k_row_f, _ = carry
        k_row = k_row_f > 0.0
        supc = jnp.any(sup_by_col & k_row, axis=1, keepdims=True)
        k_col = alive_c & jnp.logical_not(supc)
        supr = jnp.any(sup_by_row & k_col, axis=0, keepdims=True)
        k_new = alive_r & jnp.logical_not(supr)
        changed = jnp.any(k_new != k_row)
        return (k_new.astype(jnp.float32), changed)

    k_row_f, _ = lax.while_loop(
        lambda c: c[1], body, (alive_r.astype(jnp.float32), jnp.bool_(True)))
    k_row = k_row_f > 0.0
    supc = jnp.any(sup_by_col & k_row, axis=1, keepdims=True)
    k_col = alive_c & jnp.logical_not(supc)

    precf = prec_cr.astype(jnp.float32)
    kcf = k_col.astype(jnp.float32)
    kept_before = jnp.sum(kcf * precf, axis=0, keepdims=True)
    nk_before = jnp.sum((1.0 - kcf) * precf, axis=0, keepdims=True)
    total_kept = jnp.sum(kcf)
    slot = jnp.where(k_row, kept_before, total_kept + nk_before)

    ro = lax.broadcasted_iota(jnp.int32, (_RP, _KP), 0)
    onehot = (ro == slot.astype(jnp.int32)).astype(jnp.float32)
    s_out = jnp.where(k_row, sr, -1.0)

    lane = lax.broadcasted_iota(jnp.int32, (_RP, 128), 1)
    acc = jnp.zeros((_RP, 128), jnp.float32)
    for c, v in enumerate((x1r, y1r, x2r, y2r, s_out)):
        colv = jnp.sum(onehot * v, axis=1, keepdims=True)
        acc = acc + jnp.where(lane == c, colv, 0.0)
    out_ref[...] = acc


def kernel(boxes, scores, labels):
    scores_p = jnp.pad(scores, (0, _NT - _N))
    core = jnp.concatenate(
        [boxes, scores[:, None], labels.astype(jnp.float32)[:, None]], axis=1)
    core_p = jnp.pad(core, ((0, _NT - _N), (0, 0)))
    idx_col = jnp.arange(_NT, dtype=jnp.float32)[:, None]
    table = jnp.pad(jnp.concatenate([core_p, idx_col], axis=1),
                    ((0, 0), (0, 9)))

    g = _make_sc_select()(scores_p, table)
    pc = g
    pr = g[:, :7].T
    bx = boxes.reshape(625, 128)
    out = pl.pallas_call(
        _nms_body,
        out_shape=jax.ShapeDtypeStruct((_RP, 128), jnp.float32),
    )(pr, pc, bx)
    return out[:_OUT, :5]

# --- scband reference (transcript-rebuilt; emitter-appended) ---
"""Pipeline reference for scband-fcosoutputs-23691039605243 (READ-ONLY COPY).

The authoritative reference and input builder live on the scoring server;
editing this copy changes nothing except your own understanding.
"""

import jax, jax.numpy as jnp
import numpy as np

N = 20000
NUM_CLASSES = 80
PRE_NMS_THRESH = 0.05
PRE_NMS_TOPK = 1000
POST_NMS_TOPK = 100
NMS_THRESH = 0.6


def setup_inputs(seed: int = 0) -> dict:
    key = jax.random.key(seed)
    k1, k2, k3, k4 = jax.random.split(key, 4)
    xy1 = jax.random.uniform(k1, (N, 2), minval=0.0, maxval=1024.0)
    wh = jax.random.uniform(k2, (N, 2), minval=1.0, maxval=256.0)
    boxes = jnp.concatenate([xy1, xy1 + wh], axis=1).astype(jnp.float32)
    scores = jax.random.uniform(k3, (N,), dtype=jnp.float32)
    labels = jax.random.randint(k4, (N,), 0, NUM_CLASSES).astype(jnp.int32)
    return {"boxes": boxes, "scores": scores, "labels": labels}


def _pairwise_iou(b):
    area = (b[:, 2] - b[:, 0]) * (b[:, 3] - b[:, 1])
    lt = jnp.maximum(b[:, None, :2], b[None, :, :2])
    rb = jnp.minimum(b[:, None, 2:], b[None, :, 2:])
    wh = jnp.clip(rb - lt, 0.0)
    inter = wh[..., 0] * wh[..., 1]
    union = area[:, None] + area[None, :] - inter
    return inter / jnp.maximum(union, 1e-6)


def _nms_core(boxes, scores, labels):
    # pre-NMS score threshold (FCOS pre_nms_thresh) then topk (pre_nms_topk)
    valid = scores > PRE_NMS_THRESH
    s = jnp.where(valid, scores, -1.0)
    top_s, top_i = jax.lax.top_k(s, PRE_NMS_TOPK)
    top_b = jnp.take(boxes, top_i, axis=0)
    top_l = jnp.take(labels, top_i, axis=0)
    # class-aware (batched) NMS via coordinate offset per label, as in ml_nms/batched_nms
    max_coord = jnp.max(boxes) + 1.0
    off = top_l.astype(boxes.dtype) * max_coord
    b_nms = top_b + off[:, None]
    iou = _pairwise_iou(b_nms)
    n = PRE_NMS_TOPK
    idx = jnp.arange(n)

    def body(i, keep):
        cur = keep[i] & (top_s[i] > PRE_NMS_THRESH)
        sup = (iou[i] > NMS_THRESH) & (idx > i)
        return jnp.where(cur & sup, False, keep)

    keep = jax.lax.fori_loop(0, n, body, jnp.ones((n,), dtype=bool))
    keep = keep & (top_s > PRE_NMS_THRESH)
    # post-NMS topk (post_nms_topk): keep highest-scoring survivors
    ks = jnp.where(keep, top_s, -1.0)
    fs, fi = jax.lax.top_k(ks, POST_NMS_TOPK)
    fb = jnp.take(top_b, fi, axis=0)
    # [post_nms_topk, 5]: x1,y1,x2,y2,score
    return jnp.concatenate([fb, fs[:, None]], axis=1)


def reference(boxes, scores, labels):
    return _nms_core(boxes, scores, labels)

if __name__ == "__main__":
    import jax
    _d = setup_inputs()
    print(jax.jit(kernel)(*tuple(_d.values())))

</pallas_src>

<mosaic_0001>
#map = affine_map<(d0, d1) -> (0)>
#map1 = affine_map<(d0, d1) -> (0, 0)>
module attributes {stable_mosaic.version = 14 : i64} {
  func.func @_sc_select_body(%arg0: i32, %arg1: i32, %arg2: memref<20480xf32, #tpu.memory_space<hbm>>, %arg3: memref<20480x16xf32, #tpu.memory_space<hbm>>, %arg4: memref<1024x16xf32, #tpu.memory_space<hbm>>, %arg5: memref<1280xf32, #tpu.memory_space<vmem>>, %arg6: memref<1280xi32, #tpu.memory_space<vmem>>, %arg7: memref<256xi32, #tpu.memory_space<vmem>>, %arg8: memref<16x256xi32, #tpu.memory_space<vmem>>, %arg9: memref<16xi32, #tpu.memory_space<vmem>>, %arg10: memref<16x16xi32, #tpu.memory_space<vmem>>, %arg11: memref<1296xi32, #tpu.memory_space<vmem>>, %arg12: memref<1296xi32, #tpu.memory_space<vmem>>, %arg13: memref<1040xi32, #tpu.memory_space<vmem>>, %arg14: memref<64xi32, #tpu.memory_space<vmem>>, %arg15: memref<64x16xf32, #tpu.memory_space<vmem>>, %arg16: memref<16x256xi32, #tpu.memory_space<vmem_shared>>, %arg17: memref<16x16xi32, #tpu.memory_space<vmem_shared>>, %arg18: memref<16x1296xi32, #tpu.memory_space<vmem_shared>>, %arg19: memref<16x1296xi32, #tpu.memory_space<vmem_shared>>, %arg20: memref<1024xi32, #tpu.memory_space<vmem_shared>>, %arg21: memref<!tpu.dma_semaphore, #tpu.memory_space<semaphore_mem>>) attributes {dimension_semantics = [#tpu.dimension_semantics<core_parallel>, #tpu.dimension_semantics<subcore_parallel>], iteration_bounds = array<i64: 1, 16>, scalar_prefetch = 0 : i64, scratch_operands = 17 : i64, tpu.core_type = #tpu.core_type<sc_vector_subcore>, window_params = [{transform_indices = #map}, {transform_indices = #map1}, {transform_indices = #map1}]} {
    %mul3A = arith.constant 1280 : i32
    %mul3A_0 = arith.muli %arg1, %mul3A : i32
    %iota3A = tpu.iota {dimensions = array<i32: 0>} : vector<16xi32>
    %broadcast_in_dim3A = arith.constant 1 : i32
    %broadcast_in_dim3A_1 = vector.broadcast %broadcast_in_dim3A : i32 to vector<16xi32>
    "tpu.region"() ({
      %run_scoped3A = tpu.sem_alloc : memref<!tpu.dma_semaphore, #tpu.memory_space<semaphore_mem>>
      %dma_start3A_182 = tpu.memref_slice %arg2[%mul3A_0] : memref<20480xf32, #tpu.memory_space<hbm>> -> memref<1280xf32, #tpu.memory_space<hbm>>
      %dma_start3A_183 = tpu.memref_slice %arg2[%mul3A_0] : memref<20480xf32, #tpu.memory_space<hbm>> -> memref<1280xf32, #tpu.memory_space<hbm>>
      tpu.enqueue_dma source(%dma_start3A_183 : memref<1280xf32, #tpu.memory_space<hbm>>) target(%arg5 : memref<1280xf32, #tpu.memory_space<vmem>>) target_semaphore(%run_scoped3A : memref<!tpu.dma_semaphore, #tpu.memory_space<semaphore_mem>>)
      %dma_wait3A_184 = tpu.memref_slice %arg2[%mul3A_0] : memref<20480xf32, #tpu.memory_space<hbm>> -> memref<1280xf32, #tpu.memory_space<hbm>>
      %dma_wait3A_185 = tpu.memref_slice %arg2[%mul3A_0] : memref<20480xf32, #tpu.memory_space<hbm>> -> memref<1280xf32, #tpu.memory_space<hbm>>
      tpu.wait_dma2 semaphore(%run_scoped3A : memref<!tpu.dma_semaphore, #tpu.memory_space<semaphore_mem>>) src(%dma_wait3A_185 : memref<1280xf32, #tpu.memory_space<hbm>>) dst(%arg5 : memref<1280xf32, #tpu.memory_space<vmem>>)
      tpu.yield
    }) : () -> ()
    %scan3A = arith.constant 0 : i32
    %scan3A_2 = arith.constant 0 : i32
    %scan3A_3 = arith.constant 80 : i32
    %scan3A_4 = arith.addi %scan3A_2, %scan3A_3 : i32
    %scan3A_5 = arith.constant 1 : i32
    %scan3A_6 = scf.for %scan3A_182 = %scan3A_2 to %scan3A_4 step %scan3A_5 iter_args(%scan3A_183 = %scan3A) -> (i32)  : i32 {
      %mul3A_184 = arith.constant 16 : i32
      %mul3A_185 = arith.muli %scan3A_182, %mul3A_184 : i32
      %get3A = arith.index_cast %mul3A_185 : i32 to index
      %get3A_186 = tpu.vector_load %arg5[%get3A] {strides = array<i32>} : memref<1280xf32, #tpu.memory_space<vmem>>, vector<16xf32>,
      %gt3A = arith.constant 5.000000e-02 : f32
      %gt3A_187 = vector.broadcast %gt3A : f32 to vector<16xf32>
      %gt3A_188 = arith.cmpf ogt, %get3A_186, %gt3A_187 : vector<16xf32>
      %jit3A_189 = arith.constant -1.000000e+00 : f32
      %broadcast_in_dim3A_190 = vector.broadcast %jit3A_189 : f32 to vector<16xf32>
      %select_n3A_191 = arith.select %gt3A_188, %get3A_186, %broadcast_in_dim3A_190 : vector<16xi1>, vector<16xf32>
      %bitcast3A = vector.bitcast %select_n3A_191 : vector<16xf32> to vector<16xi32>
      %xor3A = arith.constant -2147483648 : i32
      %xor3A_192 = vector.broadcast %xor3A : i32 to vector<16xi32>
      %xor3A_193 = arith.xori %bitcast3A, %xor3A_192 : vector<16xi32>
      %mul3A_194 = arith.constant 16 : i32
      %mul3A_195 = arith.muli %scan3A_182, %mul3A_194 : i32
      %swap3A_196 = arith.index_cast %mul3A_195 : i32 to index
      %swap3A_197 = tpu.vector_load %arg6[%swap3A_196] {strides = array<i32>} : memref<1280xi32, #tpu.memory_space<vmem>>, vector<16xi32>,
      tpu.vector_store %arg6[%swap3A_196], %xor3A_193 {strides = array<i32>} : memref<1280xi32, #tpu.memory_space<vmem>>, vector<16xi32>,
      %scan3A_198 = arith.constant 0 : i32
      scf.yield %scan3A_198 : i32
    }
    %scan3A_7 = arith.constant 80 : i32
    %scan3A_8 = arith.constant 0 : i32
    %scan3A_9 = arith.constant 0 : i32
    %scan3A_10 = arith.constant 16 : i32
    %scan3A_11 = arith.addi %scan3A_9, %scan3A_10 : i32
    %scan3A_12 = arith.constant 1 : i32
    %scan3A_13 = scf.for %scan3A_182 = %scan3A_9 to %scan3A_11 step %scan3A_12 iter_args(%scan3A_183 = %scan3A_8) -> (i32)  : i32 {
      %broadcast_in_dim3A_184 = arith.constant 0 : i32
      %broadcast_in_dim3A_185 = vector.broadcast %broadcast_in_dim3A_184 : i32 to vector<16xi32>
      %mul3A_186 = arith.constant 16 : i32
      %mul3A_187 = arith.muli %scan3A_182, %mul3A_186 : i32
      %swap3A_188 = arith.index_cast %mul3A_187 : i32 to index
      %swap3A_189 = tpu.vector_load %arg7[%swap3A_188] {strides = array<i32>} : memref<256xi32, #tpu.memory_space<vmem>>, vector<16xi32>,
      tpu.vector_store %arg7[%swap3A_188], %broadcast_in_dim3A_185 {strides = array<i32>} : memref<256xi32, #tpu.memory_space<vmem>>, vector<16xi32>,
      %scan3A_190 = arith.constant 0 : i32
      scf.yield %scan3A_190 : i32
    }
    %scan3A_14 = arith.constant 16 : i32
    %scan3A_15 = arith.constant 0 : i32
    %scan3A_16 = arith.constant 0 : i32
    %scan3A_17 = arith.constant 80 : i32
    %scan3A_18 = arith.addi %scan3A_16, %scan3A_17 : i32
    %scan3A_19 = arith.constant 1 : i32
    %scan3A_20 = scf.for %scan3A_182 = %scan3A_16 to %scan3A_18 step %scan3A_19 iter_args(%scan3A_183 = %scan3A_15) -> (i32)  : i32 {
      %mul3A_184 = arith.constant 16 : i32
      %mul3A_185 = arith.muli %scan3A_182, %mul3A_184 : i32
      %get3A = arith.index_cast %mul3A_185 : i32 to index
      %get3A_186 = tpu.vector_load %arg6[%get3A] {strides = array<i32>} : memref<1280xi32, #tpu.memory_space<vmem>>, vector<16xi32>,
      %shift_right_logical3A = arith.constant 24 : i32
      %shift_right_logical3A_187 = vector.broadcast %shift_right_logical3A : i32 to vector<16xi32>
      %shift_right_logical3A_188 = arith.shrui %get3A_186, %shift_right_logical3A_187 : vector<16xi32>
      %and3A = arith.constant 255 : i32
      %and3A_189 = vector.broadcast %and3A : i32 to vector<16xi32>
      %and3A_190 = arith.andi %shift_right_logical3A_188, %and3A_189 : vector<16xi32>
      tpu.vector_store_idx %arg7[%and3A_190], %broadcast_in_dim3A_1 {add = true} : memref<256xi32, #tpu.memory_space<vmem>>[vector<16xi32>], vector<16xi32>,
      %scan3A_191 = arith.constant 0 : i32
      scf.yield %scan3A_191 : i32
    }
    %scan3A_21 = arith.constant 80 : i32
    "tpu.region"() ({
      %run_scoped3A = tpu.sem_alloc : memref<!tpu.dma_semaphore, #tpu.memory_space<semaphore_mem>>
      %dma_start3A_182 = arith.constant 0 : i32
      %dma_start3A_183 = tpu.memref_slice %arg16[%arg1, %dma_start3A_182] : memref<16x256xi32, #tpu.memory_space<vmem_shared>> -> memref<1x256xi32, #tpu.memory_space<vmem_shared>>
      %dma_start3A_184 = tpu.memref_squeeze %dma_start3A_183 : memref<1x256xi32, #tpu.memory_space<vmem_shared>> -> memref<256xi32, #tpu.memory_space<vmem_shared>>
      %dma_start3A_185 = arith.constant 0 : i32
      %dma_start3A_186 = tpu.memref_slice %arg16[%arg1, %dma_start3A_185] : memref<16x256xi32, #tpu.memory_space<vmem_shared>> -> memref<1x256xi32, #tpu.memory_space<vmem_shared>>
      %dma_start3A_187 = tpu.memref_squeeze %dma_start3A_186 : memref<1x256xi32, #tpu.memory_space<vmem_shared>> -> memref<256xi32, #tpu.memory_space<vmem_shared>>
      tpu.enqueue_dma source(%arg7 : memref<256xi32, #tpu.memory_space<vmem>>) target(%dma_start3A_187 : memref<256xi32, #tpu.memory_space<vmem_shared>>) target_semaphore(%run_scoped3A : memref<!tpu.dma_semaphore, #tpu.memory_space<semaphore_mem>>)
      %dma_wait3A_188 = arith.constant 0 : i32
      %dma_wait3A_189 = tpu.memref_slice %arg16[%arg1, %dma_wait3A_188] : memref<16x256xi32, #tpu.memory_space<vmem_shared>> -> memref<1x256xi32, #tpu.memory_space<vmem_shared>>
      %dma_wait3A_190 = tpu.memref_squeeze %dma_wait3A_189 : memref<1x256xi32, #tpu.memory_space<vmem_shared>> -> memref<256xi32, #tpu.memory_space<vmem_shared>>
      %dma_wait3A_191 = arith.constant 0 : i32
      %dma_wait3A_192 = tpu.memref_slice %arg16[%arg1, %dma_wait3A_191] : memref<16x256xi32, #tpu.memory_space<vmem_shared>> -> memref<1x256xi32, #tpu.memory_space<vmem_shared>>
      %dma_wait3A_193 = tpu.memref_squeeze %dma_wait3A_192 : memref<1x256xi32, #tpu.memory_space<vmem_shared>> -> memref<256xi32, #tpu.memory_space<vmem_shared>>
      tpu.wait_dma2 semaphore(%run_scoped3A : memref<!tpu.dma_semaphore, #tpu.memory_space<semaphore_mem>>) src(%arg7 : memref<256xi32, #tpu.memory_space<vmem>>) dst(%dma_wait3A_193 : memref<256xi32, #tpu.memory_space<vmem_shared>>)
      tpu.yield
    }) : () -> ()
    %barrier3A = arith.constant 0 : index
    tpu.barrier barrier_id(%barrier3A)
    "tpu.region"() ({
      %run_scoped3A = tpu.sem_alloc : memref<!tpu.dma_semaphore, #tpu.memory_space<semaphore_mem>>
      tpu.enqueue_dma source(%arg16 : memref<16x256xi32, #tpu.memory_space<vmem_shared>>) target(%arg8 : memref<16x256xi32, #tpu.memory_space<vmem>>) target_semaphore(%run_scoped3A : memref<!tpu.dma_semaphore, #tpu.memory_space<semaphore_mem>>)
      tpu.wait_dma2 semaphore(%run_scoped3A : memref<!tpu.dma_semaphore, #tpu.memory_space<semaphore_mem>>) src(%arg16 : memref<16x256xi32, #tpu.memory_space<vmem_shared>>) dst(%arg8 : memref<16x256xi32, #tpu.memory_space<vmem>>)
      tpu.yield
    }) : () -> ()
    %scan3A_22 = arith.constant 0 : i32
    %scan3A_23 = arith.constant 0 : i32
    %scan3A_24 = arith.constant 16 : i32
    %scan3A_25 = arith.addi %scan3A_23, %scan3A_24 : i32
    %scan3A_26 = arith.constant 1 : i32
    %scan3A_27 = scf.for %scan3A_182 = %scan3A_23 to %scan3A_25 step %scan3A_26 iter_args(%scan3A_183 = %scan3A_22) -> (i32)  : i32 {
      %broadcast_in_dim3A_184 = arith.constant 0 : i32
      %broadcast_in_dim3A_185 = vector.broadcast %broadcast_in_dim3A_184 : i32 to vector<16xi32>
      %mul3A_186 = arith.constant 16 : i32
      %mul3A_187 = arith.muli %scan3A_182, %mul3A_186 : i32
      %get3A = arith.constant 0 : i32
      %get3A_188 = arith.index_cast %get3A : i32 to index
      %get3A_189 = arith.index_cast %mul3A_187 : i32 to index
      %get3A_190 = tpu.vector_load %arg8[%get3A_188, %get3A_189] {strides = array<i32>} : memref<16x256xi32, #tpu.memory_space<vmem>>, vector<16xi32>,
      %add3A = arith.addi %broadcast_in_dim3A_185, %get3A_190 : vector<16xi32>
      %mul3A_191 = arith.constant 16 : i32
      %mul3A_192 = arith.muli %scan3A_182, %mul3A_191 : i32
      %get3A_193 = arith.constant 1 : i32
      %get3A_194 = arith.index_cast %get3A_193 : i32 to index
      %get3A_195 = arith.index_cast %mul3A_192 : i32 to index
      %get3A_196 = tpu.vector_load %arg8[%get3A_194, %get3A_195] {strides = array<i32>} : memref<16x256xi32, #tpu.memory_space<vmem>>, vector<16xi32>,
      %add3A_197 = arith.addi %add3A, %get3A_196 : vector<16xi32>
      %mul3A_198 = arith.constant 16 : i32
      %mul3A_199 = arith.muli %scan3A_182, %mul3A_198 : i32
      %get3A_200 = arith.constant 2 : i32
      %get3A_201 = arith.index_cast %get3A_200 : i32 to index
      %get3A_202 = arith.index_cast %mul3A_199 : i32 to index
      %get3A_203 = tpu.vector_load %arg8[%get3A_201, %get3A_202] {strides = array<i32>} : memref<16x256xi32, #tpu.memory_space<vmem>>, vector<16xi32>,
      %add3A_204 = arith.addi %add3A_197, %get3A_203 : vector<16xi32>
      %mul3A_205 = arith.constant 16 : i32
      %mul3A_206 = arith.muli %scan3A_182, %mul3A_205 : i32
      %get3A_207 = arith.constant 3 : i32
      %get3A_208 = arith.index_cast %get3A_207 : i32 to index
      %get3A_209 = arith.index_cast %mul3A_206 : i32 to index
      %get3A_210 = tpu.vector_load %arg8[%get3A_208, %get3A_209] {strides = array<i32>} : memref<16x256xi32, #tpu.memory_space<vmem>>, vector<16xi32>,
      %add3A_211 = arith.addi %add3A_204, %get3A_210 : vector<16xi32>
      %mul3A_212 = arith.constant 16 : i32
      %mul3A_213 = arith.muli %scan3A_182, %mul3A_212 : i32
      %get3A_214 = arith.constant 4 : i32
      %get3A_215 = arith.index_cast %get3A_214 : i32 to index
      %get3A_216 = arith.index_cast %mul3A_213 : i32 to index
      %get3A_217 = tpu.vector_load %arg8[%get3A_215, %get3A_216] {strides = array<i32>} : memref<16x256xi32, #tpu.memory_space<vmem>>, vector<16xi32>,
      %add3A_218 = arith.addi %add3A_211, %get3A_217 : vector<16xi32>
      %mul3A_219 = arith.constant 16 : i32
      %mul3A_220 = arith.muli %scan3A_182, %mul3A_219 : i32
      %get3A_221 = arith.constant 5 : i32
      %get3A_222 = arith.index_cast %get3A_221 : i32 to index
      %get3A_223 = arith.index_cast %mul3A_220 : i32 to index
      %get3A_224 = tpu.vector_load %arg8[%get3A_222, %get3A_223] {strides = array<i32>} : memref<16x256xi32, #tpu.memory_space<vmem>>, vector<16xi32>,
      %add3A_225 = arith.addi %add3A_218, %get3A_224 : vector<16xi32>
      %mul3A_226 = arith.constant 16 : i32
      %mul3A_227 = arith.muli %scan3A_182, %mul3A_226 : i32
      %get3A_228 = arith.constant 6 : i32
      %get3A_229 = arith.index_cast %get3A_228 : i32 to index
      %get3A_230 = arith.index_cast %mul3A_227 : i32 to index
      %get3A_231 = tpu.vector_load %arg8[%get3A_229, %get3A_230] {strides = array<i32>} : memref<16x256xi32, #tpu.memory_space<vmem>>, vector<16xi32>,
      %add3A_232 = arith.addi %add3A_225, %get3A_231 : vector<16xi32>
      %mul3A_233 = arith.constant 16 : i32
      %mul3A_234 = arith.muli %scan3A_182, %mul3A_233 : i32
      %get3A_235 = arith.constant 7 : i32
      %get3A_236 = arith.index_cast %get3A_235 : i32 to index
      %get3A_237 = arith.index_cast %mul3A_234 : i32 to index
      %get3A_238 = tpu.vector_load %arg8[%get3A_236, %get3A_237] {strides = array<i32>} : memref<16x256xi32, #tpu.memory_space<vmem>>, vector<16xi32>,
      %add3A_239 = arith.addi %add3A_232, %get3A_238 : vector<16xi32>
      %mul3A_240 = arith.constant 16 : i32
      %mul3A_241 = arith.muli %scan3A_182, %mul3A_240 : i32
      %get3A_242 = arith.constant 8 : i32
      %get3A_243 = arith.index_cast %get3A_242 : i32 to index
      %get3A_244 = arith.index_cast %mul3A_241 : i32 to index
      %get3A_245 = tpu.vector_load %arg8[%get3A_243, %get3A_244] {strides = array<i32>} : memref<16x256xi32, #tpu.memory_space<vmem>>, vector<16xi32>,
      %add3A_246 = arith.addi %add3A_239, %get3A_245 : vector<16xi32>
      %mul3A_247 = arith.constant 16 : i32
      %mul3A_248 = arith.muli %scan3A_182, %mul3A_247 : i32
      %get3A_249 = arith.constant 9 : i32
      %get3A_250 = arith.index_cast %get3A_249 : i32 to index
      %get3A_251 = arith.index_cast %mul3A_248 : i32 to index
      %get3A_252 = tpu.vector_load %arg8[%get3A_250, %get3A_251] {strides = array<i32>} : memref<16x256xi32, #tpu.memory_space<vmem>>, vector<16xi32>,
      %add3A_253 = arith.addi %add3A_246, %get3A_252 : vector<16xi32>
      %mul3A_254 = arith.constant 16 : i32
      %mul3A_255 = arith.muli %scan3A_182, %mul3A_254 : i32
      %get3A_256 = arith.constant 10 : i32
      %get3A_257 = arith.index_cast %get3A_256 : i32 to index
      %get3A_258 = arith.index_cast %mul3A_255 : i32 to index
      %get3A_259 = tpu.vector_load %arg8[%get3A_257, %get3A_258] {strides = array<i32>} : memref<16x256xi32, #tpu.memory_space<vmem>>, vector<16xi32>,
      %add3A_260 = arith.addi %add3A_253, %get3A_259 : vector<16xi32>
      %mul3A_261 = arith.constant 16 : i32
      %mul3A_262 = arith.muli %scan3A_182, %mul3A_261 : i32
      %get3A_263 = arith.constant 11 : i32
      %get3A_264 = arith.index_cast %get3A_263 : i32 to index
      %get3A_265 = arith.index_cast %mul3A_262 : i32 to index
      %get3A_266 = tpu.vector_load %arg8[%get3A_264, %get3A_265] {strides = array<i32>} : memref<16x256xi32, #tpu.memory_space<vmem>>, vector<16xi32>,
      %add3A_267 = arith.addi %add3A_260, %get3A_266 : vector<16xi32>
      %mul3A_268 = arith.constant 16 : i32
      %mul3A_269 = arith.muli %scan3A_182, %mul3A_268 : i32
      %get3A_270 = arith.constant 12 : i32
      %get3A_271 = arith.index_cast %get3A_270 : i32 to index
      %get3A_272 = arith.index_cast %mul3A_269 : i32 to index
      %get3A_273 = tpu.vector_load %arg8[%get3A_271, %get3A_272] {strides = array<i32>} : memref<16x256xi32, #tpu.memory_space<vmem>>, vector<16xi32>,
      %add3A_274 = arith.addi %add3A_267, %get3A_273 : vector<16xi32>
      %mul3A_275 = arith.constant 16 : i32
      %mul3A_276 = arith.muli %scan3A_182, %mul3A_275 : i32
      %get3A_277 = arith.constant 13 : i32
      %get3A_278 = arith.index_cast %get3A_277 : i32 to index
      %get3A_279 = arith.index_cast %mul3A_276 : i32 to index
      %get3A_280 = tpu.vector_load %arg8[%get3A_278, %get3A_279] {strides = array<i32>} : memref<16x256xi32, #tpu.memory_space<vmem>>, vector<16xi32>,
      %add3A_281 = arith.addi %add3A_274, %get3A_280 : vector<16xi32>
      %mul3A_282 = arith.constant 16 : i32
      %mul3A_283 = arith.muli %scan3A_182, %mul3A_282 : i32
      %get3A_284 = arith.constant 14 : i32
      %get3A_285 = arith.index_cast %get3A_284 : i32 to index
      %get3A_286 = arith.index_cast %mul3A_283 : i32 to index
      %get3A_287 = tpu.vector_load %arg8[%get3A_285, %get3A_286] {strides = array<i32>} : memref<16x256xi32, #tpu.memory_space<vmem>>, vector<16xi32>,
      %add3A_288 = arith.addi %add3A_281, %get3A_287 : vector<16xi32>
      %mul3A_289 = arith.constant 16 : i32
      %mul3A_290 = arith.muli %scan3A_182, %mul3A_289 : i32
      %get3A_291 = arith.constant 15 : i32
      %get3A_292 = arith.index_cast %get3A_291 : i32 to index
      %get3A_293 = arith.index_cast %mul3A_290 : i32 to index
      %get3A_294 = tpu.vector_load %arg8[%get3A_292, %get3A_293] {strides = array<i32>} : memref<16x256xi32, #tpu.memory_space<vmem>>, vector<16xi32>,
      %add3A_295 = arith.addi %add3A_288, %get3A_294 : vector<16xi32>
      %mul3A_296 = arith.constant 16 : i32
      %mul3A_297 = arith.muli %scan3A_182, %mul3A_296 : i32
      %swap3A_298 = arith.index_cast %mul3A_297 : i32 to index
      %swap3A_299 = tpu.vector_load %arg7[%swap3A_298] {strides = array<i32>} : memref<256xi32, #tpu.memory_space<vmem>>, vector<16xi32>,
      tpu.vector_store %arg7[%swap3A_298], %add3A_295 {strides = array<i32>} : memref<256xi32, #tpu.memory_space<vmem>>, vector<16xi32>,
      %scan3A_300 = arith.constant 0 : i32
      scf.yield %scan3A_300 : i32
    }
    %scan3A_28 = arith.constant 16 : i32
    %barrier3A_29 = arith.constant 0 : index
    tpu.barrier barrier_id(%barrier3A_29)
    %scan3A_30 = arith.constant 1000 : i32
    %scan3A_31 = arith.constant 0 : i32
    %scan3A_32 = arith.constant 0 : i32
    %scan3A_33 = arith.constant 0 : i32
    %scan3A_34 = arith.constant 0 : i32
    %scan3A_35 = arith.constant 16 : i32
    %scan3A_36 = arith.addi %scan3A_34, %scan3A_35 : i32
    %scan3A_37 = arith.constant 1 : i32
    %scan3A_38:3 = scf.for %scan3A_182 = %scan3A_34 to %scan3A_36 step %scan3A_37 iter_args(%scan3A_183 = %scan3A_31, %scan3A_184 = %scan3A_32, %scan3A_185 = %scan3A_33) -> (i32, i32, i32)  : i32 {
      %sub3A_186 = arith.constant 15 : i32
      %sub3A_187 = arith.subi %sub3A_186, %scan3A_182 : i32
      %mul3A_188 = arith.constant 16 : i32
      %mul3A_189 = arith.muli %sub3A_187, %mul3A_188 : i32
      %get3A = arith.index_cast %mul3A_189 : i32 to index
      %get3A_190 = tpu.vector_load %arg7[%get3A] {strides = array<i32>} : memref<256xi32, #tpu.memory_space<vmem>>, vector<16xi32>,
      %rev3A = arith.constant 15 : i32
      %rev3A_191 = vector.broadcast %rev3A : i32 to vector<16xi32>
      %rev3A_192 = tpu.iota {dimensions = array<i32: 0>} : vector<16xi32>
      %rev3A_193 = arith.subi %rev3A_191, %rev3A_192 : vector<16xi32>
      %rev3A_194 = tpu.dynamic_gather %get3A_190[%rev3A_193] in [0] : vector<16xi32>, vector<16xi32> -> vector<16xi32>
      %cumsum3A = arith.constant true
      %cumsum3A_195 = vector.broadcast %cumsum3A : i1 to vector<16xi1>
      %cumsum3A_196 = tpu.scan <sum>, %rev3A_194 masked %cumsum3A_195 : vector<16xi32>, vector<16xi1> -> vector<16xi32>
      %add3A = vector.broadcast %scan3A_185 : i32 to vector<16xi32>
      %add3A_197 = arith.addi %cumsum3A_196, %add3A : vector<16xi32>
      %ge3A = vector.broadcast %scan3A_30 : i32 to vector<16xi32>
      %ge3A_198 = arith.cmpi sge, %add3A_197, %ge3A : vector<16xi32>
      %convert_element_type3A_199 = arith.extui %ge3A_198 : vector<16xi1> to vector<16xi32>
      %reduce_sum3A = arith.constant true
      %reduce_sum3A_200 = vector.broadcast %reduce_sum3A : i1 to vector<16xi1>
      %reduce_sum3A_201 = tpu.scan <sum>, %convert_element_type3A_199 masked %reduce_sum3A_200 : vector<16xi32>, vector<16xi1> -> vector<16xi32>
      %reduce_sum3A_202 = vector.extract %reduce_sum3A_201[15] : i32 from vector<16xi32>
      %jit3A_203 = arith.constant 16 : i32
      %broadcast_in_dim3A_204 = vector.broadcast %jit3A_203 : i32 to vector<16xi32>
      %select_n3A_205 = arith.select %ge3A_198, %iota3A, %broadcast_in_dim3A_204 : vector<16xi1>, vector<16xi32>
      %reduce_min3A = arith.constant true
      %reduce_min3A_206 = vector.broadcast %reduce_min3A : i1 to vector<16xi1>
      %reduce_min3A_207 = arith.constant -2147483648 : i32
      %reduce_min3A_208 = vector.broadcast %reduce_min3A_207 : i32 to vector<16xi32>
      %reduce_min3A_209 = arith.xori %select_n3A_205, %reduce_min3A_208 : vector<16xi32>
      %reduce_min3A_210 = tpu.scan <min>, %reduce_min3A_209 masked %reduce_min3A_206 : vector<16xi32>, vector<16xi1> -> vector<16xi32>
      %reduce_min3A_211 = arith.xori %reduce_min3A_210, %reduce_min3A_208 : vector<16xi32>
      %reduce_min3A_212 = vector.extract %reduce_min3A_211[15] : i32 from vector<16xi32>
      %sub3A_213 = arith.subi %add3A_197, %rev3A_194 : vector<16xi32>
      %eq3A_214 = vector.broadcast %reduce_min3A_212 : i32 to vector<16xi32>
      %eq3A_215 = arith.cmpi eq, %iota3A, %eq3A_214 : vector<16xi32>
      %jit3A_216 = arith.constant 0 : i32
      %broadcast_in_dim3A_217 = vector.broadcast %jit3A_216 : i32 to vector<16xi32>
      %select_n3A_218 = arith.select %eq3A_215, %sub3A_213, %broadcast_in_dim3A_217 : vector<16xi1>, vector<16xi32>
      %reduce_sum3A_219 = arith.constant true
      %reduce_sum3A_220 = vector.broadcast %reduce_sum3A_219 : i1 to vector<16xi1>
      %reduce_sum3A_221 = tpu.scan <sum>, %select_n3A_218 masked %reduce_sum3A_220 : vector<16xi32>, vector<16xi1> -> vector<16xi32>
      %reduce_sum3A_222 = vector.extract %reduce_sum3A_221[15] : i32 from vector<16xi32>
      %mul3A_223 = arith.constant 16 : i32
      %mul3A_224 = arith.muli %sub3A_187, %mul3A_223 : i32
      %add3A_225 = arith.constant 15 : i32
      %add3A_226 = arith.addi %mul3A_224, %add3A_225 : i32
      %sub3A_227 = arith.subi %add3A_226, %reduce_min3A_212 : i32
      %gt3A = arith.constant 0 : i32
      %gt3A_228 = arith.cmpi sgt, %reduce_sum3A_202, %gt3A : i32
      %eq3A_229 = arith.constant 0 : i32
      %eq3A_230 = arith.cmpi eq, %scan3A_183, %eq3A_229 : i32
      %and3A = arith.andi %gt3A_228, %eq3A_230 : i1
      %jit3A_231 = arith.constant 1 : i32
      %select_n3A_232 = arith.select %and3A, %jit3A_231, %scan3A_183 : i32
      %select_n3A_233 = arith.select %and3A, %sub3A_227, %scan3A_184 : i32
      %eq3A_234 = arith.constant 0 : i32
      %eq3A_235 = arith.cmpi eq, %scan3A_183, %eq3A_234 : i32
      %reduce_sum3A_236 = arith.constant true
      %reduce_sum3A_237 = vector.broadcast %reduce_sum3A_236 : i1 to vector<16xi1>
      %reduce_sum3A_238 = tpu.scan <sum>, %get3A_190 masked %reduce_sum3A_237 : vector<16xi32>, vector<16xi1> -> vector<16xi32>
      %reduce_sum3A_239 = vector.extract %reduce_sum3A_238[15] : i32 from vector<16xi32>
      %add3A_240 = arith.addi %scan3A_185, %reduce_sum3A_239 : i32
      %select_n3A_241 = arith.select %eq3A_235, %add3A_240, %scan3A_185 : i32
      %select_n3A_242 = arith.select %and3A, %reduce_sum3A_222, %select_n3A_241 : i32
      scf.yield %select_n3A_232, %select_n3A_233, %select_n3A_242 : i32, i32, i32
    }
    %scan3A_39 = arith.constant 16 : i32
    %sub3A = arith.constant 1000 : i32
    %sub3A_40 = arith.subi %sub3A, %scan3A_38#2 : i32
    %shift_left3A = arith.constant 24 : i32
    %shift_left3A_41 = arith.shli %scan3A_38#1, %shift_left3A : i32
    %or3A = arith.constant 0 : i32
    %or3A_42 = arith.ori %or3A, %shift_left3A_41 : i32
    %scan3A_43 = arith.constant 0 : i32
    %scan3A_44 = arith.constant 0 : i32
    %scan3A_45 = arith.constant 16 : i32
    %scan3A_46 = arith.addi %scan3A_44, %scan3A_45 : i32
    %scan3A_47 = arith.constant 1 : i32
    %scan3A_48 = scf.for %scan3A_182 = %scan3A_44 to %scan3A_46 step %scan3A_47 iter_args(%scan3A_183 = %scan3A_43) -> (i32)  : i32 {
      %broadcast_in_dim3A_184 = arith.constant 0 : i32
      %broadcast_in_dim3A_185 = vector.broadcast %broadcast_in_dim3A_184 : i32 to vector<16xi32>
      %mul3A_186 = arith.constant 16 : i32
      %mul3A_187 = arith.muli %scan3A_182, %mul3A_186 : i32
      %swap3A_188 = arith.index_cast %mul3A_187 : i32 to index
      %swap3A_189 = tpu.vector_load %arg7[%swap3A_188] {strides = array<i32>} : memref<256xi32, #tpu.memory_space<vmem>>, vector<16xi32>,
      tpu.vector_store %arg7[%swap3A_188], %broadcast_in_dim3A_185 {strides = array<i32>} : memref<256xi32, #tpu.memory_space<vmem>>, vector<16xi32>,
      %scan3A_190 = arith.constant 0 : i32
      scf.yield %scan3A_190 : i32
    }
    %scan3A_49 = arith.constant 16 : i32
    %scan3A_50 = arith.constant 0 : i32
    %scan3A_51 = arith.constant 0 : i32
    %scan3A_52 = arith.constant 80 : i32
    %scan3A_53 = arith.addi %scan3A_51, %scan3A_52 : i32
    %scan3A_54 = arith.constant 1 : i32
    %scan3A_55 = scf.for %scan3A_182 = %scan3A_51 to %scan3A_53 step %scan3A_54 iter_args(%scan3A_183 = %scan3A_50) -> (i32)  : i32 {
      %mul3A_184 = arith.constant 16 : i32
      %mul3A_185 = arith.muli %scan3A_182, %mul3A_184 : i32
      %get3A = arith.index_cast %mul3A_185 : i32 to index
      %get3A_186 = tpu.vector_load %arg6[%get3A] {strides = array<i32>} : memref<1280xi32, #tpu.memory_space<vmem>>, vector<16xi32>,
      %shift_right_logical3A = arith.constant 16 : i32
      %shift_right_logical3A_187 = vector.broadcast %shift_right_logical3A : i32 to vector<16xi32>
      %shift_right_logical3A_188 = arith.shrui %get3A_186, %shift_right_logical3A_187 : vector<16xi32>
      %and3A = arith.constant 255 : i32
      %and3A_189 = vector.broadcast %and3A : i32 to vector<16xi32>
      %and3A_190 = arith.andi %shift_right_logical3A_188, %and3A_189 : vector<16xi32>
      %shift_right_logical3A_191 = arith.constant 24 : i32
      %shift_right_logical3A_192 = vector.broadcast %shift_right_logical3A_191 : i32 to vector<16xi32>
      %shift_right_logical3A_193 = arith.shrui %get3A_186, %shift_right_logical3A_192 : vector<16xi32>
      %shift_right_logical3A_194 = arith.constant 24 : i32
      %shift_right_logical3A_195 = arith.shrui %or3A_42, %shift_right_logical3A_194 : i32
      %eq3A_196 = vector.broadcast %shift_right_logical3A_195 : i32 to vector<16xi32>
      %eq3A_197 = arith.cmpi eq, %shift_right_logical3A_193, %eq3A_196 : vector<16xi32>
      tpu.vector_store_idx %arg7[%and3A_190], %broadcast_in_dim3A_1 masked %eq3A_197 {add = true} : memref<256xi32, #tpu.memory_space<vmem>>[vector<16xi32>], vector<16xi32>, vector<16xi1>
      %scan3A_198 = arith.constant 0 : i32
      scf.yield %scan3A_198 : i32
    }
    %scan3A_56 = arith.constant 80 : i32
    "tpu.region"() ({
      %run_scoped3A = tpu.sem_alloc : memref<!tpu.dma_semaphore, #tpu.memory_space<semaphore_mem>>
      %dma_start3A_182 = arith.constant 0 : i32
      %dma_start3A_183 = tpu.memref_slice %arg16[%arg1, %dma_start3A_182] : memref<16x256xi32, #tpu.memory_space<vmem_shared>> -> memref<1x256xi32, #tpu.memory_space<vmem_shared>>
      %dma_start3A_184 = tpu.memref_squeeze %dma_start3A_183 : memref<1x256xi32, #tpu.memory_space<vmem_shared>> -> memref<256xi32, #tpu.memory_space<vmem_shared>>
      %dma_start3A_185 = arith.constant 0 : i32
      %dma_start3A_186 = tpu.memref_slice %arg16[%arg1, %dma_start3A_185] : memref<16x256xi32, #tpu.memory_space<vmem_shared>> -> memref<1x256xi32, #tpu.memory_space<vmem_shared>>
      %dma_start3A_187 = tpu.memref_squeeze %dma_start3A_186 : memref<1x256xi32, #tpu.memory_space<vmem_shared>> -> memref<256xi32, #tpu.memory_space<vmem_shared>>
      tpu.enqueue_dma source(%arg7 : memref<256xi32, #tpu.memory_space<vmem>>) target(%dma_start3A_187 : memref<256xi32, #tpu.memory_space<vmem_shared>>) target_semaphore(%run_scoped3A : memref<!tpu.dma_semaphore, #tpu.memory_space<semaphore_mem>>)
      %dma_wait3A_188 = arith.constant 0 : i32
      %dma_wait3A_189 = tpu.memref_slice %arg16[%arg1, %dma_wait3A_188] : memref<16x256xi32, #tpu.memory_space<vmem_shared>> -> memref<1x256xi32, #tpu.memory_space<vmem_shared>>
      %dma_wait3A_190 = tpu.memref_squeeze %dma_wait3A_189 : memref<1x256xi32, #tpu.memory_space<vmem_shared>> -> memref<256xi32, #tpu.memory_space<vmem_shared>>
      %dma_wait3A_191 = arith.constant 0 : i32
      %dma_wait3A_192 = tpu.memref_slice %arg16[%arg1, %dma_wait3A_191] : memref<16x256xi32, #tpu.memory_space<vmem_shared>> -> memref<1x256xi32, #tpu.memory_space<vmem_shared>>
      %dma_wait3A_193 = tpu.memref_squeeze %dma_wait3A_192 : memref<1x256xi32, #tpu.memory_space<vmem_shared>> -> memref<256xi32, #tpu.memory_space<vmem_shared>>
      tpu.wait_dma2 semaphore(%run_scoped3A : memref<!tpu.dma_semaphore, #tpu.memory_space<semaphore_mem>>) src(%arg7 : memref<256xi32, #tpu.memory_space<vmem>>) dst(%dma_wait3A_193 : memref<256xi32, #tpu.memory_space<vmem_shared>>)
      tpu.yield
    }) : () -> ()
    %barrier3A_57 = arith.constant 0 : index
    tpu.barrier barrier_id(%barrier3A_57)
    "tpu.region"() ({
      %run_scoped3A = tpu.sem_alloc : memref<!tpu.dma_semaphore, #tpu.memory_space<semaphore_mem>>
      tpu.enqueue_dma source(%arg16 : memref<16x256xi32, #tpu.memory_space<vmem_shared>>) target(%arg8 : memref<16x256xi32, #tpu.memory_space<vmem>>) target_semaphore(%run_scoped3A : memref<!tpu.dma_semaphore, #tpu.memory_space<semaphore_mem>>)
      tpu.wait_dma2 semaphore(%run_scoped3A : memref<!tpu.dma_semaphore, #tpu.memory_space<semaphore_mem>>) src(%arg16 : memref<16x256xi32, #tpu.memory_space<vmem_shared>>) dst(%arg8 : memref<16x256xi32, #tpu.memory_space<vmem>>)
      tpu.yield
    }) : () -> ()
    %scan3A_58 = arith.constant 0 : i32
    %scan3A_59 = arith.constant 0 : i32
    %scan3A_60 = arith.constant 16 : i32
    %scan3A_61 = arith.addi %scan3A_59, %scan3A_60 : i32
    %scan3A_62 = arith.constant 1 : i32
    %scan3A_63 = scf.for %scan3A_182 = %scan3A_59 to %scan3A_61 step %scan3A_62 iter_args(%scan3A_183 = %scan3A_58) -> (i32)  : i32 {
      %broadcast_in_dim3A_184 = arith.constant 0 : i32
      %broadcast_in_dim3A_185 = vector.broadcast %broadcast_in_dim3A_184 : i32 to vector<16xi32>
      %mul3A_186 = arith.constant 16 : i32
      %mul3A_187 = arith.muli %scan3A_182, %mul3A_186 : i32
      %get3A = arith.constant 0 : i32
      %get3A_188 = arith.index_cast %get3A : i32 to index
      %get3A_189 = arith.index_cast %mul3A_187 : i32 to index
      %get3A_190 = tpu.vector_load %arg8[%get3A_188, %get3A_189] {strides = array<i32>} : memref<16x256xi32, #tpu.memory_space<vmem>>, vector<16xi32>,
      %add3A = arith.addi %broadcast_in_dim3A_185, %get3A_190 : vector<16xi32>
      %mul3A_191 = arith.constant 16 : i32
      %mul3A_192 = arith.muli %scan3A_182, %mul3A_191 : i32
      %get3A_193 = arith.constant 1 : i32
      %get3A_194 = arith.index_cast %get3A_193 : i32 to index
      %get3A_195 = arith.index_cast %mul3A_192 : i32 to index
      %get3A_196 = tpu.vector_load %arg8[%get3A_194, %get3A_195] {strides = array<i32>} : memref<16x256xi32, #tpu.memory_space<vmem>>, vector<16xi32>,
      %add3A_197 = arith.addi %add3A, %get3A_196 : vector<16xi32>
      %mul3A_198 = arith.constant 16 : i32
      %mul3A_199 = arith.muli %scan3A_182, %mul3A_198 : i32
      %get3A_200 = arith.constant 2 : i32
      %get3A_201 = arith.index_cast %get3A_200 : i32 to index
      %get3A_202 = arith.index_cast %mul3A_199 : i32 to index
      %get3A_203 = tpu.vector_load %arg8[%get3A_201, %get3A_202] {strides = array<i32>} : memref<16x256xi32, #tpu.memory_space<vmem>>, vector<16xi32>,
      %add3A_204 = arith.addi %add3A_197, %get3A_203 : vector<16xi32>
      %mul3A_205 = arith.constant 16 : i32
      %mul3A_206 = arith.muli %scan3A_182, %mul3A_205 : i32
      %get3A_207 = arith.constant 3 : i32
      %get3A_208 = arith.index_cast %get3A_207 : i32 to index
      %get3A_209 = arith.index_cast %mul3A_206 : i32 to index
      %get3A_210 = tpu.vector_load %arg8[%get3A_208, %get3A_209] {strides = array<i32>} : memref<16x256xi32, #tpu.memory_space<vmem>>, vector<16xi32>,
      %add3A_211 = arith.addi %add3A_204, %get3A_210 : vector<16xi32>
      %mul3A_212 = arith.constant 16 : i32
      %mul3A_213 = arith.muli %scan3A_182, %mul3A_212 : i32
      %get3A_214 = arith.constant 4 : i32
      %get3A_215 = arith.index_cast %get3A_214 : i32 to index
      %get3A_216 = arith.index_cast %mul3A_213 : i32 to index
      %get3A_217 = tpu.vector_load %arg8[%get3A_215, %get3A_216] {strides = array<i32>} : memref<16x256xi32, #tpu.memory_space<vmem>>, vector<16xi32>,
      %add3A_218 = arith.addi %add3A_211, %get3A_217 : vector<16xi32>
      %mul3A_219 = arith.constant 16 : i32
      %mul3A_220 = arith.muli %scan3A_182, %mul3A_219 : i32
      %get3A_221 = arith.constant 5 : i32
      %get3A_222 = arith.index_cast %get3A_221 : i32 to index
      %get3A_223 = arith.index_cast %mul3A_220 : i32 to index
      %get3A_224 = tpu.vector_load %arg8[%get3A_222, %get3A_223] {strides = array<i32>} : memref<16x256xi32, #tpu.memory_space<vmem>>, vector<16xi32>,
      %add3A_225 = arith.addi %add3A_218, %get3A_224 : vector<16xi32>
      %mul3A_226 = arith.constant 16 : i32
      %mul3A_227 = arith.muli %scan3A_182, %mul3A_226 : i32
      %get3A_228 = arith.constant 6 : i32
      %get3A_229 = arith.index_cast %get3A_228 : i32 to index
      %get3A_230 = arith.index_cast %mul3A_227 : i32 to index
      %get3A_231 = tpu.vector_load %arg8[%get3A_229, %get3A_230] {strides = array<i32>} : memref<16x256xi32, #tpu.memory_space<vmem>>, vector<16xi32>,
      %add3A_232 = arith.addi %add3A_225, %get3A_231 : vector<16xi32>
      %mul3A_233 = arith.constant 16 : i32
      %mul3A_234 = arith.muli %scan3A_182, %mul3A_233 : i32
      %get3A_235 = arith.constant 7 : i32
      %get3A_236 = arith.index_cast %get3A_235 : i32 to index
      %get3A_237 = arith.index_cast %mul3A_234 : i32 to index
      %get3A_238 = tpu.vector_load %arg8[%get3A_236, %get3A_237] {strides = array<i32>} : memref<16x256xi32, #tpu.memory_space<vmem>>, vector<16xi32>,
      %add3A_239 = arith.addi %add3A_232, %get3A_238 : vector<16xi32>
      %mul3A_240 = arith.constant 16 : i32
      %mul3A_241 = arith.muli %scan3A_182, %mul3A_240 : i32
      %get3A_242 = arith.constant 8 : i32
      %get3A_243 = arith.index_cast %get3A_242 : i32 to index
      %get3A_244 = arith.index_cast %mul3A_241 : i32 to index
      %get3A_245 = tpu.vector_load %arg8[%get3A_243, %get3A_244] {strides = array<i32>} : memref<16x256xi32, #tpu.memory_space<vmem>>, vector<16xi32>,
      %add3A_246 = arith.addi %add3A_239, %get3A_245 : vector<16xi32>
      %mul3A_247 = arith.constant 16 : i32
      %mul3A_248 = arith.muli %scan3A_182, %mul3A_247 : i32
      %get3A_249 = arith.constant 9 : i32
      %get3A_250 = arith.index_cast %get3A_249 : i32 to index
      %get3A_251 = arith.index_cast %mul3A_248 : i32 to index
      %get3A_252 = tpu.vector_load %arg8[%get3A_250, %get3A_251] {strides = array<i32>} : memref<16x256xi32, #tpu.memory_space<vmem>>, vector<16xi32>,
      %add3A_253 = arith.addi %add3A_246, %get3A_252 : vector<16xi32>
      %mul3A_254 = arith.constant 16 : i32
      %mul3A_255 = arith.muli %scan3A_182, %mul3A_254 : i32
      %get3A_256 = arith.constant 10 : i32
      %get3A_257 = arith.index_cast %get3A_256 : i32 to index
      %get3A_258 = arith.index_cast %mul3A_255 : i32 to index
      %get3A_259 = tpu.vector_load %arg8[%get3A_257, %get3A_258] {strides = array<i32>} : memref<16x256xi32, #tpu.memory_space<vmem>>, vector<16xi32>,
      %add3A_260 = arith.addi %add3A_253, %get3A_259 : vector<16xi32>
      %mul3A_261 = arith.constant 16 : i32
      %mul3A_262 = arith.muli %scan3A_182, %mul3A_261 : i32
      %get3A_263 = arith.constant 11 : i32
      %get3A_264 = arith.index_cast %get3A_263 : i32 to index
      %get3A_265 = arith.index_cast %mul3A_262 : i32 to index
      %get3A_266 = tpu.vector_load %arg8[%get3A_264, %get3A_265] {strides = array<i32>} : memref<16x256xi32, #tpu.memory_space<vmem>>, vector<16xi32>,
      %add3A_267 = arith.addi %add3A_260, %get3A_266 : vector<16xi32>
      %mul3A_268 = arith.constant 16 : i32
      %mul3A_269 = arith.muli %scan3A_182, %mul3A_268 : i32
      %get3A_270 = arith.constant 12 : i32
      %get3A_271 = arith.index_cast %get3A_270 : i32 to index
      %get3A_272 = arith.index_cast %mul3A_269 : i32 to index
      %get3A_273 = tpu.vector_load %arg8[%get3A_271, %get3A_272] {strides = array<i32>} : memref<16x256xi32, #tpu.memory_space<vmem>>, vector<16xi32>,
      %add3A_274 = arith.addi %add3A_267, %get3A_273 : vector<16xi32>
      %mul3A_275 = arith.constant 16 : i32
      %mul3A_276 = arith.muli %scan3A_182, %mul3A_275 : i32
      %get3A_277 = arith.constant 13 : i32
      %get3A_278 = arith.index_cast %get3A_277 : i32 to index
      %get3A_279 = arith.index_cast %mul3A_276 : i32 to index
      %get3A_280 = tpu.vector_load %arg8[%get3A_278, %get3A_279] {strides = array<i32>} : memref<16x256xi32, #tpu.memory_space<vmem>>, vector<16xi32>,
      %add3A_281 = arith.addi %add3A_274, %get3A_280 : vector<16xi32>
      %mul3A_282 = arith.constant 16 : i32
      %mul3A_283 = arith.muli %scan3A_182, %mul3A_282 : i32
      %get3A_284 = arith.constant 14 : i32
      %get3A_285 = arith.index_cast %get3A_284 : i32 to index
      %get3A_286 = arith.index_cast %mul3A_283 : i32 to index
      %get3A_287 = tpu.vector_load %arg8[%get3A_285, %get3A_286] {strides = array<i32>} : memref<16x256xi32, #tpu.memory_space<vmem>>, vector<16xi32>,
      %add3A_288 = arith.addi %add3A_281, %get3A_287 : vector<16xi32>
      %mul3A_289 = arith.constant 16 : i32
      %mul3A_290 = arith.muli %scan3A_182, %mul3A_289 : i32
      %get3A_291 = arith.constant 15 : i32
      %get3A_292 = arith.index_cast %get3A_291 : i32 to index
      %get3A_293 = arith.index_cast %mul3A_290 : i32 to index
      %get3A_294 = tpu.vector_load %arg8[%get3A_292, %get3A_293] {strides = array<i32>} : memref<16x256xi32, #tpu.memory_space<vmem>>, vector<16xi32>,
      %add3A_295 = arith.addi %add3A_288, %get3A_294 : vector<16xi32>
      %mul3A_296 = arith.constant 16 : i32
      %mul3A_297 = arith.muli %scan3A_182, %mul3A_296 : i32
      %swap3A_298 = arith.index_cast %mul3A_297 : i32 to index
      %swap3A_299 = tpu.vector_load %arg7[%swap3A_298] {strides = array<i32>} : memref<256xi32, #tpu.memory_space<vmem>>, vector<16xi32>,
      tpu.vector_store %arg7[%swap3A_298], %add3A_295 {strides = array<i32>} : memref<256xi32, #tpu.memory_space<vmem>>, vector<16xi32>,
      %scan3A_300 = arith.constant 0 : i32
      scf.yield %scan3A_300 : i32
    }
    %scan3A_64 = arith.constant 16 : i32
    %barrier3A_65 = arith.constant 0 : index
    tpu.barrier barrier_id(%barrier3A_65)
    %scan3A_66 = arith.constant 0 : i32
    %scan3A_67 = arith.constant 0 : i32
    %scan3A_68 = arith.constant 0 : i32
    %scan3A_69 = arith.constant 0 : i32
    %scan3A_70 = arith.constant 16 : i32
    %scan3A_71 = arith.addi %scan3A_69, %scan3A_70 : i32
    %scan3A_72 = arith.constant 1 : i32
    %scan3A_73:3 = scf.for %scan3A_182 = %scan3A_69 to %scan3A_71 step %scan3A_72 iter_args(%scan3A_183 = %scan3A_66, %scan3A_184 = %scan3A_67, %scan3A_185 = %scan3A_68) -> (i32, i32, i32)  : i32 {
      %sub3A_186 = arith.constant 15 : i32
      %sub3A_187 = arith.subi %sub3A_186, %scan3A_182 : i32
      %mul3A_188 = arith.constant 16 : i32
      %mul3A_189 = arith.muli %sub3A_187, %mul3A_188 : i32
      %get3A = arith.index_cast %mul3A_189 : i32 to index
      %get3A_190 = tpu.vector_load %arg7[%get3A] {strides = array<i32>} : memref<256xi32, #tpu.memory_space<vmem>>, vector<16xi32>,
      %rev3A = arith.constant 15 : i32
      %rev3A_191 = vector.broadcast %rev3A : i32 to vector<16xi32>
      %rev3A_192 = tpu.iota {dimensions = array<i32: 0>} : vector<16xi32>
      %rev3A_193 = arith.subi %rev3A_191, %rev3A_192 : vector<16xi32>
      %rev3A_194 = tpu.dynamic_gather %get3A_190[%rev3A_193] in [0] : vector<16xi32>, vector<16xi32> -> vector<16xi32>
      %cumsum3A = arith.constant true
      %cumsum3A_195 = vector.broadcast %cumsum3A : i1 to vector<16xi1>
      %cumsum3A_196 = tpu.scan <sum>, %rev3A_194 masked %cumsum3A_195 : vector<16xi32>, vector<16xi1> -> vector<16xi32>
      %add3A = vector.broadcast %scan3A_185 : i32 to vector<16xi32>
      %add3A_197 = arith.addi %cumsum3A_196, %add3A : vector<16xi32>
      %ge3A = vector.broadcast %sub3A_40 : i32 to vector<16xi32>
      %ge3A_198 = arith.cmpi sge, %add3A_197, %ge3A : vector<16xi32>
      %convert_element_type3A_199 = arith.extui %ge3A_198 : vector<16xi1> to vector<16xi32>
      %reduce_sum3A = arith.constant true
      %reduce_sum3A_200 = vector.broadcast %reduce_sum3A : i1 to vector<16xi1>
      %reduce_sum3A_201 = tpu.scan <sum>, %convert_element_type3A_199 masked %reduce_sum3A_200 : vector<16xi32>, vector<16xi1> -> vector<16xi32>
      %reduce_sum3A_202 = vector.extract %reduce_sum3A_201[15] : i32 from vector<16xi32>
      %jit3A_203 = arith.constant 16 : i32
      %broadcast_in_dim3A_204 = vector.broadcast %jit3A_203 : i32 to vector<16xi32>
      %select_n3A_205 = arith.select %ge3A_198, %iota3A, %broadcast_in_dim3A_204 : vector<16xi1>, vector<16xi32>
      %reduce_min3A = arith.constant true
      %reduce_min3A_206 = vector.broadcast %reduce_min3A : i1 to vector<16xi1>
      %reduce_min3A_207 = arith.constant -2147483648 : i32
      %reduce_min3A_208 = vector.broadcast %reduce_min3A_207 : i32 to vector<16xi32>
      %reduce_min3A_209 = arith.xori %select_n3A_205, %reduce_min3A_208 : vector<16xi32>
      %reduce_min3A_210 = tpu.scan <min>, %reduce_min3A_209 masked %reduce_min3A_206 : vector<16xi32>, vector<16xi1> -> vector<16xi32>
      %reduce_min3A_211 = arith.xori %reduce_min3A_210, %reduce_min3A_208 : vector<16xi32>
      %reduce_min3A_212 = vector.extract %reduce_min3A_211[15] : i32 from vector<16xi32>
      %sub3A_213 = arith.subi %add3A_197, %rev3A_194 : vector<16xi32>
      %eq3A_214 = vector.broadcast %reduce_min3A_212 : i32 to vector<16xi32>
      %eq3A_215 = arith.cmpi eq, %iota3A, %eq3A_214 : vector<16xi32>
      %jit3A_216 = arith.constant 0 : i32
      %broadcast_in_dim3A_217 = vector.broadcast %jit3A_216 : i32 to vector<16xi32>
      %select_n3A_218 = arith.select %eq3A_215, %sub3A_213, %broadcast_in_dim3A_217 : vector<16xi1>, vector<16xi32>
      %reduce_sum3A_219 = arith.constant true
      %reduce_sum3A_220 = vector.broadcast %reduce_sum3A_219 : i1 to vector<16xi1>
      %reduce_sum3A_221 = tpu.scan <sum>, %select_n3A_218 masked %reduce_sum3A_220 : vector<16xi32>, vector<16xi1> -> vector<16xi32>
      %reduce_sum3A_222 = vector.extract %reduce_sum3A_221[15] : i32 from vector<16xi32>
      %mul3A_223 = arith.constant 16 : i32
      %mul3A_224 = arith.muli %sub3A_187, %mul3A_223 : i32
      %add3A_225 = arith.constant 15 : i32
      %add3A_226 = arith.addi %mul3A_224, %add3A_225 : i32
      %sub3A_227 = arith.subi %add3A_226, %reduce_min3A_212 : i32
      %gt3A = arith.constant 0 : i32
      %gt3A_228 = arith.cmpi sgt, %reduce_sum3A_202, %gt3A : i32
      %eq3A_229 = arith.constant 0 : i32
      %eq3A_230 = arith.cmpi eq, %scan3A_183, %eq3A_229 : i32
      %and3A = arith.andi %gt3A_228, %eq3A_230 : i1
      %jit3A_231 = arith.constant 1 : i32
      %select_n3A_232 = arith.select %and3A, %jit3A_231, %scan3A_183 : i32
      %select_n3A_233 = arith.select %and3A, %sub3A_227, %scan3A_184 : i32
      %eq3A_234 = arith.constant 0 : i32
      %eq3A_235 = arith.cmpi eq, %scan3A_183, %eq3A_234 : i32
      %reduce_sum3A_236 = arith.constant true
      %reduce_sum3A_237 = vector.broadcast %reduce_sum3A_236 : i1 to vector<16xi1>
      %reduce_sum3A_238 = tpu.scan <sum>, %get3A_190 masked %reduce_sum3A_237 : vector<16xi32>, vector<16xi1> -> vector<16xi32>
      %reduce_sum3A_239 = vector.extract %reduce_sum3A_238[15] : i32 from vector<16xi32>
      %add3A_240 = arith.addi %scan3A_185, %reduce_sum3A_239 : i32
      %select_n3A_241 = arith.select %eq3A_235, %add3A_240, %scan3A_185 : i32
      %select_n3A_242 = arith.select %and3A, %reduce_sum3A_222, %select_n3A_241 : i32
      scf.yield %select_n3A_232, %select_n3A_233, %select_n3A_242 : i32, i32, i32
    }
    %scan3A_74 = arith.constant 16 : i32
    %sub3A_75 = arith.subi %sub3A_40, %scan3A_73#2 : i32
    %shift_left3A_76 = arith.constant 16 : i32
    %shift_left3A_77 = arith.shli %scan3A_73#1, %shift_left3A_76 : i32
    %or3A_78 = arith.ori %or3A_42, %shift_left3A_77 : i32
    %scan3A_79 = arith.constant 0 : i32
    %scan3A_80 = arith.constant 0 : i32
    %scan3A_81 = arith.constant 16 : i32
    %scan3A_82 = arith.addi %scan3A_80, %scan3A_81 : i32
    %scan3A_83 = arith.constant 1 : i32
    %scan3A_84 = scf.for %scan3A_182 = %scan3A_80 to %scan3A_82 step %scan3A_83 iter_args(%scan3A_183 = %scan3A_79) -> (i32)  : i32 {
      %broadcast_in_dim3A_184 = arith.constant 0 : i32
      %broadcast_in_dim3A_185 = vector.broadcast %broadcast_in_dim3A_184 : i32 to vector<16xi32>
      %mul3A_186 = arith.constant 16 : i32
      %mul3A_187 = arith.muli %scan3A_182, %mul3A_186 : i32
      %swap3A_188 = arith.index_cast %mul3A_187 : i32 to index
      %swap3A_189 = tpu.vector_load %arg7[%swap3A_188] {strides = array<i32>} : memref<256xi32, #tpu.memory_space<vmem>>, vector<16xi32>,
      tpu.vector_store %arg7[%swap3A_188], %broadcast_in_dim3A_185 {strides = array<i32>} : memref<256xi32, #tpu.memory_space<vmem>>, vector<16xi32>,
      %scan3A_190 = arith.constant 0 : i32
      scf.yield %scan3A_190 : i32
    }
    %scan3A_85 = arith.constant 16 : i32
    %scan3A_86 = arith.constant 0 : i32
    %scan3A_87 = arith.constant 0 : i32
    %scan3A_88 = arith.constant 80 : i32
    %scan3A_89 = arith.addi %scan3A_87, %scan3A_88 : i32
    %scan3A_90 = arith.constant 1 : i32
    %scan3A_91 = scf.for %scan3A_182 = %scan3A_87 to %scan3A_89 step %scan3A_90 iter_args(%scan3A_183 = %scan3A_86) -> (i32)  : i32 {
      %mul3A_184 = arith.constant 16 : i32
      %mul3A_185 = arith.muli %scan3A_182, %mul3A_184 : i32
      %get3A = arith.index_cast %mul3A_185 : i32 to index
      %get3A_186 = tpu.vector_load %arg6[%get3A] {strides = array<i32>} : memref<1280xi32, #tpu.memory_space<vmem>>, vector<16xi32>,
      %shift_right_logical3A = arith.constant 8 : i32
      %shift_right_logical3A_187 = vector.broadcast %shift_right_logical3A : i32 to vector<16xi32>
      %shift_right_logical3A_188 = arith.shrui %get3A_186, %shift_right_logical3A_187 : vector<16xi32>
      %and3A = arith.constant 255 : i32
      %and3A_189 = vector.broadcast %and3A : i32 to vector<16xi32>
      %and3A_190 = arith.andi %shift_right_logical3A_188, %and3A_189 : vector<16xi32>
      %shift_right_logical3A_191 = arith.constant 16 : i32
      %shift_right_logical3A_192 = vector.broadcast %shift_right_logical3A_191 : i32 to vector<16xi32>
      %shift_right_logical3A_193 = arith.shrui %get3A_186, %shift_right_logical3A_192 : vector<16xi32>
      %shift_right_logical3A_194 = arith.constant 16 : i32
      %shift_right_logical3A_195 = arith.shrui %or3A_78, %shift_right_logical3A_194 : i32
      %eq3A_196 = vector.broadcast %shift_right_logical3A_195 : i32 to vector<16xi32>
      %eq3A_197 = arith.cmpi eq, %shift_right_logical3A_193, %eq3A_196 : vector<16xi32>
      tpu.vector_store_idx %arg7[%and3A_190], %broadcast_in_dim3A_1 masked %eq3A_197 {add = true} : memref<256xi32, #tpu.memory_space<vmem>>[vector<16xi32>], vector<16xi32>, vector<16xi1>
      %scan3A_198 = arith.constant 0 : i32
      scf.yield %scan3A_198 : i32
    }
    %scan3A_92 = arith.constant 80 : i32
    "tpu.region"() ({
      %run_scoped3A = tpu.sem_alloc : memref<!tpu.dma_semaphore, #tpu.memory_space<semaphore_mem>>
      %dma_start3A_182 = arith.constant 0 : i32
      %dma_start3A_183 = tpu.memref_slice %arg16[%arg1, %dma_start3A_182] : memref<16x256xi32, #tpu.memory_space<vmem_shared>> -> memref<1x256xi32, #tpu.memory_space<vmem_shared>>
      %dma_start3A_184 = tpu.memref_squeeze %dma_start3A_183 : memref<1x256xi32, #tpu.memory_space<vmem_shared>> -> memref<256xi32, #tpu.memory_space<vmem_shared>>
      %dma_start3A_185 = arith.constant 0 : i32
      %dma_start3A_186 = tpu.memref_slice %arg16[%arg1, %dma_start3A_185] : memref<16x256xi32, #tpu.memory_space<vmem_shared>> -> memref<1x256xi32, #tpu.memory_space<vmem_shared>>
      %dma_start3A_187 = tpu.memref_squeeze %dma_start3A_186 : memref<1x256xi32, #tpu.memory_space<vmem_shared>> -> memref<256xi32, #tpu.memory_space<vmem_shared>>
      tpu.enqueue_dma source(%arg7 : memref<256xi32, #tpu.memory_space<vmem>>) target(%dma_start3A_187 : memref<256xi32, #tpu.memory_space<vmem_shared>>) target_semaphore(%run_scoped3A : memref<!tpu.dma_semaphore, #tpu.memory_space<semaphore_mem>>)
      %dma_wait3A_188 = arith.constant 0 : i32
      %dma_wait3A_189 = tpu.memref_slice %arg16[%arg1, %dma_wait3A_188] : memref<16x256xi32, #tpu.memory_space<vmem_shared>> -> memref<1x256xi32, #tpu.memory_space<vmem_shared>>
      %dma_wait3A_190 = tpu.memref_squeeze %dma_wait3A_189 : memref<1x256xi32, #tpu.memory_space<vmem_shared>> -> memref<256xi32, #tpu.memory_space<vmem_shared>>
      %dma_wait3A_191 = arith.constant 0 : i32
      %dma_wait3A_192 = tpu.memref_slice %arg16[%arg1, %dma_wait3A_191] : memref<16x256xi32, #tpu.memory_space<vmem_shared>> -> memref<1x256xi32, #tpu.memory_space<vmem_shared>>
      %dma_wait3A_193 = tpu.memref_squeeze %dma_wait3A_192 : memref<1x256xi32, #tpu.memory_space<vmem_shared>> -> memref<256xi32, #tpu.memory_space<vmem_shared>>
      tpu.wait_dma2 semaphore(%run_scoped3A : memref<!tpu.dma_semaphore, #tpu.memory_space<semaphore_mem>>) src(%arg7 : memref<256xi32, #tpu.memory_space<vmem>>) dst(%dma_wait3A_193 : memref<256xi32, #tpu.memory_space<vmem_shared>>)
      tpu.yield
    }) : () -> ()
    %barrier3A_93 = arith.constant 0 : index
    tpu.barrier barrier_id(%barrier3A_93)
    "tpu.region"() ({
      %run_scoped3A = tpu.sem_alloc : memref<!tpu.dma_semaphore, #tpu.memory_space<semaphore_mem>>
      tpu.enqueue_dma source(%arg16 : memref<16x256xi32, #tpu.memory_space<vmem_shared>>) target(%arg8 : memref<16x256xi32, #tpu.memory_space<vmem>>) target_semaphore(%run_scoped3A : memref<!tpu.dma_semaphore, #tpu.memory_space<semaphore_mem>>)
      tpu.wait_dma2 semaphore(%run_scoped3A : memref<!tpu.dma_semaphore, #tpu.memory_space<semaphore_mem>>) src(%arg16 : memref<16x256xi32, #tpu.memory_space<vmem_shared>>) dst(%arg8 : memref<16x256xi32, #tpu.memory_space<vmem>>)
      tpu.yield
    }) : () -> ()
    %scan3A_94 = arith.constant 0 : i32
    %scan3A_95 = arith.constant 0 : i32
    %scan3A_96 = arith.constant 16 : i32
    %scan3A_97 = arith.addi %scan3A_95, %scan3A_96 : i32
    %scan3A_98 = arith.constant 1 : i32
    %scan3A_99 = scf.for %scan3A_182 = %scan3A_95 to %scan3A_97 step %scan3A_98 iter_args(%scan3A_183 = %scan3A_94) -> (i32)  : i32 {
      %broadcast_in_dim3A_184 = arith.constant 0 : i32
      %broadcast_in_dim3A_185 = vector.broadcast %broadcast_in_dim3A_184 : i32 to vector<16xi32>
      %mul3A_186 = arith.constant 16 : i32
      %mul3A_187 = arith.muli %scan3A_182, %mul3A_186 : i32
      %get3A = arith.constant 0 : i32
      %get3A_188 = arith.index_cast %get3A : i32 to index
      %get3A_189 = arith.index_cast %mul3A_187 : i32 to index
      %get3A_190 = tpu.vector_load %arg8[%get3A_188, %get3A_189] {strides = array<i32>} : memref<16x256xi32, #tpu.memory_space<vmem>>, vector<16xi32>,
      %add3A = arith.addi %broadcast_in_dim3A_185, %get3A_190 : vector<16xi32>
      %mul3A_191 = arith.constant 16 : i32
      %mul3A_192 = arith.muli %scan3A_182, %mul3A_191 : i32
      %get3A_193 = arith.constant 1 : i32
      %get3A_194 = arith.index_cast %get3A_193 : i32 to index
      %get3A_195 = arith.index_cast %mul3A_192 : i32 to index
      %get3A_196 = tpu.vector_load %arg8[%get3A_194, %get3A_195] {strides = array<i32>} : memref<16x256xi32, #tpu.memory_space<vmem>>, vector<16xi32>,
      %add3A_197 = arith.addi %add3A, %get3A_196 : vector<16xi32>
      %mul3A_198 = arith.constant 16 : i32
      %mul3A_199 = arith.muli %scan3A_182, %mul3A_198 : i32
      %get3A_200 = arith.constant 2 : i32
      %get3A_201 = arith.index_cast %get3A_200 : i32 to index
      %get3A_202 = arith.index_cast %mul3A_199 : i32 to index
      %get3A_203 = tpu.vector_load %arg8[%get3A_201, %get3A_202] {strides = array<i32>} : memref<16x256xi32, #tpu.memory_space<vmem>>, vector<16xi32>,
      %add3A_204 = arith.addi %add3A_197, %get3A_203 : vector<16xi32>
      %mul3A_205 = arith.constant 16 : i32
      %mul3A_206 = arith.muli %scan3A_182, %mul3A_205 : i32
      %get3A_207 = arith.constant 3 : i32
      %get3A_208 = arith.index_cast %get3A_207 : i32 to index
      %get3A_209 = arith.index_cast %mul3A_206 : i32 to index
      %get3A_210 = tpu.vector_load %arg8[%get3A_208, %get3A_209] {strides = array<i32>} : memref<16x256xi32, #tpu.memory_space<vmem>>, vector<16xi32>,
      %add3A_211 = arith.addi %add3A_204, %get3A_210 : vector<16xi32>
      %mul3A_212 = arith.constant 16 : i32
      %mul3A_213 = arith.muli %scan3A_182, %mul3A_212 : i32
      %get3A_214 = arith.constant 4 : i32
      %get3A_215 = arith.index_cast %get3A_214 : i32 to index
      %get3A_216 = arith.index_cast %mul3A_213 : i32 to index
      %get3A_217 = tpu.vector_load %arg8[%get3A_215, %get3A_216] {strides = array<i32>} : memref<16x256xi32, #tpu.memory_space<vmem>>, vector<16xi32>,
      %add3A_218 = arith.addi %add3A_211, %get3A_217 : vector<16xi32>
      %mul3A_219 = arith.constant 16 : i32
      %mul3A_220 = arith.muli %scan3A_182, %mul3A_219 : i32
      %get3A_221 = arith.constant 5 : i32
      %get3A_222 = arith.index_cast %get3A_221 : i32 to index
      %get3A_223 = arith.index_cast %mul3A_220 : i32 to index
      %get3A_224 = tpu.vector_load %arg8[%get3A_222, %get3A_223] {strides = array<i32>} : memref<16x256xi32, #tpu.memory_space<vmem>>, vector<16xi32>,
      %add3A_225 = arith.addi %add3A_218, %get3A_224 : vector<16xi32>
      %mul3A_226 = arith.constant 16 : i32
      %mul3A_227 = arith.muli %scan3A_182, %mul3A_226 : i32
      %get3A_228 = arith.constant 6 : i32
      %get3A_229 = arith.index_cast %get3A_228 : i32 to index
      %get3A_230 = arith.index_cast %mul3A_227 : i32 to index
      %get3A_231 = tpu.vector_load %arg8[%get3A_229, %get3A_230] {strides = array<i32>} : memref<16x256xi32, #tpu.memory_space<vmem>>, vector<16xi32>,
      %add3A_232 = arith.addi %add3A_225, %get3A_231 : vector<16xi32>
      %mul3A_233 = arith.constant 16 : i32
      %mul3A_234 = arith.muli %scan3A_182, %mul3A_233 : i32
      %get3A_235 = arith.constant 7 : i32
      %get3A_236 = arith.index_cast %get3A_235 : i32 to index
      %get3A_237 = arith.index_cast %mul3A_234 : i32 to index
      %get3A_238 = tpu.vector_load %arg8[%get3A_236, %get3A_237] {strides = array<i32>} : memref<16x256xi32, #tpu.memory_space<vmem>>, vector<16xi32>,
      %add3A_239 = arith.addi %add3A_232, %get3A_238 : vector<16xi32>
      %mul3A_240 = arith.constant 16 : i32
      %mul3A_241 = arith.muli %scan3A_182, %mul3A_240 : i32
      %get3A_242 = arith.constant 8 : i32
      %get3A_243 = arith.index_cast %get3A_242 : i32 to index
      %get3A_244 = arith.index_cast %mul3A_241 : i32 to index
      %get3A_245 = tpu.vector_load %arg8[%get3A_243, %get3A_244] {strides = array<i32>} : memref<16x256xi32, #tpu.memory_space<vmem>>, vector<16xi32>,
      %add3A_246 = arith.addi %add3A_239, %get3A_245 : vector<16xi32>
      %mul3A_247 = arith.constant 16 : i32
      %mul3A_248 = arith.muli %scan3A_182, %mul3A_247 : i32
      %get3A_249 = arith.constant 9 : i32
      %get3A_250 = arith.index_cast %get3A_249 : i32 to index
      %get3A_251 = arith.index_cast %mul3A_248 : i32 to index
      %get3A_252 = tpu.vector_load %arg8[%get3A_250, %get3A_251] {strides = array<i32>} : memref<16x256xi32, #tpu.memory_space<vmem>>, vector<16xi32>,
      %add3A_253 = arith.addi %add3A_246, %get3A_252 : vector<16xi32>
      %mul3A_254 = arith.constant 16 : i32
      %mul3A_255 = arith.muli %scan3A_182, %mul3A_254 : i32
      %get3A_256 = arith.constant 10 : i32
      %get3A_257 = arith.index_cast %get3A_256 : i32 to index
      %get3A_258 = arith.index_cast %mul3A_255 : i32 to index
      %get3A_259 = tpu.vector_load %arg8[%get3A_257, %get3A_258] {strides = array<i32>} : memref<16x256xi32, #tpu.memory_space<vmem>>, vector<16xi32>,
      %add3A_260 = arith.addi %add3A_253, %get3A_259 : vector<16xi32>
      %mul3A_261 = arith.constant 16 : i32
      %mul3A_262 = arith.muli %scan3A_182, %mul3A_261 : i32
      %get3A_263 = arith.constant 11 : i32
      %get3A_264 = arith.index_cast %get3A_263 : i32 to index
      %get3A_265 = arith.index_cast %mul3A_262 : i32 to index
      %get3A_266 = tpu.vector_load %arg8[%get3A_264, %get3A_265] {strides = array<i32>} : memref<16x256xi32, #tpu.memory_space<vmem>>, vector<16xi32>,
      %add3A_267 = arith.addi %add3A_260, %get3A_266 : vector<16xi32>
      %mul3A_268 = arith.constant 16 : i32
      %mul3A_269 = arith.muli %scan3A_182, %mul3A_268 : i32
      %get3A_270 = arith.constant 12 : i32
      %get3A_271 = arith.index_cast %get3A_270 : i32 to index
      %get3A_272 = arith.index_cast %mul3A_269 : i32 to index
      %get3A_273 = tpu.vector_load %arg8[%get3A_271, %get3A_272] {strides = array<i32>} : memref<16x256xi32, #tpu.memory_space<vmem>>, vector<16xi32>,
      %add3A_274 = arith.addi %add3A_267, %get3A_273 : vector<16xi32>
      %mul3A_275 = arith.constant 16 : i32
      %mul3A_276 = arith.muli %scan3A_182, %mul3A_275 : i32
      %get3A_277 = arith.constant 13 : i32
      %get3A_278 = arith.index_cast %get3A_277 : i32 to index
      %get3A_279 = arith.index_cast %mul3A_276 : i32 to index
      %get3A_280 = tpu.vector_load %arg8[%get3A_278, %get3A_279] {strides = array<i32>} : memref<16x256xi32, #tpu.memory_space<vmem>>, vector<16xi32>,
      %add3A_281 = arith.addi %add3A_274, %get3A_280 : vector<16xi32>
      %mul3A_282 = arith.constant 16 : i32
      %mul3A_283 = arith.muli %scan3A_182, %mul3A_282 : i32
      %get3A_284 = arith.constant 14 : i32
      %get3A_285 = arith.index_cast %get3A_284 : i32 to index
      %get3A_286 = arith.index_cast %mul3A_283 : i32 to index
      %get3A_287 = tpu.vector_load %arg8[%get3A_285, %get3A_286] {strides = array<i32>} : memref<16x256xi32, #tpu.memory_space<vmem>>, vector<16xi32>,
      %add3A_288 = arith.addi %add3A_281, %get3A_287 : vector<16xi32>
      %mul3A_289 = arith.constant 16 : i32
      %mul3A_290 = arith.muli %scan3A_182, %mul3A_289 : i32
      %get3A_291 = arith.constant 15 : i32
      %get3A_292 = arith.index_cast %get3A_291 : i32 to index
      %get3A_293 = arith.index_cast %mul3A_290 : i32 to index
      %get3A_294 = tpu.vector_load %arg8[%get3A_292, %get3A_293] {strides = array<i32>} : memref<16x256xi32, #tpu.memory_space<vmem>>, vector<16xi32>,
      %add3A_295 = arith.addi %add3A_288, %get3A_294 : vector<16xi32>
      %mul3A_296 = arith.constant 16 : i32
      %mul3A_297 = arith.muli %scan3A_182, %mul3A_296 : i32
      %swap3A_298 = arith.index_cast %mul3A_297 : i32 to index
      %swap3A_299 = tpu.vector_load %arg7[%swap3A_298] {strides = array<i32>} : memref<256xi32, #tpu.memory_space<vmem>>, vector<16xi32>,
      tpu.vector_store %arg7[%swap3A_298], %add3A_295 {strides = array<i32>} : memref<256xi32, #tpu.memory_space<vmem>>, vector<16xi32>,
      %scan3A_300 = arith.constant 0 : i32
      scf.yield %scan3A_300 : i32
    }
    %scan3A_100 = arith.constant 16 : i32
    %barrier3A_101 = arith.constant 0 : index
    tpu.barrier barrier_id(%barrier3A_101)
    %scan3A_102 = arith.constant 0 : i32
    %scan3A_103 = arith.constant 0 : i32
    %scan3A_104 = arith.constant 0 : i32
    %scan3A_105 = arith.constant 0 : i32
    %scan3A_106 = arith.constant 16 : i32
    %scan3A_107 = arith.addi %scan3A_105, %scan3A_106 : i32
    %scan3A_108 = arith.constant 1 : i32
    %scan3A_109:3 = scf.for %scan3A_182 = %scan3A_105 to %scan3A_107 step %scan3A_108 iter_args(%scan3A_183 = %scan3A_102, %scan3A_184 = %scan3A_103, %scan3A_185 = %scan3A_104) -> (i32, i32, i32)  : i32 {
      %sub3A_186 = arith.constant 15 : i32
      %sub3A_187 = arith.subi %sub3A_186, %scan3A_182 : i32
      %mul3A_188 = arith.constant 16 : i32
      %mul3A_189 = arith.muli %sub3A_187, %mul3A_188 : i32
      %get3A = arith.index_cast %mul3A_189 : i32 to index
      %get3A_190 = tpu.vector_load %arg7[%get3A] {strides = array<i32>} : memref<256xi32, #tpu.memory_space<vmem>>, vector<16xi32>,
      %rev3A = arith.constant 15 : i32
      %rev3A_191 = vector.broadcast %rev3A : i32 to vector<16xi32>
      %rev3A_192 = tpu.iota {dimensions = array<i32: 0>} : vector<16xi32>
      %rev3A_193 = arith.subi %rev3A_191, %rev3A_192 : vector<16xi32>
      %rev3A_194 = tpu.dynamic_gather %get3A_190[%rev3A_193] in [0] : vector<16xi32>, vector<16xi32> -> vector<16xi32>
      %cumsum3A = arith.constant true
      %cumsum3A_195 = vector.broadcast %cumsum3A : i1 to vector<16xi1>
      %cumsum3A_196 = tpu.scan <sum>, %rev3A_194 masked %cumsum3A_195 : vector<16xi32>, vector<16xi1> -> vector<16xi32>
      %add3A = vector.broadcast %scan3A_185 : i32 to vector<16xi32>
      %add3A_197 = arith.addi %cumsum3A_196, %add3A : vector<16xi32>
      %ge3A = vector.broadcast %sub3A_75 : i32 to vector<16xi32>
      %ge3A_198 = arith.cmpi sge, %add3A_197, %ge3A : vector<16xi32>
      %convert_element_type3A_199 = arith.extui %ge3A_198 : vector<16xi1> to vector<16xi32>
      %reduce_sum3A = arith.constant true
      %reduce_sum3A_200 = vector.broadcast %reduce_sum3A : i1 to vector<16xi1>
      %reduce_sum3A_201 = tpu.scan <sum>, %convert_element_type3A_199 masked %reduce_sum3A_200 : vector<16xi32>, vector<16xi1> -> vector<16xi32>
      %reduce_sum3A_202 = vector.extract %reduce_sum3A_201[15] : i32 from vector<16xi32>
      %jit3A_203 = arith.constant 16 : i32
      %broadcast_in_dim3A_204 = vector.broadcast %jit3A_203 : i32 to vector<16xi32>
      %select_n3A_205 = arith.select %ge3A_198, %iota3A, %broadcast_in_dim3A_204 : vector<16xi1>, vector<16xi32>
      %reduce_min3A = arith.constant true
      %reduce_min3A_206 = vector.broadcast %reduce_min3A : i1 to vector<16xi1>
      %reduce_min3A_207 = arith.constant -2147483648 : i32
      %reduce_min3A_208 = vector.broadcast %reduce_min3A_207 : i32 to vector<16xi32>
      %reduce_min3A_209 = arith.xori %select_n3A_205, %reduce_min3A_208 : vector<16xi32>
      %reduce_min3A_210 = tpu.scan <min>, %reduce_min3A_209 masked %reduce_min3A_206 : vector<16xi32>, vector<16xi1> -> vector<16xi32>
      %reduce_min3A_211 = arith.xori %reduce_min3A_210, %reduce_min3A_208 : vector<16xi32>
      %reduce_min3A_212 = vector.extract %reduce_min3A_211[15] : i32 from vector<16xi32>
      %sub3A_213 = arith.subi %add3A_197, %rev3A_194 : vector<16xi32>
      %eq3A_214 = vector.broadcast %reduce_min3A_212 : i32 to vector<16xi32>
      %eq3A_215 = arith.cmpi eq, %iota3A, %eq3A_214 : vector<16xi32>
      %jit3A_216 = arith.constant 0 : i32
      %broadcast_in_dim3A_217 = vector.broadcast %jit3A_216 : i32 to vector<16xi32>
      %select_n3A_218 = arith.select %eq3A_215, %sub3A_213, %broadcast_in_dim3A_217 : vector<16xi1>, vector<16xi32>
      %reduce_sum3A_219 = arith.constant true
      %reduce_sum3A_220 = vector.broadcast %reduce_sum3A_219 : i1 to vector<16xi1>
      %reduce_sum3A_221 = tpu.scan <sum>, %select_n3A_218 masked %reduce_sum3A_220 : vector<16xi32>, vector<16xi1> -> vector<16xi32>
      %reduce_sum3A_222 = vector.extract %reduce_sum3A_221[15] : i32 from vector<16xi32>
      %mul3A_223 = arith.constant 16 : i32
      %mul3A_224 = arith.muli %sub3A_187, %mul3A_223 : i32
      %add3A_225 = arith.constant 15 : i32
      %add3A_226 = arith.addi %mul3A_224, %add3A_225 : i32
      %sub3A_227 = arith.subi %add3A_226, %reduce_min3A_212 : i32
      %gt3A = arith.constant 0 : i32
      %gt3A_228 = arith.cmpi sgt, %reduce_sum3A_202, %gt3A : i32
      %eq3A_229 = arith.constant 0 : i32
      %eq3A_230 = arith.cmpi eq, %scan3A_183, %eq3A_229 : i32
      %and3A = arith.andi %gt3A_228, %eq3A_230 : i1
      %jit3A_231 = arith.constant 1 : i32
      %select_n3A_232 = arith.select %and3A, %jit3A_231, %scan3A_183 : i32
      %select_n3A_233 = arith.select %and3A, %sub3A_227, %scan3A_184 : i32
      %eq3A_234 = arith.constant 0 : i32
      %eq3A_235 = arith.cmpi eq, %scan3A_183, %eq3A_234 : i32
      %reduce_sum3A_236 = arith.constant true
      %reduce_sum3A_237 = vector.broadcast %reduce_sum3A_236 : i1 to vector<16xi1>
      %reduce_sum3A_238 = tpu.scan <sum>, %get3A_190 masked %reduce_sum3A_237 : vector<16xi32>, vector<16xi1> -> vector<16xi32>
      %reduce_sum3A_239 = vector.extract %reduce_sum3A_238[15] : i32 from vector<16xi32>
      %add3A_240 = arith.addi %scan3A_185, %reduce_sum3A_239 : i32
      %select_n3A_241 = arith.select %eq3A_235, %add3A_240, %scan3A_185 : i32
      %select_n3A_242 = arith.select %and3A, %reduce_sum3A_222, %select_n3A_241 : i32
      scf.yield %select_n3A_232, %select_n3A_233, %select_n3A_242 : i32, i32, i32
    }
    %scan3A_110 = arith.constant 16 : i32
    %sub3A_111 = arith.subi %sub3A_75, %scan3A_109#2 : i32
    %shift_left3A_112 = arith.constant 8 : i32
    %shift_left3A_113 = arith.shli %scan3A_109#1, %shift_left3A_112 : i32
    %or3A_114 = arith.ori %or3A_78, %shift_left3A_113 : i32
    %scan3A_115 = arith.constant 0 : i32
    %scan3A_116 = arith.constant 0 : i32
    %scan3A_117 = arith.constant 16 : i32
    %scan3A_118 = arith.addi %scan3A_116, %scan3A_117 : i32
    %scan3A_119 = arith.constant 1 : i32
    %scan3A_120 = scf.for %scan3A_182 = %scan3A_116 to %scan3A_118 step %scan3A_119 iter_args(%scan3A_183 = %scan3A_115) -> (i32)  : i32 {
      %broadcast_in_dim3A_184 = arith.constant 0 : i32
      %broadcast_in_dim3A_185 = vector.broadcast %broadcast_in_dim3A_184 : i32 to vector<16xi32>
      %mul3A_186 = arith.constant 16 : i32
      %mul3A_187 = arith.muli %scan3A_182, %mul3A_186 : i32
      %swap3A_188 = arith.index_cast %mul3A_187 : i32 to index
      %swap3A_189 = tpu.vector_load %arg7[%swap3A_188] {strides = array<i32>} : memref<256xi32, #tpu.memory_space<vmem>>, vector<16xi32>,
      tpu.vector_store %arg7[%swap3A_188], %broadcast_in_dim3A_185 {strides = array<i32>} : memref<256xi32, #tpu.memory_space<vmem>>, vector<16xi32>,
      %scan3A_190 = arith.constant 0 : i32
      scf.yield %scan3A_190 : i32
    }
    %scan3A_121 = arith.constant 16 : i32
    %scan3A_122 = arith.constant 0 : i32
    %scan3A_123 = arith.constant 0 : i32
    %scan3A_124 = arith.constant 80 : i32
    %scan3A_125 = arith.addi %scan3A_123, %scan3A_124 : i32
    %scan3A_126 = arith.constant 1 : i32
    %scan3A_127 = scf.for %scan3A_182 = %scan3A_123 to %scan3A_125 step %scan3A_126 iter_args(%scan3A_183 = %scan3A_122) -> (i32)  : i32 {
      %mul3A_184 = arith.constant 16 : i32
      %mul3A_185 = arith.muli %scan3A_182, %mul3A_184 : i32
      %get3A = arith.index_cast %mul3A_185 : i32 to index
      %get3A_186 = tpu.vector_load %arg6[%get3A] {strides = array<i32>} : memref<1280xi32, #tpu.memory_space<vmem>>, vector<16xi32>,
      %shift_right_logical3A = arith.constant 0 : i32
      %shift_right_logical3A_187 = vector.broadcast %shift_right_logical3A : i32 to vector<16xi32>
      %shift_right_logical3A_188 = arith.shrui %get3A_186, %shift_right_logical3A_187 : vector<16xi32>
      %and3A = arith.constant 255 : i32
      %and3A_189 = vector.broadcast %and3A : i32 to vector<16xi32>
      %and3A_190 = arith.andi %shift_right_logical3A_188, %and3A_189 : vector<16xi32>
      %shift_right_logical3A_191 = arith.constant 8 : i32
      %shift_right_logical3A_192 = vector.broadcast %shift_right_logical3A_191 : i32 to vector<16xi32>
      %shift_right_logical3A_193 = arith.shrui %get3A_186, %shift_right_logical3A_192 : vector<16xi32>
      %shift_right_logical3A_194 = arith.constant 8 : i32
      %shift_right_logical3A_195 = arith.shrui %or3A_114, %shift_right_logical3A_194 : i32
      %eq3A_196 = vector.broadcast %shift_right_logical3A_195 : i32 to vector<16xi32>
      %eq3A_197 = arith.cmpi eq, %shift_right_logical3A_193, %eq3A_196 : vector<16xi32>
      tpu.vector_store_idx %arg7[%and3A_190], %broadcast_in_dim3A_1 masked %eq3A_197 {add = true} : memref<256xi32, #tpu.memory_space<vmem>>[vector<16xi32>], vector<16xi32>, vector<16xi1>
      %scan3A_198 = arith.constant 0 : i32
      scf.yield %scan3A_198 : i32
    }
    %scan3A_128 = arith.constant 80 : i32
    "tpu.region"() ({
      %run_scoped3A = tpu.sem_alloc : memref<!tpu.dma_semaphore, #tpu.memory_space<semaphore_mem>>
      %dma_start3A_182 = arith.constant 0 : i32
      %dma_start3A_183 = tpu.memref_slice %arg16[%arg1, %dma_start3A_182] : memref<16x256xi32, #tpu.memory_space<vmem_shared>> -> memref<1x256xi32, #tpu.memory_space<vmem_shared>>
      %dma_start3A_184 = tpu.memref_squeeze %dma_start3A_183 : memref<1x256xi32, #tpu.memory_space<vmem_shared>> -> memref<256xi32, #tpu.memory_space<vmem_shared>>
      %dma_start3A_185 = arith.constant 0 : i32
      %dma_start3A_186 = tpu.memref_slice %arg16[%arg1, %dma_start3A_185] : memref<16x256xi32, #tpu.memory_space<vmem_shared>> -> memref<1x256xi32, #tpu.memory_space<vmem_shared>>
      %dma_start3A_187 = tpu.memref_squeeze %dma_start3A_186 : memref<1x256xi32, #tpu.memory_space<vmem_shared>> -> memref<256xi32, #tpu.memory_space<vmem_shared>>
      tpu.enqueue_dma source(%arg7 : memref<256xi32, #tpu.memory_space<vmem>>) target(%dma_start3A_187 : memref<256xi32, #tpu.memory_space<vmem_shared>>) target_semaphore(%run_scoped3A : memref<!tpu.dma_semaphore, #tpu.memory_space<semaphore_mem>>)
      %dma_wait3A_188 = arith.constant 0 : i32
      %dma_wait3A_189 = tpu.memref_slice %arg16[%arg1, %dma_wait3A_188] : memref<16x256xi32, #tpu.memory_space<vmem_shared>> -> memref<1x256xi32, #tpu.memory_space<vmem_shared>>
      %dma_wait3A_190 = tpu.memref_squeeze %dma_wait3A_189 : memref<1x256xi32, #tpu.memory_space<vmem_shared>> -> memref<256xi32, #tpu.memory_space<vmem_shared>>
      %dma_wait3A_191 = arith.constant 0 : i32
      %dma_wait3A_192 = tpu.memref_slice %arg16[%arg1, %dma_wait3A_191] : memref<16x256xi32, #tpu.memory_space<vmem_shared>> -> memref<1x256xi32, #tpu.memory_space<vmem_shared>>
      %dma_wait3A_193 = tpu.memref_squeeze %dma_wait3A_192 : memref<1x256xi32, #tpu.memory_space<vmem_shared>> -> memref<256xi32, #tpu.memory_space<vmem_shared>>
      tpu.wait_dma2 semaphore(%run_scoped3A : memref<!tpu.dma_semaphore, #tpu.memory_space<semaphore_mem>>) src(%arg7 : memref<256xi32, #tpu.memory_space<vmem>>) dst(%dma_wait3A_193 : memref<256xi32, #tpu.memory_space<vmem_shared>>)
      tpu.yield
    }) : () -> ()
    %barrier3A_129 = arith.constant 0 : index
    tpu.barrier barrier_id(%barrier3A_129)
    "tpu.region"() ({
      %run_scoped3A = tpu.sem_alloc : memref<!tpu.dma_semaphore, #tpu.memory_space<semaphore_mem>>
      tpu.enqueue_dma source(%arg16 : memref<16x256xi32, #tpu.memory_space<vmem_shared>>) target(%arg8 : memref<16x256xi32, #tpu.memory_space<vmem>>) target_semaphore(%run_scoped3A : memref<!tpu.dma_semaphore, #tpu.memory_space<semaphore_mem>>)
      tpu.wait_dma2 semaphore(%run_scoped3A : memref<!tpu.dma_semaphore, #tpu.memory_space<semaphore_mem>>) src(%arg16 : memref<16x256xi32, #tpu.memory_space<vmem_shared>>) dst(%arg8 : memref<16x256xi32, #tpu.memory_space<vmem>>)
      tpu.yield
    }) : () -> ()
    %scan3A_130 = arith.constant 0 : i32
    %scan3A_131 = arith.constant 0 : i32
    %scan3A_132 = arith.constant 16 : i32
    %scan3A_133 = arith.addi %scan3A_131, %scan3A_132 : i32
    %scan3A_134 = arith.constant 1 : i32
    %scan3A_135 = scf.for %scan3A_182 = %scan3A_131 to %scan3A_133 step %scan3A_134 iter_args(%scan3A_183 = %scan3A_130) -> (i32)  : i32 {
      %broadcast_in_dim3A_184 = arith.constant 0 : i32
      %broadcast_in_dim3A_185 = vector.broadcast %broadcast_in_dim3A_184 : i32 to vector<16xi32>
      %mul3A_186 = arith.constant 16 : i32
      %mul3A_187 = arith.muli %scan3A_182, %mul3A_186 : i32
      %get3A = arith.constant 0 : i32
      %get3A_188 = arith.index_cast %get3A : i32 to index
      %get3A_189 = arith.index_cast %mul3A_187 : i32 to index
      %get3A_190 = tpu.vector_load %arg8[%get3A_188, %get3A_189] {strides = array<i32>} : memref<16x256xi32, #tpu.memory_space<vmem>>, vector<16xi32>,
      %add3A = arith.addi %broadcast_in_dim3A_185, %get3A_190 : vector<16xi32>
      %mul3A_191 = arith.constant 16 : i32
      %mul3A_192 = arith.muli %scan3A_182, %mul3A_191 : i32
      %get3A_193 = arith.constant 1 : i32
      %get3A_194 = arith.index_cast %get3A_193 : i32 to index
      %get3A_195 = arith.index_cast %mul3A_192 : i32 to index
      %get3A_196 = tpu.vector_load %arg8[%get3A_194, %get3A_195] {strides = array<i32>} : memref<16x256xi32, #tpu.memory_space<vmem>>, vector<16xi32>,
      %add3A_197 = arith.addi %add3A, %get3A_196 : vector<16xi32>
      %mul3A_198 = arith.constant 16 : i32
      %mul3A_199 = arith.muli %scan3A_182, %mul3A_198 : i32
      %get3A_200 = arith.constant 2 : i32
      %get3A_201 = arith.index_cast %get3A_200 : i32 to index
      %get3A_202 = arith.index_cast %mul3A_199 : i32 to index
      %get3A_203 = tpu.vector_load %arg8[%get3A_201, %get3A_202] {strides = array<i32>} : memref<16x256xi32, #tpu.memory_space<vmem>>, vector<16xi32>,
      %add3A_204 = arith.addi %add3A_197, %get3A_203 : vector<16xi32>
      %mul3A_205 = arith.constant 16 : i32
      %mul3A_206 = arith.muli %scan3A_182, %mul3A_205 : i32
      %get3A_207 = arith.constant 3 : i32
      %get3A_208 = arith.index_cast %get3A_207 : i32 to index
      %get3A_209 = arith.index_cast %mul3A_206 : i32 to index
      %get3A_210 = tpu.vector_load %arg8[%get3A_208, %get3A_209] {strides = array<i32>} : memref<16x256xi32, #tpu.memory_space<vmem>>, vector<16xi32>,
      %add3A_211 = arith.addi %add3A_204, %get3A_210 : vector<16xi32>
      %mul3A_212 = arith.constant 16 : i32
      %mul3A_213 = arith.muli %scan3A_182, %mul3A_212 : i32
      %get3A_214 = arith.constant 4 : i32
      %get3A_215 = arith.index_cast %get3A_214 : i32 to index
      %get3A_216 = arith.index_cast %mul3A_213 : i32 to index
      %get3A_217 = tpu.vector_load %arg8[%get3A_215, %get3A_216] {strides = array<i32>} : memref<16x256xi32, #tpu.memory_space<vmem>>, vector<16xi32>,
      %add3A_218 = arith.addi %add3A_211, %get3A_217 : vector<16xi32>
      %mul3A_219 = arith.constant 16 : i32
      %mul3A_220 = arith.muli %scan3A_182, %mul3A_219 : i32
      %get3A_221 = arith.constant 5 : i32
      %get3A_222 = arith.index_cast %get3A_221 : i32 to index
      %get3A_223 = arith.index_cast %mul3A_220 : i32 to index
      %get3A_224 = tpu.vector_load %arg8[%get3A_222, %get3A_223] {strides = array<i32>} : memref<16x256xi32, #tpu.memory_space<vmem>>, vector<16xi32>,
      %add3A_225 = arith.addi %add3A_218, %get3A_224 : vector<16xi32>
      %mul3A_226 = arith.constant 16 : i32
      %mul3A_227 = arith.muli %scan3A_182, %mul3A_226 : i32
      %get3A_228 = arith.constant 6 : i32
      %get3A_229 = arith.index_cast %get3A_228 : i32 to index
      %get3A_230 = arith.index_cast %mul3A_227 : i32 to index
      %get3A_231 = tpu.vector_load %arg8[%get3A_229, %get3A_230] {strides = array<i32>} : memref<16x256xi32, #tpu.memory_space<vmem>>, vector<16xi32>,
      %add3A_232 = arith.addi %add3A_225, %get3A_231 : vector<16xi32>
      %mul3A_233 = arith.constant 16 : i32
      %mul3A_234 = arith.muli %scan3A_182, %mul3A_233 : i32
      %get3A_235 = arith.constant 7 : i32
      %get3A_236 = arith.index_cast %get3A_235 : i32 to index
      %get3A_237 = arith.index_cast %mul3A_234 : i32 to index
      %get3A_238 = tpu.vector_load %arg8[%get3A_236, %get3A_237] {strides = array<i32>} : memref<16x256xi32, #tpu.memory_space<vmem>>, vector<16xi32>,
      %add3A_239 = arith.addi %add3A_232, %get3A_238 : vector<16xi32>
      %mul3A_240 = arith.constant 16 : i32
      %mul3A_241 = arith.muli %scan3A_182, %mul3A_240 : i32
      %get3A_242 = arith.constant 8 : i32
      %get3A_243 = arith.index_cast %get3A_242 : i32 to index
      %get3A_244 = arith.index_cast %mul3A_241 : i32 to index
      %get3A_245 = tpu.vector_load %arg8[%get3A_243, %get3A_244] {strides = array<i32>} : memref<16x256xi32, #tpu.memory_space<vmem>>, vector<16xi32>,
      %add3A_246 = arith.addi %add3A_239, %get3A_245 : vector<16xi32>
      %mul3A_247 = arith.constant 16 : i32
      %mul3A_248 = arith.muli %scan3A_182, %mul3A_247 : i32
      %get3A_249 = arith.constant 9 : i32
      %get3A_250 = arith.index_cast %get3A_249 : i32 to index
      %get3A_251 = arith.index_cast %mul3A_248 : i32 to index
      %get3A_252 = tpu.vector_load %arg8[%get3A_250, %get3A_251] {strides = array<i32>} : memref<16x256xi32, #tpu.memory_space<vmem>>, vector<16xi32>,
      %add3A_253 = arith.addi %add3A_246, %get3A_252 : vector<16xi32>
      %mul3A_254 = arith.constant 16 : i32
      %mul3A_255 = arith.muli %scan3A_182, %mul3A_254 : i32
      %get3A_256 = arith.constant 10 : i32
      %get3A_257 = arith.index_cast %get3A_256 : i32 to index
      %get3A_258 = arith.index_cast %mul3A_255 : i32 to index
      %get3A_259 = tpu.vector_load %arg8[%get3A_257, %get3A_258] {strides = array<i32>} : memref<16x256xi32, #tpu.memory_space<vmem>>, vector<16xi32>,
      %add3A_260 = arith.addi %add3A_253, %get3A_259 : vector<16xi32>
      %mul3A_261 = arith.constant 16 : i32
      %mul3A_262 = arith.muli %scan3A_182, %mul3A_261 : i32
      %get3A_263 = arith.constant 11 : i32
      %get3A_264 = arith.index_cast %get3A_263 : i32 to index
      %get3A_265 = arith.index_cast %mul3A_262 : i32 to index
      %get3A_266 = tpu.vector_load %arg8[%get3A_264, %get3A_265] {strides = array<i32>} : memref<16x256xi32, #tpu.memory_space<vmem>>, vector<16xi32>,
      %add3A_267 = arith.addi %add3A_260, %get3A_266 : vector<16xi32>
      %mul3A_268 = arith.constant 16 : i32
      %mul3A_269 = arith.muli %scan3A_182, %mul3A_268 : i32
      %get3A_270 = arith.constant 12 : i32
      %get3A_271 = arith.index_cast %get3A_270 : i32 to index
      %get3A_272 = arith.index_cast %mul3A_269 : i32 to index
      %get3A_273 = tpu.vector_load %arg8[%get3A_271, %get3A_272] {strides = array<i32>} : memref<16x256xi32, #tpu.memory_space<vmem>>, vector<16xi32>,
      %add3A_274 = arith.addi %add3A_267, %get3A_273 : vector<16xi32>
      %mul3A_275 = arith.constant 16 : i32
      %mul3A_276 = arith.muli %scan3A_182, %mul3A_275 : i32
      %get3A_277 = arith.constant 13 : i32
      %get3A_278 = arith.index_cast %get3A_277 : i32 to index
      %get3A_279 = arith.index_cast %mul3A_276 : i32 to index
      %get3A_280 = tpu.vector_load %arg8[%get3A_278, %get3A_279] {strides = array<i32>} : memref<16x256xi32, #tpu.memory_space<vmem>>, vector<16xi32>,
      %add3A_281 = arith.addi %add3A_274, %get3A_280 : vector<16xi32>
      %mul3A_282 = arith.constant 16 : i32
      %mul3A_283 = arith.muli %scan3A_182, %mul3A_282 : i32
      %get3A_284 = arith.constant 14 : i32
      %get3A_285 = arith.index_cast %get3A_284 : i32 to index
      %get3A_286 = arith.index_cast %mul3A_283 : i32 to index
      %get3A_287 = tpu.vector_load %arg8[%get3A_285, %get3A_286] {strides = array<i32>} : memref<16x256xi32, #tpu.memory_space<vmem>>, vector<16xi32>,
      %add3A_288 = arith.addi %add3A_281, %get3A_287 : vector<16xi32>
      %mul3A_289 = arith.constant 16 : i32
      %mul3A_290 = arith.muli %scan3A_182, %mul3A_289 : i32
      %get3A_291 = arith.constant 15 : i32
      %get3A_292 = arith.index_cast %get3A_291 : i32 to index
      %get3A_293 = arith.index_cast %mul3A_290 : i32 to index
      %get3A_294 = tpu.vector_load %arg8[%get3A_292, %get3A_293] {strides = array<i32>} : memref<16x256xi32, #tpu.memory_space<vmem>>, vector<16xi32>,
      %add3A_295 = arith.addi %add3A_288, %get3A_294 : vector<16xi32>
      %mul3A_296 = arith.constant 16 : i32
      %mul3A_297 = arith.muli %scan3A_182, %mul3A_296 : i32
      %swap3A_298 = arith.index_cast %mul3A_297 : i32 to index
      %swap3A_299 = tpu.vector_load %arg7[%swap3A_298] {strides = array<i32>} : memref<256xi32, #tpu.memory_space<vmem>>, vector<16xi32>,
      tpu.vector_store %arg7[%swap3A_298], %add3A_295 {strides = array<i32>} : memref<256xi32, #tpu.memory_space<vmem>>, vector<16xi32>,
      %scan3A_300 = arith.constant 0 : i32
      scf.yield %scan3A_300 : i32
    }
    %scan3A_136 = arith.constant 16 : i32
    %barrier3A_137 = arith.constant 0 : index
    tpu.barrier barrier_id(%barrier3A_137)
    %scan3A_138 = arith.constant 0 : i32
    %scan3A_139 = arith.constant 0 : i32
    %scan3A_140 = arith.constant 0 : i32
    %scan3A_141 = arith.constant 0 : i32
    %scan3A_142 = arith.constant 16 : i32
    %scan3A_143 = arith.addi %scan3A_141, %scan3A_142 : i32
    %scan3A_144 = arith.constant 1 : i32
    %scan3A_145:3 = scf.for %scan3A_182 = %scan3A_141 to %scan3A_143 step %scan3A_144 iter_args(%scan3A_183 = %scan3A_138, %scan3A_184 = %scan3A_139, %scan3A_185 = %scan3A_140) -> (i32, i32, i32)  : i32 {
      %sub3A_186 = arith.constant 15 : i32
      %sub3A_187 = arith.subi %sub3A_186, %scan3A_182 : i32
      %mul3A_188 = arith.constant 16 : i32
      %mul3A_189 = arith.muli %sub3A_187, %mul3A_188 : i32
      %get3A = arith.index_cast %mul3A_189 : i32 to index
      %get3A_190 = tpu.vector_load %arg7[%get3A] {strides = array<i32>} : memref<256xi32, #tpu.memory_space<vmem>>, vector<16xi32>,
      %rev3A = arith.constant 15 : i32
      %rev3A_191 = vector.broadcast %rev3A : i32 to vector<16xi32>
      %rev3A_192 = tpu.iota {dimensions = array<i32: 0>} : vector<16xi32>
      %rev3A_193 = arith.subi %rev3A_191, %rev3A_192 : vector<16xi32>
      %rev3A_194 = tpu.dynamic_gather %get3A_190[%rev3A_193] in [0] : vector<16xi32>, vector<16xi32> -> vector<16xi32>
      %cumsum3A = arith.constant true
      %cumsum3A_195 = vector.broadcast %cumsum3A : i1 to vector<16xi1>
      %cumsum3A_196 = tpu.scan <sum>, %rev3A_194 masked %cumsum3A_195 : vector<16xi32>, vector<16xi1> -> vector<16xi32>
      %add3A = vector.broadcast %scan3A_185 : i32 to vector<16xi32>
      %add3A_197 = arith.addi %cumsum3A_196, %add3A : vector<16xi32>
      %ge3A = vector.broadcast %sub3A_111 : i32 to vector<16xi32>
      %ge3A_198 = arith.cmpi sge, %add3A_197, %ge3A : vector<16xi32>
      %convert_element_type3A_199 = arith.extui %ge3A_198 : vector<16xi1> to vector<16xi32>
      %reduce_sum3A = arith.constant true
      %reduce_sum3A_200 = vector.broadcast %reduce_sum3A : i1 to vector<16xi1>
      %reduce_sum3A_201 = tpu.scan <sum>, %convert_element_type3A_199 masked %reduce_sum3A_200 : vector<16xi32>, vector<16xi1> -> vector<16xi32>
      %reduce_sum3A_202 = vector.extract %reduce_sum3A_201[15] : i32 from vector<16xi32>
      %jit3A_203 = arith.constant 16 : i32
      %broadcast_in_dim3A_204 = vector.broadcast %jit3A_203 : i32 to vector<16xi32>
      %select_n3A_205 = arith.select %ge3A_198, %iota3A, %broadcast_in_dim3A_204 : vector<16xi1>, vector<16xi32>
      %reduce_min3A = arith.constant true
      %reduce_min3A_206 = vector.broadcast %reduce_min3A : i1 to vector<16xi1>
      %reduce_min3A_207 = arith.constant -2147483648 : i32
      %reduce_min3A_208 = vector.broadcast %reduce_min3A_207 : i32 to vector<16xi32>
      %reduce_min3A_209 = arith.xori %select_n3A_205, %reduce_min3A_208 : vector<16xi32>
      %reduce_min3A_210 = tpu.scan <min>, %reduce_min3A_209 masked %reduce_min3A_206 : vector<16xi32>, vector<16xi1> -> vector<16xi32>
      %reduce_min3A_211 = arith.xori %reduce_min3A_210, %reduce_min3A_208 : vector<16xi32>
      %reduce_min3A_212 = vector.extract %reduce_min3A_211[15] : i32 from vector<16xi32>
      %sub3A_213 = arith.subi %add3A_197, %rev3A_194 : vector<16xi32>
      %eq3A_214 = vector.broadcast %reduce_min3A_212 : i32 to vector<16xi32>
      %eq3A_215 = arith.cmpi eq, %iota3A, %eq3A_214 : vector<16xi32>
      %jit3A_216 = arith.constant 0 : i32
      %broadcast_in_dim3A_217 = vector.broadcast %jit3A_216 : i32 to vector<16xi32>
      %select_n3A_218 = arith.select %eq3A_215, %sub3A_213, %broadcast_in_dim3A_217 : vector<16xi1>, vector<16xi32>
      %reduce_sum3A_219 = arith.constant true
      %reduce_sum3A_220 = vector.broadcast %reduce_sum3A_219 : i1 to vector<16xi1>
      %reduce_sum3A_221 = tpu.scan <sum>, %select_n3A_218 masked %reduce_sum3A_220 : vector<16xi32>, vector<16xi1> -> vector<16xi32>
      %reduce_sum3A_222 = vector.extract %reduce_sum3A_221[15] : i32 from vector<16xi32>
      %mul3A_223 = arith.constant 16 : i32
      %mul3A_224 = arith.muli %sub3A_187, %mul3A_223 : i32
      %add3A_225 = arith.constant 15 : i32
      %add3A_226 = arith.addi %mul3A_224, %add3A_225 : i32
      %sub3A_227 = arith.subi %add3A_226, %reduce_min3A_212 : i32
      %gt3A = arith.constant 0 : i32
      %gt3A_228 = arith.cmpi sgt, %reduce_sum3A_202, %gt3A : i32
      %eq3A_229 = arith.constant 0 : i32
      %eq3A_230 = arith.cmpi eq, %scan3A_183, %eq3A_229 : i32
      %and3A = arith.andi %gt3A_228, %eq3A_230 : i1
      %jit3A_231 = arith.constant 1 : i32
      %select_n3A_232 = arith.select %and3A, %jit3A_231, %scan3A_183 : i32
      %select_n3A_233 = arith.select %and3A, %sub3A_227, %scan3A_184 : i32
      %eq3A_234 = arith.constant 0 : i32
      %eq3A_235 = arith.cmpi eq, %scan3A_183, %eq3A_234 : i32
      %reduce_sum3A_236 = arith.constant true
      %reduce_sum3A_237 = vector.broadcast %reduce_sum3A_236 : i1 to vector<16xi1>
      %reduce_sum3A_238 = tpu.scan <sum>, %get3A_190 masked %reduce_sum3A_237 : vector<16xi32>, vector<16xi1> -> vector<16xi32>
      %reduce_sum3A_239 = vector.extract %reduce_sum3A_238[15] : i32 from vector<16xi32>
      %add3A_240 = arith.addi %scan3A_185, %reduce_sum3A_239 : i32
      %select_n3A_241 = arith.select %eq3A_235, %add3A_240, %scan3A_185 : i32
      %select_n3A_242 = arith.select %and3A, %reduce_sum3A_222, %select_n3A_241 : i32
      scf.yield %select_n3A_232, %select_n3A_233, %select_n3A_242 : i32, i32, i32
    }
    %scan3A_146 = arith.constant 16 : i32
    %sub3A_147 = arith.subi %sub3A_111, %scan3A_145#2 : i32
    %shift_left3A_148 = arith.constant 0 : i32
    %shift_left3A_149 = arith.shli %scan3A_145#1, %shift_left3A_148 : i32
    %or3A_150 = arith.ori %or3A_114, %shift_left3A_149 : i32
    %scan3A_151 = arith.constant 0 : i32
    %scan3A_152 = arith.constant 0 : i32
    %scan3A_153 = arith.constant 0 : i32
    %scan3A_154 = arith.constant 80 : i32
    %scan3A_155 = arith.addi %scan3A_153, %scan3A_154 : i32
    %scan3A_156 = arith.constant 1 : i32
    %scan3A_157:2 = scf.for %scan3A_182 = %scan3A_153 to %scan3A_155 step %scan3A_156 iter_args(%scan3A_183 = %scan3A_151, %scan3A_184 = %scan3A_152) -> (i32, i32)  : i32 {
      %mul3A_185 = arith.constant 16 : i32
      %mul3A_186 = arith.muli %scan3A_182, %mul3A_185 : i32
      %get3A = arith.index_cast %mul3A_186 : i32 to index
      %get3A_187 = tpu.vector_load %arg6[%get3A] {strides = array<i32>} : memref<1280xi32, #tpu.memory_space<vmem>>, vector<16xi32>,
      %mul3A_188 = arith.constant 16 : i32
      %mul3A_189 = arith.muli %scan3A_182, %mul3A_188 : i32
      %add3A = arith.addi %mul3A_0, %mul3A_189 : i32
      %add3A_190 = vector.broadcast %add3A : i32 to vector<16xi32>
      %add3A_191 = arith.addi %add3A_190, %iota3A : vector<16xi32>
      %gt3A = vector.broadcast %or3A_150 : i32 to vector<16xi32>
      %gt3A_192 = arith.cmpi ugt, %get3A_187, %gt3A : vector<16xi32>
      %eq3A_193 = vector.broadcast %or3A_150 : i32 to vector<16xi32>
      %eq3A_194 = arith.cmpi eq, %get3A_187, %eq3A_193 : vector<16xi32>
      %swap3A_195 = arith.index_cast %scan3A_183 : i32 to index
      %swap3A_196 = tpu.vector_load %arg11[%swap3A_195] masked %gt3A_192 {strides = array<i32>} : memref<1296xi32, #tpu.memory_space<vmem>>, vector<16xi32>, vector<16xi1>
      tpu.vector_store %arg11[%swap3A_195], %add3A_191 masked %gt3A_192 {strides = array<i32>} : memref<1296xi32, #tpu.memory_space<vmem>>, vector<16xi32>, vector<16xi1>
      %swap3A_197 = arith.index_cast %scan3A_184 : i32 to index
      %swap3A_198 = tpu.vector_load %arg12[%swap3A_197] masked %eq3A_194 {strides = array<i32>} : memref<1296xi32, #tpu.memory_space<vmem>>, vector<16xi32>, vector<16xi1>
      tpu.vector_store %arg12[%swap3A_197], %add3A_191 masked %eq3A_194 {strides = array<i32>} : memref<1296xi32, #tpu.memory_space<vmem>>, vector<16xi32>, vector<16xi1>
      %convert_element_type3A_199 = arith.extui %gt3A_192 : vector<16xi1> to vector<16xi32>
      %reduce_sum3A = arith.constant true
      %reduce_sum3A_200 = vector.broadcast %reduce_sum3A : i1 to vector<16xi1>
      %reduce_sum3A_201 = tpu.scan <sum>, %convert_element_type3A_199 masked %reduce_sum3A_200 : vector<16xi32>, vector<16xi1> -> vector<16xi32>
      %reduce_sum3A_202 = vector.extract %reduce_sum3A_201[15] : i32 from vector<16xi32>
      %add3A_203 = arith.addi %scan3A_183, %reduce_sum3A_202 : i32
      %convert_element_type3A_204 = arith.extui %eq3A_194 : vector<16xi1> to vector<16xi32>
      %reduce_sum3A_205 = arith.constant true
      %reduce_sum3A_206 = vector.broadcast %reduce_sum3A_205 : i1 to vector<16xi1>
      %reduce_sum3A_207 = tpu.scan <sum>, %convert_element_type3A_204 masked %reduce_sum3A_206 : vector<16xi32>, vector<16xi1> -> vector<16xi32>
      %reduce_sum3A_208 = vector.extract %reduce_sum3A_207[15] : i32 from vector<16xi32>
      %add3A_209 = arith.addi %scan3A_184, %reduce_sum3A_208 : i32
      scf.yield %add3A_203, %add3A_209 : i32, i32
    }
    %scan3A_158 = arith.constant 80 : i32
    %eq3A = arith.constant 0 : i32
    %eq3A_159 = vector.broadcast %eq3A : i32 to vector<16xi32>
    %eq3A_160 = arith.cmpi eq, %iota3A, %eq3A_159 : vector<16xi32>
    %eq3A_161 = arith.constant 1 : i32
    %eq3A_162 = vector.broadcast %eq3A_161 : i32 to vector<16xi32>
    %eq3A_163 = arith.cmpi eq, %iota3A, %eq3A_162 : vector<16xi32>
    %jit3A = arith.constant 0 : i32
    %broadcast_in_dim3A_164 = vector.broadcast %scan3A_157#1 : i32 to vector<16xi32>
    %broadcast_in_dim3A_165 = vector.broadcast %jit3A : i32 to vector<16xi32>
    %select_n3A = arith.select %eq3A_163, %broadcast_in_dim3A_164, %broadcast_in_dim3A_165 : vector<16xi1>, vector<16xi32>
    %broadcast_in_dim3A_166 = vector.broadcast %scan3A_157#0 : i32 to vector<16xi32>
    %select_n3A_167 = arith.select %eq3A_160, %broadcast_in_dim3A_166, %select_n3A : vector<16xi1>, vector<16xi32>
    %swap3A = arith.constant 0 : index
    %swap3A_168 = tpu.vector_load %arg9[%swap3A] {strides = array<i32>} : memref<16xi32, #tpu.memory_space<vmem>>, vector<16xi32>,
    tpu.vector_store %arg9[%swap3A], %select_n3A_167 {strides = array<i32>} : memref<16xi32, #tpu.memory_space<vmem>>, vector<16xi32>,
    "tpu.region"() ({
      %run_scoped3A = tpu.sem_alloc : memref<!tpu.dma_semaphore, #tpu.memory_space<semaphore_mem>>
      %dma_start3A_182 = arith.constant 0 : i32
      %dma_start3A_183 = tpu.memref_slice %arg17[%arg1, %dma_start3A_182] : memref<16x16xi32, #tpu.memory_space<vmem_shared>> -> memref<1x16xi32, #tpu.memory_space<vmem_shared>>
      %dma_start3A_184 = tpu.memref_squeeze %dma_start3A_183 : memref<1x16xi32, #tpu.memory_space<vmem_shared>> -> memref<16xi32, #tpu.memory_space<vmem_shared>>
      %dma_start3A_185 = arith.constant 0 : i32
      %dma_start3A_186 = tpu.memref_slice %arg17[%arg1, %dma_start3A_185] : memref<16x16xi32, #tpu.memory_space<vmem_shared>> -> memref<1x16xi32, #tpu.memory_space<vmem_shared>>
      %dma_start3A_187 = tpu.memref_squeeze %dma_start3A_186 : memref<1x16xi32, #tpu.memory_space<vmem_shared>> -> memref<16xi32, #tpu.memory_space<vmem_shared>>
      tpu.enqueue_dma source(%arg9 : memref<16xi32, #tpu.memory_space<vmem>>) target(%dma_start3A_187 : memref<16xi32, #tpu.memory_space<vmem_shared>>) target_semaphore(%run_scoped3A : memref<!tpu.dma_semaphore, #tpu.memory_space<semaphore_mem>>)
      %dma_wait3A_188 = arith.constant 0 : i32
      %dma_wait3A_189 = tpu.memref_slice %arg17[%arg1, %dma_wait3A_188] : memref<16x16xi32, #tpu.memory_space<vmem_shared>> -> memref<1x16xi32, #tpu.memory_space<vmem_shared>>
      %dma_wait3A_190 = tpu.memref_squeeze %dma_wait3A_189 : memref<1x16xi32, #tpu.memory_space<vmem_shared>> -> memref<16xi32, #tpu.memory_space<vmem_shared>>
      %dma_wait3A_191 = arith.constant 0 : i32
      %dma_wait3A_192 = tpu.memref_slice %arg17[%arg1, %dma_wait3A_191] : memref<16x16xi32, #tpu.memory_space<vmem_shared>> -> memref<1x16xi32, #tpu.memory_space<vmem_shared>>
      %dma_wait3A_193 = tpu.memref_squeeze %dma_wait3A_192 : memref<1x16xi32, #tpu.memory_space<vmem_shared>> -> memref<16xi32, #tpu.memory_space<vmem_shared>>
      tpu.wait_dma2 semaphore(%run_scoped3A : memref<!tpu.dma_semaphore, #tpu.memory_space<semaphore_mem>>) src(%arg9 : memref<16xi32, #tpu.memory_space<vmem>>) dst(%dma_wait3A_193 : memref<16xi32, #tpu.memory_space<vmem_shared>>)
      tpu.yield
    }) : () -> ()
    "tpu.region"() ({
      %run_scoped3A = tpu.sem_alloc : memref<!tpu.dma_semaphore, #tpu.memory_space<semaphore_mem>>
      %dma_start3A_182 = arith.constant 0 : i32
      %dma_start3A_183 = tpu.memref_slice %arg18[%arg1, %dma_start3A_182] : memref<16x1296xi32, #tpu.memory_space<vmem_shared>> -> memref<1x1296xi32, #tpu.memory_space<vmem_shared>>
      %dma_start3A_184 = tpu.memref_squeeze %dma_start3A_183 : memref<1x1296xi32, #tpu.memory_space<vmem_shared>> -> memref<1296xi32, #tpu.memory_space<vmem_shared>>
      %dma_start3A_185 = arith.constant 0 : i32
      %dma_start3A_186 = tpu.memref_slice %arg18[%arg1, %dma_start3A_185] : memref<16x1296xi32, #tpu.memory_space<vmem_shared>> -> memref<1x1296xi32, #tpu.memory_space<vmem_shared>>
      %dma_start3A_187 = tpu.memref_squeeze %dma_start3A_186 : memref<1x1296xi32, #tpu.memory_space<vmem_shared>> -> memref<1296xi32, #tpu.memory_space<vmem_shared>>
      tpu.enqueue_dma source(%arg11 : memref<1296xi32, #tpu.memory_space<vmem>>) target(%dma_start3A_187 : memref<1296xi32, #tpu.memory_space<vmem_shared>>) target_semaphore(%run_scoped3A : memref<!tpu.dma_semaphore, #tpu.memory_space<semaphore_mem>>)
      %dma_wait3A_188 = arith.constant 0 : i32
      %dma_wait3A_189 = tpu.memref_slice %arg18[%arg1, %dma_wait3A_188] : memref<16x1296xi32, #tpu.memory_space<vmem_shared>> -> memref<1x1296xi32, #tpu.memory_space<vmem_shared>>
      %dma_wait3A_190 = tpu.memref_squeeze %dma_wait3A_189 : memref<1x1296xi32, #tpu.memory_space<vmem_shared>> -> memref<1296xi32, #tpu.memory_space<vmem_shared>>
      %dma_wait3A_191 = arith.constant 0 : i32
      %dma_wait3A_192 = tpu.memref_slice %arg18[%arg1, %dma_wait3A_191] : memref<16x1296xi32, #tpu.memory_space<vmem_shared>> -> memref<1x1296xi32, #tpu.memory_space<vmem_shared>>
      %dma_wait3A_193 = tpu.memref_squeeze %dma_wait3A_192 : memref<1x1296xi32, #tpu.memory_space<vmem_shared>> -> memref<1296xi32, #tpu.memory_space<vmem_shared>>
      tpu.wait_dma2 semaphore(%run_scoped3A : memref<!tpu.dma_semaphore, #tpu.memory_space<semaphore_mem>>) src(%arg11 : memref<1296xi32, #tpu.memory_space<vmem>>) dst(%dma_wait3A_193 : memref<1296xi32, #tpu.memory_space<vmem_shared>>)
      tpu.yield
    }) : () -> ()
    "tpu.region"() ({
      %run_scoped3A = tpu.sem_alloc : memref<!tpu.dma_semaphore, #tpu.memory_space<semaphore_mem>>
      %dma_start3A_182 = arith.constant 0 : i32
      %dma_start3A_183 = tpu.memref_slice %arg19[%arg1, %dma_start3A_182] : memref<16x1296xi32, #tpu.memory_space<vmem_shared>> -> memref<1x1296xi32, #tpu.memory_space<vmem_shared>>
      %dma_start3A_184 = tpu.memref_squeeze %dma_start3A_183 : memref<1x1296xi32, #tpu.memory_space<vmem_shared>> -> memref<1296xi32, #tpu.memory_space<vmem_shared>>
      %dma_start3A_185 = arith.constant 0 : i32
      %dma_start3A_186 = tpu.memref_slice %arg19[%arg1, %dma_start3A_185] : memref<16x1296xi32, #tpu.memory_space<vmem_shared>> -> memref<1x1296xi32, #tpu.memory_space<vmem_shared>>
      %dma_start3A_187 = tpu.memref_squeeze %dma_start3A_186 : memref<1x1296xi32, #tpu.memory_space<vmem_shared>> -> memref<1296xi32, #tpu.memory_space<vmem_shared>>
      tpu.enqueue_dma source(%arg12 : memref<1296xi32, #tpu.memory_space<vmem>>) target(%dma_start3A_187 : memref<1296xi32, #tpu.memory_space<vmem_shared>>) target_semaphore(%run_scoped3A : memref<!tpu.dma_semaphore, #tpu.memory_space<semaphore_mem>>)
      %dma_wait3A_188 = arith.constant 0 : i32
      %dma_wait3A_189 = tpu.memref_slice %arg19[%arg1, %dma_wait3A_188] : memref<16x1296xi32, #tpu.memory_space<vmem_shared>> -> memref<1x1296xi32, #tpu.memory_space<vmem_shared>>
      %dma_wait3A_190 = tpu.memref_squeeze %dma_wait3A_189 : memref<1x1296xi32, #tpu.memory_space<vmem_shared>> -> memref<1296xi32, #tpu.memory_space<vmem_shared>>
      %dma_wait3A_191 = arith.constant 0 : i32
      %dma_wait3A_192 = tpu.memref_slice %arg19[%arg1, %dma_wait3A_191] : memref<16x1296xi32, #tpu.memory_space<vmem_shared>> -> memref<1x1296xi32, #tpu.memory_space<vmem_shared>>
      %dma_wait3A_193 = tpu.memref_squeeze %dma_wait3A_192 : memref<1x1296xi32, #tpu.memory_space<vmem_shared>> -> memref<1296xi32, #tpu.memory_space<vmem_shared>>
      tpu.wait_dma2 semaphore(%run_scoped3A : memref<!tpu.dma_semaphore, #tpu.memory_space<semaphore_mem>>) src(%arg12 : memref<1296xi32, #tpu.memory_space<vmem>>) dst(%dma_wait3A_193 : memref<1296xi32, #tpu.memory_space<vmem_shared>>)
      tpu.yield
    }) : () -> ()
    %barrier3A_169 = arith.constant 0 : index
    tpu.barrier barrier_id(%barrier3A_169)
    %eq3A_170 = arith.constant 0 : i32
    %eq3A_171 = arith.cmpi eq, %arg1, %eq3A_170 : i32
    %convert_element_type3A = arith.extui %eq3A_171 : i1 to i32
    %cond3A = arith.constant 0 : i32
    %cond3A_172 = arith.cmpi ne, %convert_element_type3A, %cond3A : i32
    scf.if %cond3A_172 {
      "tpu.region"() ({
        %run_scoped3A = tpu.sem_alloc : memref<!tpu.dma_semaphore, #tpu.memory_space<semaphore_mem>>
        tpu.enqueue_dma source(%arg17 : memref<16x16xi32, #tpu.memory_space<vmem_shared>>) target(%arg10 : memref<16x16xi32, #tpu.memory_space<vmem>>) target_semaphore(%run_scoped3A : memref<!tpu.dma_semaphore, #tpu.memory_space<semaphore_mem>>)
        tpu.wait_dma2 semaphore(%run_scoped3A : memref<!tpu.dma_semaphore, #tpu.memory_space<semaphore_mem>>) src(%arg17 : memref<16x16xi32, #tpu.memory_space<vmem_shared>>) dst(%arg10 : memref<16x16xi32, #tpu.memory_space<vmem>>)
        tpu.yield
      }) : () -> ()
      %broadcast_in_dim3A_182 = arith.constant 0 : i32
      %broadcast_in_dim3A_183 = vector.broadcast %broadcast_in_dim3A_182 : i32 to vector<16xi32>
      %broadcast_in_dim3A_184 = arith.constant 0 : i32
      %broadcast_in_dim3A_185 = vector.broadcast %broadcast_in_dim3A_184 : i32 to vector<16xi32>
      %get3A = arith.constant 0 : i32
      %get3A_186 = arith.index_cast %get3A : i32 to index
      %get3A_187 = arith.constant 0 : index
      %get3A_188 = tpu.vector_load %arg10[%get3A_186, %get3A_187] {strides = array<i32>} : memref<16x16xi32, #tpu.memory_space<vmem>>, vector<16xi32>,
      %eq3A_189 = arith.constant 0 : i32
      %eq3A_190 = vector.broadcast %eq3A_189 : i32 to vector<16xi32>
      %eq3A_191 = arith.cmpi eq, %iota3A, %eq3A_190 : vector<16xi32>
      %slice3A = vector.extract_strided_slice %get3A_188 {offsets = [0], sizes = [1], strides = [1]} : vector<16xi32> to vector<1xi32>
      %squeeze3A = vector.extract %slice3A[0] : i32 from vector<1xi32>
      %broadcast_in_dim3A_192 = vector.broadcast %squeeze3A : i32 to vector<16xi32>
      %select_n3A_193 = arith.select %eq3A_191, %broadcast_in_dim3A_192, %broadcast_in_dim3A_183 : vector<16xi1>, vector<16xi32>
      %eq3A_194 = arith.constant 0 : i32
      %eq3A_195 = vector.broadcast %eq3A_194 : i32 to vector<16xi32>
      %eq3A_196 = arith.cmpi eq, %iota3A, %eq3A_195 : vector<16xi32>
      %slice3A_197 = vector.extract_strided_slice %get3A_188 {offsets = [1], sizes = [1], strides = [1]} : vector<16xi32> to vector<1xi32>
      %squeeze3A_198 = vector.extract %slice3A_197[0] : i32 from vector<1xi32>
      %broadcast_in_dim3A_199 = vector.broadcast %squeeze3A_198 : i32 to vector<16xi32>
      %select_n3A_200 = arith.select %eq3A_196, %broadcast_in_dim3A_199, %broadcast_in_dim3A_185 : vector<16xi1>, vector<16xi32>
      %get3A_201 = arith.constant 1 : i32
      %get3A_202 = arith.index_cast %get3A_201 : i32 to index
      %get3A_203 = arith.constant 0 : index
      %get3A_204 = tpu.vector_load %arg10[%get3A_202, %get3A_203] {strides = array<i32>} : memref<16x16xi32, #tpu.memory_space<vmem>>, vector<16xi32>,
      %eq3A_205 = arith.constant 1 : i32
      %eq3A_206 = vector.broadcast %eq3A_205 : i32 to vector<16xi32>
      %eq3A_207 = arith.cmpi eq, %iota3A, %eq3A_206 : vector<16xi32>
      %slice3A_208 = vector.extract_strided_slice %get3A_204 {offsets = [0], sizes = [1], strides = [1]} : vector<16xi32> to vector<1xi32>
      %squeeze3A_209 = vector.extract %slice3A_208[0] : i32 from vector<1xi32>
      %broadcast_in_dim3A_210 = vector.broadcast %squeeze3A_209 : i32 to vector<16xi32>
      %select_n3A_211 = arith.select %eq3A_207, %broadcast_in_dim3A_210, %select_n3A_193 : vector<16xi1>, vector<16xi32>
      %eq3A_212 = arith.constant 1 : i32
      %eq3A_213 = vector.broadcast %eq3A_212 : i32 to vector<16xi32>
      %eq3A_214 = arith.cmpi eq, %iota3A, %eq3A_213 : vector<16xi32>
      %slice3A_215 = vector.extract_strided_slice %get3A_204 {offsets = [1], sizes = [1], strides = [1]} : vector<16xi32> to vector<1xi32>
      %squeeze3A_216 = vector.extract %slice3A_215[0] : i32 from vector<1xi32>
      %broadcast_in_dim3A_217 = vector.broadcast %squeeze3A_216 : i32 to vector<16xi32>
      %select_n3A_218 = arith.select %eq3A_214, %broadcast_in_dim3A_217, %select_n3A_200 : vector<16xi1>, vector<16xi32>
      %get3A_219 = arith.constant 2 : i32
      %get3A_220 = arith.index_cast %get3A_219 : i32 to index
      %get3A_221 = arith.constant 0 : index
      %get3A_222 = tpu.vector_load %arg10[%get3A_220, %get3A_221] {strides = array<i32>} : memref<16x16xi32, #tpu.memory_space<vmem>>, vector<16xi32>,
      %eq3A_223 = arith.constant 2 : i32
      %eq3A_224 = vector.broadcast %eq3A_223 : i32 to vector<16xi32>
      %eq3A_225 = arith.cmpi eq, %iota3A, %eq3A_224 : vector<16xi32>
      %slice3A_226 = vector.extract_strided_slice %get3A_222 {offsets = [0], sizes = [1], strides = [1]} : vector<16xi32> to vector<1xi32>
      %squeeze3A_227 = vector.extract %slice3A_226[0] : i32 from vector<1xi32>
      %broadcast_in_dim3A_228 = vector.broadcast %squeeze3A_227 : i32 to vector<16xi32>
      %select_n3A_229 = arith.select %eq3A_225, %broadcast_in_dim3A_228, %select_n3A_211 : vector<16xi1>, vector<16xi32>
      %eq3A_230 = arith.constant 2 : i32
      %eq3A_231 = vector.broadcast %eq3A_230 : i32 to vector<16xi32>
      %eq3A_232 = arith.cmpi eq, %iota3A, %eq3A_231 : vector<16xi32>
      %slice3A_233 = vector.extract_strided_slice %get3A_222 {offsets = [1], sizes = [1], strides = [1]} : vector<16xi32> to vector<1xi32>
      %squeeze3A_234 = vector.extract %slice3A_233[0] : i32 from vector<1xi32>
      %broadcast_in_dim3A_235 = vector.broadcast %squeeze3A_234 : i32 to vector<16xi32>
      %select_n3A_236 = arith.select %eq3A_232, %broadcast_in_dim3A_235, %select_n3A_218 : vector<16xi1>, vector<16xi32>
      %get3A_237 = arith.constant 3 : i32
      %get3A_238 = arith.index_cast %get3A_237 : i32 to index
      %get3A_239 = arith.constant 0 : index
      %get3A_240 = tpu.vector_load %arg10[%get3A_238, %get3A_239] {strides = array<i32>} : memref<16x16xi32, #tpu.memory_space<vmem>>, vector<16xi32>,
      %eq3A_241 = arith.constant 3 : i32
      %eq3A_242 = vector.broadcast %eq3A_241 : i32 to vector<16xi32>
      %eq3A_243 = arith.cmpi eq, %iota3A, %eq3A_242 : vector<16xi32>
      %slice3A_244 = vector.extract_strided_slice %get3A_240 {offsets = [0], sizes = [1], strides = [1]} : vector<16xi32> to vector<1xi32>
      %squeeze3A_245 = vector.extract %slice3A_244[0] : i32 from vector<1xi32>
      %broadcast_in_dim3A_246 = vector.broadcast %squeeze3A_245 : i32 to vector<16xi32>
      %select_n3A_247 = arith.select %eq3A_243, %broadcast_in_dim3A_246, %select_n3A_229 : vector<16xi1>, vector<16xi32>
      %eq3A_248 = arith.constant 3 : i32
      %eq3A_249 = vector.broadcast %eq3A_248 : i32 to vector<16xi32>
      %eq3A_250 = arith.cmpi eq, %iota3A, %eq3A_249 : vector<16xi32>
      %slice3A_251 = vector.extract_strided_slice %get3A_240 {offsets = [1], sizes = [1], strides = [1]} : vector<16xi32> to vector<1xi32>
      %squeeze3A_252 = vector.extract %slice3A_251[0] : i32 from vector<1xi32>
      %broadcast_in_dim3A_253 = vector.broadcast %squeeze3A_252 : i32 to vector<16xi32>
      %select_n3A_254 = arith.select %eq3A_250, %broadcast_in_dim3A_253, %select_n3A_236 : vector<16xi1>, vector<16xi32>
      %get3A_255 = arith.constant 4 : i32
      %get3A_256 = arith.index_cast %get3A_255 : i32 to index
      %get3A_257 = arith.constant 0 : index
      %get3A_258 = tpu.vector_load %arg10[%get3A_256, %get3A_257] {strides = array<i32>} : memref<16x16xi32, #tpu.memory_space<vmem>>, vector<16xi32>,
      %eq3A_259 = arith.constant 4 : i32
      %eq3A_260 = vector.broadcast %eq3A_259 : i32 to vector<16xi32>
      %eq3A_261 = arith.cmpi eq, %iota3A, %eq3A_260 : vector<16xi32>
      %slice3A_262 = vector.extract_strided_slice %get3A_258 {offsets = [0], sizes = [1], strides = [1]} : vector<16xi32> to vector<1xi32>
      %squeeze3A_263 = vector.extract %slice3A_262[0] : i32 from vector<1xi32>
      %broadcast_in_dim3A_264 = vector.broadcast %squeeze3A_263 : i32 to vector<16xi32>
      %select_n3A_265 = arith.select %eq3A_261, %broadcast_in_dim3A_264, %select_n3A_247 : vector<16xi1>, vector<16xi32>
      %eq3A_266 = arith.constant 4 : i32
      %eq3A_267 = vector.broadcast %eq3A_266 : i32 to vector<16xi32>
      %eq3A_268 = arith.cmpi eq, %iota3A, %eq3A_267 : vector<16xi32>
      %slice3A_269 = vector.extract_strided_slice %get3A_258 {offsets = [1], sizes = [1], strides = [1]} : vector<16xi32> to vector<1xi32>
      %squeeze3A_270 = vector.extract %slice3A_269[0] : i32 from vector<1xi32>
      %broadcast_in_dim3A_271 = vector.broadcast %squeeze3A_270 : i32 to vector<16xi32>
      %select_n3A_272 = arith.select %eq3A_268, %broadcast_in_dim3A_271, %select_n3A_254 : vector<16xi1>, vector<16xi32>
      %get3A_273 = arith.constant 5 : i32
      %get3A_274 = arith.index_cast %get3A_273 : i32 to index
      %get3A_275 = arith.constant 0 : index
      %get3A_276 = tpu.vector_load %arg10[%get3A_274, %get3A_275] {strides = array<i32>} : memref<16x16xi32, #tpu.memory_space<vmem>>, vector<16xi32>,
      %eq3A_277 = arith.constant 5 : i32
      %eq3A_278 = vector.broadcast %eq3A_277 : i32 to vector<16xi32>
      %eq3A_279 = arith.cmpi eq, %iota3A, %eq3A_278 : vector<16xi32>
      %slice3A_280 = vector.extract_strided_slice %get3A_276 {offsets = [0], sizes = [1], strides = [1]} : vector<16xi32> to vector<1xi32>
      %squeeze3A_281 = vector.extract %slice3A_280[0] : i32 from vector<1xi32>
      %broadcast_in_dim3A_282 = vector.broadcast %squeeze3A_281 : i32 to vector<16xi32>
      %select_n3A_283 = arith.select %eq3A_279, %broadcast_in_dim3A_282, %select_n3A_265 : vector<16xi1>, vector<16xi32>
      %eq3A_284 = arith.constant 5 : i32
      %eq3A_285 = vector.broadcast %eq3A_284 : i32 to vector<16xi32>
      %eq3A_286 = arith.cmpi eq, %iota3A, %eq3A_285 : vector<16xi32>
      %slice3A_287 = vector.extract_strided_slice %get3A_276 {offsets = [1], sizes = [1], strides = [1]} : vector<16xi32> to vector<1xi32>
      %squeeze3A_288 = vector.extract %slice3A_287[0] : i32 from vector<1xi32>
      %broadcast_in_dim3A_289 = vector.broadcast %squeeze3A_288 : i32 to vector<16xi32>
      %select_n3A_290 = arith.select %eq3A_286, %broadcast_in_dim3A_289, %select_n3A_272 : vector<16xi1>, vector<16xi32>
      %get3A_291 = arith.constant 6 : i32
      %get3A_292 = arith.index_cast %get3A_291 : i32 to index
      %get3A_293 = arith.constant 0 : index
      %get3A_294 = tpu.vector_load %arg10[%get3A_292, %get3A_293] {strides = array<i32>} : memref<16x16xi32, #tpu.memory_space<vmem>>, vector<16xi32>,
      %eq3A_295 = arith.constant 6 : i32
      %eq3A_296 = vector.broadcast %eq3A_295 : i32 to vector<16xi32>
      %eq3A_297 = arith.cmpi eq, %iota3A, %eq3A_296 : vector<16xi32>
      %slice3A_298 = vector.extract_strided_slice %get3A_294 {offsets = [0], sizes = [1], strides = [1]} : vector<16xi32> to vector<1xi32>
      %squeeze3A_299 = vector.extract %slice3A_298[0] : i32 from vector<1xi32>
      %broadcast_in_dim3A_300 = vector.broadcast %squeeze3A_299 : i32 to vector<16xi32>
      %select_n3A_301 = arith.select %eq3A_297, %broadcast_in_dim3A_300, %select_n3A_283 : vector<16xi1>, vector<16xi32>
      %eq3A_302 = arith.constant 6 : i32
      %eq3A_303 = vector.broadcast %eq3A_302 : i32 to vector<16xi32>
      %eq3A_304 = arith.cmpi eq, %iota3A, %eq3A_303 : vector<16xi32>
      %slice3A_305 = vector.extract_strided_slice %get3A_294 {offsets = [1], sizes = [1], strides = [1]} : vector<16xi32> to vector<1xi32>
      %squeeze3A_306 = vector.extract %slice3A_305[0] : i32 from vector<1xi32>
      %broadcast_in_dim3A_307 = vector.broadcast %squeeze3A_306 : i32 to vector<16xi32>
      %select_n3A_308 = arith.select %eq3A_304, %broadcast_in_dim3A_307, %select_n3A_290 : vector<16xi1>, vector<16xi32>
      %get3A_309 = arith.constant 7 : i32
      %get3A_310 = arith.index_cast %get3A_309 : i32 to index
      %get3A_311 = arith.constant 0 : index
      %get3A_312 = tpu.vector_load %arg10[%get3A_310, %get3A_311] {strides = array<i32>} : memref<16x16xi32, #tpu.memory_space<vmem>>, vector<16xi32>,
      %eq3A_313 = arith.constant 7 : i32
      %eq3A_314 = vector.broadcast %eq3A_313 : i32 to vector<16xi32>
      %eq3A_315 = arith.cmpi eq, %iota3A, %eq3A_314 : vector<16xi32>
      %slice3A_316 = vector.extract_strided_slice %get3A_312 {offsets = [0], sizes = [1], strides = [1]} : vector<16xi32> to vector<1xi32>
      %squeeze3A_317 = vector.extract %slice3A_316[0] : i32 from vector<1xi32>
      %broadcast_in_dim3A_318 = vector.broadcast %squeeze3A_317 : i32 to vector<16xi32>
      %select_n3A_319 = arith.select %eq3A_315, %broadcast_in_dim3A_318, %select_n3A_301 : vector<16xi1>, vector<16xi32>
      %eq3A_320 = arith.constant 7 : i32
      %eq3A_321 = vector.broadcast %eq3A_320 : i32 to vector<16xi32>
      %eq3A_322 = arith.cmpi eq, %iota3A, %eq3A_321 : vector<16xi32>
      %slice3A_323 = vector.extract_strided_slice %get3A_312 {offsets = [1], sizes = [1], strides = [1]} : vector<16xi32> to vector<1xi32>
      %squeeze3A_324 = vector.extract %slice3A_323[0] : i32 from vector<1xi32>
      %broadcast_in_dim3A_325 = vector.broadcast %squeeze3A_324 : i32 to vector<16xi32>
      %select_n3A_326 = arith.select %eq3A_322, %broadcast_in_dim3A_325, %select_n3A_308 : vector<16xi1>, vector<16xi32>
      %get3A_327 = arith.constant 8 : i32
      %get3A_328 = arith.index_cast %get3A_327 : i32 to index
      %get3A_329 = arith.constant 0 : index
      %get3A_330 = tpu.vector_load %arg10[%get3A_328, %get3A_329] {strides = array<i32>} : memref<16x16xi32, #tpu.memory_space<vmem>>, vector<16xi32>,
      %eq3A_331 = arith.constant 8 : i32
      %eq3A_332 = vector.broadcast %eq3A_331 : i32 to vector<16xi32>
      %eq3A_333 = arith.cmpi eq, %iota3A, %eq3A_332 : vector<16xi32>
      %slice3A_334 = vector.extract_strided_slice %get3A_330 {offsets = [0], sizes = [1], strides = [1]} : vector<16xi32> to vector<1xi32>
      %squeeze3A_335 = vector.extract %slice3A_334[0] : i32 from vector<1xi32>
      %broadcast_in_dim3A_336 = vector.broadcast %squeeze3A_335 : i32 to vector<16xi32>
      %select_n3A_337 = arith.select %eq3A_333, %broadcast_in_dim3A_336, %select_n3A_319 : vector<16xi1>, vector<16xi32>
      %eq3A_338 = arith.constant 8 : i32
      %eq3A_339 = vector.broadcast %eq3A_338 : i32 to vector<16xi32>
      %eq3A_340 = arith.cmpi eq, %iota3A, %eq3A_339 : vector<16xi32>
      %slice3A_341 = vector.extract_strided_slice %get3A_330 {offsets = [1], sizes = [1], strides = [1]} : vector<16xi32> to vector<1xi32>
      %squeeze3A_342 = vector.extract %slice3A_341[0] : i32 from vector<1xi32>
      %broadcast_in_dim3A_343 = vector.broadcast %squeeze3A_342 : i32 to vector<16xi32>
      %select_n3A_344 = arith.select %eq3A_340, %broadcast_in_dim3A_343, %select_n3A_326 : vector<16xi1>, vector<16xi32>
      %get3A_345 = arith.constant 9 : i32
      %get3A_346 = arith.index_cast %get3A_345 : i32 to index
      %get3A_347 = arith.constant 0 : index
      %get3A_348 = tpu.vector_load %arg10[%get3A_346, %get3A_347] {strides = array<i32>} : memref<16x16xi32, #tpu.memory_space<vmem>>, vector<16xi32>,
      %eq3A_349 = arith.constant 9 : i32
      %eq3A_350 = vector.broadcast %eq3A_349 : i32 to vector<16xi32>
      %eq3A_351 = arith.cmpi eq, %iota3A, %eq3A_350 : vector<16xi32>
      %slice3A_352 = vector.extract_strided_slice %get3A_348 {offsets = [0], sizes = [1], strides = [1]} : vector<16xi32> to vector<1xi32>
      %squeeze3A_353 = vector.extract %slice3A_352[0] : i32 from vector<1xi32>
      %broadcast_in_dim3A_354 = vector.broadcast %squeeze3A_353 : i32 to vector<16xi32>
      %select_n3A_355 = arith.select %eq3A_351, %broadcast_in_dim3A_354, %select_n3A_337 : vector<16xi1>, vector<16xi32>
      %eq3A_356 = arith.constant 9 : i32
      %eq3A_357 = vector.broadcast %eq3A_356 : i32 to vector<16xi32>
      %eq3A_358 = arith.cmpi eq, %iota3A, %eq3A_357 : vector<16xi32>
      %slice3A_359 = vector.extract_strided_slice %get3A_348 {offsets = [1], sizes = [1], strides = [1]} : vector<16xi32> to vector<1xi32>
      %squeeze3A_360 = vector.extract %slice3A_359[0] : i32 from vector<1xi32>
      %broadcast_in_dim3A_361 = vector.broadcast %squeeze3A_360 : i32 to vector<16xi32>
      %select_n3A_362 = arith.select %eq3A_358, %broadcast_in_dim3A_361, %select_n3A_344 : vector<16xi1>, vector<16xi32>
      %get3A_363 = arith.constant 10 : i32
      %get3A_364 = arith.index_cast %get3A_363 : i32 to index
      %get3A_365 = arith.constant 0 : index
      %get3A_366 = tpu.vector_load %arg10[%get3A_364, %get3A_365] {strides = array<i32>} : memref<16x16xi32, #tpu.memory_space<vmem>>, vector<16xi32>,
      %eq3A_367 = arith.constant 10 : i32
      %eq3A_368 = vector.broadcast %eq3A_367 : i32 to vector<16xi32>
      %eq3A_369 = arith.cmpi eq, %iota3A, %eq3A_368 : vector<16xi32>
      %slice3A_370 = vector.extract_strided_slice %get3A_366 {offsets = [0], sizes = [1], strides = [1]} : vector<16xi32> to vector<1xi32>
      %squeeze3A_371 = vector.extract %slice3A_370[0] : i32 from vector<1xi32>
      %broadcast_in_dim3A_372 = vector.broadcast %squeeze3A_371 : i32 to vector<16xi32>
      %select_n3A_373 = arith.select %eq3A_369, %broadcast_in_dim3A_372, %select_n3A_355 : vector<16xi1>, vector<16xi32>
      %eq3A_374 = arith.constant 10 : i32
      %eq3A_375 = vector.broadcast %eq3A_374 : i32 to vector<16xi32>
      %eq3A_376 = arith.cmpi eq, %iota3A, %eq3A_375 : vector<16xi32>
      %slice3A_377 = vector.extract_strided_slice %get3A_366 {offsets = [1], sizes = [1], strides = [1]} : vector<16xi32> to vector<1xi32>
      %squeeze3A_378 = vector.extract %slice3A_377[0] : i32 from vector<1xi32>
      %broadcast_in_dim3A_379 = vector.broadcast %squeeze3A_378 : i32 to vector<16xi32>
      %select_n3A_380 = arith.select %eq3A_376, %broadcast_in_dim3A_379, %select_n3A_362 : vector<16xi1>, vector<16xi32>
      %get3A_381 = arith.constant 11 : i32
      %get3A_382 = arith.index_cast %get3A_381 : i32 to index
      %get3A_383 = arith.constant 0 : index
      %get3A_384 = tpu.vector_load %arg10[%get3A_382, %get3A_383] {strides = array<i32>} : memref<16x16xi32, #tpu.memory_space<vmem>>, vector<16xi32>,
      %eq3A_385 = arith.constant 11 : i32
      %eq3A_386 = vector.broadcast %eq3A_385 : i32 to vector<16xi32>
      %eq3A_387 = arith.cmpi eq, %iota3A, %eq3A_386 : vector<16xi32>
      %slice3A_388 = vector.extract_strided_slice %get3A_384 {offsets = [0], sizes = [1], strides = [1]} : vector<16xi32> to vector<1xi32>
      %squeeze3A_389 = vector.extract %slice3A_388[0] : i32 from vector<1xi32>
      %broadcast_in_dim3A_390 = vector.broadcast %squeeze3A_389 : i32 to vector<16xi32>
      %select_n3A_391 = arith.select %eq3A_387, %broadcast_in_dim3A_390, %select_n3A_373 : vector<16xi1>, vector<16xi32>
      %eq3A_392 = arith.constant 11 : i32
      %eq3A_393 = vector.broadcast %eq3A_392 : i32 to vector<16xi32>
      %eq3A_394 = arith.cmpi eq, %iota3A, %eq3A_393 : vector<16xi32>
      %slice3A_395 = vector.extract_strided_slice %get3A_384 {offsets = [1], sizes = [1], strides = [1]} : vector<16xi32> to vector<1xi32>
      %squeeze3A_396 = vector.extract %slice3A_395[0] : i32 from vector<1xi32>
      %broadcast_in_dim3A_397 = vector.broadcast %squeeze3A_396 : i32 to vector<16xi32>
      %select_n3A_398 = arith.select %eq3A_394, %broadcast_in_dim3A_397, %select_n3A_380 : vector<16xi1>, vector<16xi32>
      %get3A_399 = arith.constant 12 : i32
      %get3A_400 = arith.index_cast %get3A_399 : i32 to index
      %get3A_401 = arith.constant 0 : index
      %get3A_402 = tpu.vector_load %arg10[%get3A_400, %get3A_401] {strides = array<i32>} : memref<16x16xi32, #tpu.memory_space<vmem>>, vector<16xi32>,
      %eq3A_403 = arith.constant 12 : i32
      %eq3A_404 = vector.broadcast %eq3A_403 : i32 to vector<16xi32>
      %eq3A_405 = arith.cmpi eq, %iota3A, %eq3A_404 : vector<16xi32>
      %slice3A_406 = vector.extract_strided_slice %get3A_402 {offsets = [0], sizes = [1], strides = [1]} : vector<16xi32> to vector<1xi32>
      %squeeze3A_407 = vector.extract %slice3A_406[0] : i32 from vector<1xi32>
      %broadcast_in_dim3A_408 = vector.broadcast %squeeze3A_407 : i32 to vector<16xi32>
      %select_n3A_409 = arith.select %eq3A_405, %broadcast_in_dim3A_408, %select_n3A_391 : vector<16xi1>, vector<16xi32>
      %eq3A_410 = arith.constant 12 : i32
      %eq3A_411 = vector.broadcast %eq3A_410 : i32 to vector<16xi32>
      %eq3A_412 = arith.cmpi eq, %iota3A, %eq3A_411 : vector<16xi32>
      %slice3A_413 = vector.extract_strided_slice %get3A_402 {offsets = [1], sizes = [1], strides = [1]} : vector<16xi32> to vector<1xi32>
      %squeeze3A_414 = vector.extract %slice3A_413[0] : i32 from vector<1xi32>
      %broadcast_in_dim3A_415 = vector.broadcast %squeeze3A_414 : i32 to vector<16xi32>
      %select_n3A_416 = arith.select %eq3A_412, %broadcast_in_dim3A_415, %select_n3A_398 : vector<16xi1>, vector<16xi32>
      %get3A_417 = arith.constant 13 : i32
      %get3A_418 = arith.index_cast %get3A_417 : i32 to index
      %get3A_419 = arith.constant 0 : index
      %get3A_420 = tpu.vector_load %arg10[%get3A_418, %get3A_419] {strides = array<i32>} : memref<16x16xi32, #tpu.memory_space<vmem>>, vector<16xi32>,
      %eq3A_421 = arith.constant 13 : i32
      %eq3A_422 = vector.broadcast %eq3A_421 : i32 to vector<16xi32>
      %eq3A_423 = arith.cmpi eq, %iota3A, %eq3A_422 : vector<16xi32>
      %slice3A_424 = vector.extract_strided_slice %get3A_420 {offsets = [0], sizes = [1], strides = [1]} : vector<16xi32> to vector<1xi32>
      %squeeze3A_425 = vector.extract %slice3A_424[0] : i32 from vector<1xi32>
      %broadcast_in_dim3A_426 = vector.broadcast %squeeze3A_425 : i32 to vector<16xi32>
      %select_n3A_427 = arith.select %eq3A_423, %broadcast_in_dim3A_426, %select_n3A_409 : vector<16xi1>, vector<16xi32>
      %eq3A_428 = arith.constant 13 : i32
      %eq3A_429 = vector.broadcast %eq3A_428 : i32 to vector<16xi32>
      %eq3A_430 = arith.cmpi eq, %iota3A, %eq3A_429 : vector<16xi32>
      %slice3A_431 = vector.extract_strided_slice %get3A_420 {offsets = [1], sizes = [1], strides = [1]} : vector<16xi32> to vector<1xi32>
      %squeeze3A_432 = vector.extract %slice3A_431[0] : i32 from vector<1xi32>
      %broadcast_in_dim3A_433 = vector.broadcast %squeeze3A_432 : i32 to vector<16xi32>
      %select_n3A_434 = arith.select %eq3A_430, %broadcast_in_dim3A_433, %select_n3A_416 : vector<16xi1>, vector<16xi32>
      %get3A_435 = arith.constant 14 : i32
      %get3A_436 = arith.index_cast %get3A_435 : i32 to index
      %get3A_437 = arith.constant 0 : index
      %get3A_438 = tpu.vector_load %arg10[%get3A_436, %get3A_437] {strides = array<i32>} : memref<16x16xi32, #tpu.memory_space<vmem>>, vector<16xi32>,
      %eq3A_439 = arith.constant 14 : i32
      %eq3A_440 = vector.broadcast %eq3A_439 : i32 to vector<16xi32>
      %eq3A_441 = arith.cmpi eq, %iota3A, %eq3A_440 : vector<16xi32>
      %slice3A_442 = vector.extract_strided_slice %get3A_438 {offsets = [0], sizes = [1], strides = [1]} : vector<16xi32> to vector<1xi32>
      %squeeze3A_443 = vector.extract %slice3A_442[0] : i32 from vector<1xi32>
      %broadcast_in_dim3A_444 = vector.broadcast %squeeze3A_443 : i32 to vector<16xi32>
      %select_n3A_445 = arith.select %eq3A_441, %broadcast_in_dim3A_444, %select_n3A_427 : vector<16xi1>, vector<16xi32>
      %eq3A_446 = arith.constant 14 : i32
      %eq3A_447 = vector.broadcast %eq3A_446 : i32 to vector<16xi32>
      %eq3A_448 = arith.cmpi eq, %iota3A, %eq3A_447 : vector<16xi32>
      %slice3A_449 = vector.extract_strided_slice %get3A_438 {offsets = [1], sizes = [1], strides = [1]} : vector<16xi32> to vector<1xi32>
      %squeeze3A_450 = vector.extract %slice3A_449[0] : i32 from vector<1xi32>
      %broadcast_in_dim3A_451 = vector.broadcast %squeeze3A_450 : i32 to vector<16xi32>
      %select_n3A_452 = arith.select %eq3A_448, %broadcast_in_dim3A_451, %select_n3A_434 : vector<16xi1>, vector<16xi32>
      %get3A_453 = arith.constant 15 : i32
      %get3A_454 = arith.index_cast %get3A_453 : i32 to index
      %get3A_455 = arith.constant 0 : index
      %get3A_456 = tpu.vector_load %arg10[%get3A_454, %get3A_455] {strides = array<i32>} : memref<16x16xi32, #tpu.memory_space<vmem>>, vector<16xi32>,
      %eq3A_457 = arith.constant 15 : i32
      %eq3A_458 = vector.broadcast %eq3A_457 : i32 to vector<16xi32>
      %eq3A_459 = arith.cmpi eq, %iota3A, %eq3A_458 : vector<16xi32>
      %slice3A_460 = vector.extract_strided_slice %get3A_456 {offsets = [0], sizes = [1], strides = [1]} : vector<16xi32> to vector<1xi32>
      %squeeze3A_461 = vector.extract %slice3A_460[0] : i32 from vector<1xi32>
      %broadcast_in_dim3A_462 = vector.broadcast %squeeze3A_461 : i32 to vector<16xi32>
      %select_n3A_463 = arith.select %eq3A_459, %broadcast_in_dim3A_462, %select_n3A_445 : vector<16xi1>, vector<16xi32>
      %eq3A_464 = arith.constant 15 : i32
      %eq3A_465 = vector.broadcast %eq3A_464 : i32 to vector<16xi32>
      %eq3A_466 = arith.cmpi eq, %iota3A, %eq3A_465 : vector<16xi32>
      %slice3A_467 = vector.extract_strided_slice %get3A_456 {offsets = [1], sizes = [1], strides = [1]} : vector<16xi32> to vector<1xi32>
      %squeeze3A_468 = vector.extract %slice3A_467[0] : i32 from vector<1xi32>
      %broadcast_in_dim3A_469 = vector.broadcast %squeeze3A_468 : i32 to vector<16xi32>
      %select_n3A_470 = arith.select %eq3A_466, %broadcast_in_dim3A_469, %select_n3A_452 : vector<16xi1>, vector<16xi32>
      %cumsum3A = arith.constant true
      %cumsum3A_471 = vector.broadcast %cumsum3A : i1 to vector<16xi1>
      %cumsum3A_472 = tpu.scan <sum>, %select_n3A_463 masked %cumsum3A_471 : vector<16xi32>, vector<16xi1> -> vector<16xi32>
      %sub3A_473 = arith.subi %cumsum3A_472, %select_n3A_463 : vector<16xi32>
      %reduce_sum3A = arith.constant true
      %reduce_sum3A_474 = vector.broadcast %reduce_sum3A : i1 to vector<16xi1>
      %reduce_sum3A_475 = tpu.scan <sum>, %select_n3A_463 masked %reduce_sum3A_474 : vector<16xi32>, vector<16xi1> -> vector<16xi32>
      %reduce_sum3A_476 = vector.extract %reduce_sum3A_475[15] : i32 from vector<16xi32>
      %cumsum3A_477 = arith.constant true
      %cumsum3A_478 = vector.broadcast %cumsum3A_477 : i1 to vector<16xi1>
      %cumsum3A_479 = tpu.scan <sum>, %select_n3A_470 masked %cumsum3A_478 : vector<16xi32>, vector<16xi1> -> vector<16xi32>
      %sub3A_480 = arith.subi %cumsum3A_479, %select_n3A_470 : vector<16xi32>
      %sub3A_481 = vector.broadcast %sub3A_147 : i32 to vector<16xi32>
      %sub3A_482 = arith.subi %sub3A_481, %sub3A_480 : vector<16xi32>
      %jit3A_483 = arith.constant 0 : i32
      %max3A = vector.broadcast %jit3A_483 : i32 to vector<16xi32>
      %max3A_484 = arith.maxsi %max3A, %sub3A_482 : vector<16xi32>
      %min3A = arith.minsi %select_n3A_470, %max3A_484 : vector<16xi32>
      %cumsum3A_485 = arith.constant true
      %cumsum3A_486 = vector.broadcast %cumsum3A_485 : i1 to vector<16xi1>
      %cumsum3A_487 = tpu.scan <sum>, %min3A masked %cumsum3A_486 : vector<16xi32>, vector<16xi1> -> vector<16xi32>
      %add3A = vector.broadcast %reduce_sum3A_476 : i32 to vector<16xi32>
      %add3A_488 = arith.addi %add3A, %cumsum3A_487 : vector<16xi32>
      %sub3A_489 = arith.subi %add3A_488, %min3A : vector<16xi32>
      %scan3A_490 = arith.constant 0 : i32
      %scan3A_491 = arith.constant 0 : i32
      %scan3A_492 = arith.constant 16 : i32
      %scan3A_493 = arith.addi %scan3A_491, %scan3A_492 : i32
      %scan3A_494 = arith.constant 1 : i32
      %scan3A_495 = scf.for %scan3A_514 = %scan3A_491 to %scan3A_493 step %scan3A_494 iter_args(%scan3A_515 = %scan3A_490) -> (i32)  : i32 {
        %eq3A_516 = vector.broadcast %scan3A_514 : i32 to vector<16xi32>
        %eq3A_517 = arith.cmpi eq, %iota3A, %eq3A_516 : vector<16xi32>
        %jit3A_518 = arith.constant 0 : i32
        %broadcast_in_dim3A_519 = vector.broadcast %jit3A_518 : i32 to vector<16xi32>
        %select_n3A_520 = arith.select %eq3A_517, %select_n3A_463, %broadcast_in_dim3A_519 : vector<16xi1>, vector<16xi32>
        %reduce_sum3A_521 = arith.constant true
        %reduce_sum3A_522 = vector.broadcast %reduce_sum3A_521 : i1 to vector<16xi1>
        %reduce_sum3A_523 = tpu.scan <sum>, %select_n3A_520 masked %reduce_sum3A_522 : vector<16xi32>, vector<16xi1> -> vector<16xi32>
        %reduce_sum3A_524 = vector.extract %reduce_sum3A_523[15] : i32 from vector<16xi32>
        %eq3A_525 = vector.broadcast %scan3A_514 : i32 to vector<16xi32>
        %eq3A_526 = arith.cmpi eq, %iota3A, %eq3A_525 : vector<16xi32>
        %jit3A_527 = arith.constant 0 : i32
        %broadcast_in_dim3A_528 = vector.broadcast %jit3A_527 : i32 to vector<16xi32>
        %select_n3A_529 = arith.select %eq3A_526, %sub3A_473, %broadcast_in_dim3A_528 : vector<16xi1>, vector<16xi32>
        %reduce_sum3A_530 = arith.constant true
        %reduce_sum3A_531 = vector.broadcast %reduce_sum3A_530 : i1 to vector<16xi1>
        %reduce_sum3A_532 = tpu.scan <sum>, %select_n3A_529 masked %reduce_sum3A_531 : vector<16xi32>, vector<16xi1> -> vector<16xi32>
        %reduce_sum3A_533 = vector.extract %reduce_sum3A_532[15] : i32 from vector<16xi32>
        "tpu.region"() ({
          %run_scoped3A = tpu.sem_alloc : memref<!tpu.dma_semaphore, #tpu.memory_space<semaphore_mem>>
          %dma_start3A_567 = arith.constant 0 : i32
          %dma_start3A_568 = tpu.memref_slice %arg18[%scan3A_514, %dma_start3A_567] : memref<16x1296xi32, #tpu.memory_space<vmem_shared>> -> memref<1x1296xi32, #tpu.memory_space<vmem_shared>>
          %dma_start3A_569 = tpu.memref_squeeze %dma_start3A_568 : memref<1x1296xi32, #tpu.memory_space<vmem_shared>> -> memref<1296xi32, #tpu.memory_space<vmem_shared>>
          %dma_start3A_570 = arith.constant 0 : i32
          %dma_start3A_571 = tpu.memref_slice %arg18[%scan3A_514, %dma_start3A_570] : memref<16x1296xi32, #tpu.memory_space<vmem_shared>> -> memref<1x1296xi32, #tpu.memory_space<vmem_shared>>
          %dma_start3A_572 = tpu.memref_squeeze %dma_start3A_571 : memref<1x1296xi32, #tpu.memory_space<vmem_shared>> -> memref<1296xi32, #tpu.memory_space<vmem_shared>>
          tpu.enqueue_dma source(%dma_start3A_572 : memref<1296xi32, #tpu.memory_space<vmem_shared>>) target(%arg11 : memref<1296xi32, #tpu.memory_space<vmem>>) target_semaphore(%run_scoped3A : memref<!tpu.dma_semaphore, #tpu.memory_space<semaphore_mem>>)
          %dma_wait3A_573 = arith.constant 0 : i32
          %dma_wait3A_574 = tpu.memref_slice %arg18[%scan3A_514, %dma_wait3A_573] : memref<16x1296xi32, #tpu.memory_space<vmem_shared>> -> memref<1x1296xi32, #tpu.memory_space<vmem_shared>>
          %dma_wait3A_575 = tpu.memref_squeeze %dma_wait3A_574 : memref<1x1296xi32, #tpu.memory_space<vmem_shared>> -> memref<1296xi32, #tpu.memory_space<vmem_shared>>
          %dma_wait3A_576 = arith.constant 0 : i32
          %dma_wait3A_577 = tpu.memref_slice %arg18[%scan3A_514, %dma_wait3A_576] : memref<16x1296xi32, #tpu.memory_space<vmem_shared>> -> memref<1x1296xi32, #tpu.memory_space<vmem_shared>>
          %dma_wait3A_578 = tpu.memref_squeeze %dma_wait3A_577 : memref<1x1296xi32, #tpu.memory_space<vmem_shared>> -> memref<1296xi32, #tpu.memory_space<vmem_shared>>
          tpu.wait_dma2 semaphore(%run_scoped3A : memref<!tpu.dma_semaphore, #tpu.memory_space<semaphore_mem>>) src(%dma_wait3A_578 : memref<1296xi32, #tpu.memory_space<vmem_shared>>) dst(%arg11 : memref<1296xi32, #tpu.memory_space<vmem>>)
          tpu.yield
        }) : () -> ()
        %add3A_534 = arith.constant 15 : i32
        %add3A_535 = arith.addi %reduce_sum3A_524, %add3A_534 : i32
        %jit3A_536 = arith.constant 16 : i32
        %div3A = arith.divsi %add3A_535, %jit3A_536 : i32
        %sign3A = arith.constant 0 : i32
        %sign3A_537 = arith.cmpi sgt, %add3A_535, %sign3A : i32
        %sign3A_538 = arith.extui %sign3A_537 : i1 to i32
        %sign3A_539 = arith.constant 0 : i32
        %sign3A_540 = arith.cmpi slt, %add3A_535, %sign3A_539 : i32
        %sign3A_541 = arith.extui %sign3A_540 : i1 to i32
        %sign3A_542 = arith.subi %sign3A_538, %sign3A_541 : i32
        %sign3A_543 = arith.constant 0 : i32
        %sign3A_544 = arith.cmpi sgt, %jit3A_536, %sign3A_543 : i32
        %sign3A_545 = arith.extui %sign3A_544 : i1 to i32
        %sign3A_546 = arith.constant 0 : i32
        %sign3A_547 = arith.cmpi slt, %jit3A_536, %sign3A_546 : i32
        %sign3A_548 = arith.extui %sign3A_547 : i1 to i32
        %sign3A_549 = arith.subi %sign3A_545, %sign3A_548 : i32
        %ne3A = arith.cmpi ne, %sign3A_542, %sign3A_549 : i32
        %rem3A = arith.remsi %add3A_535, %jit3A_536 : i32
        %ne3A_550 = arith.constant 0 : i32
        %ne3A_551 = arith.cmpi ne, %rem3A, %ne3A_550 : i32
        %and3A = arith.andi %ne3A, %ne3A_551 : i1
        %sub3A_552 = arith.constant 1 : i32
        %sub3A_553 = arith.subi %div3A, %sub3A_552 : i32
        %select_n3A_554 = arith.select %and3A, %sub3A_553, %div3A : i32
        %while3A = arith.constant 0 : i32
        %while3A_555 = arith.constant 0 : i32
        %while3A_556 = arith.subi %select_n3A_554, %while3A : i32
        %while3A_557 = arith.addi %while3A, %while3A_556 : i32
        %while3A_558 = arith.constant 1 : i32
        %while3A_559 = arith.divsi %while3A_556, %while3A_558 : i32
        %while3A_560 = arith.muli %while3A_559, %while3A_558 : i32
        %while3A_561 = arith.addi %while3A, %while3A_560 : i32
        %while3A_562 = arith.constant 1 : i32
        %while3A_563 = scf.for %while3A_567 = %while3A to %while3A_561 step %while3A_562 iter_args(%while3A_568 = %while3A_555) -> (i32)  : i32 {
          %mul3A_569 = arith.constant 16 : i32
          %mul3A_570 = arith.muli %while3A_567, %mul3A_569 : i32
          %get3A_571 = arith.index_cast %mul3A_570 : i32 to index
          %get3A_572 = tpu.vector_load %arg11[%get3A_571] {strides = array<i32>} : memref<1296xi32, #tpu.memory_space<vmem>>, vector<16xi32>,
          %mul3A_573 = arith.constant 16 : i32
          %mul3A_574 = arith.muli %while3A_567, %mul3A_573 : i32
          %add3A_575 = arith.addi %reduce_sum3A_533, %mul3A_574 : i32
          %swap3A_576 = arith.index_cast %add3A_575 : i32 to index
          %swap3A_577 = tpu.vector_load %arg13[%swap3A_576] {strides = array<i32>} : memref<1040xi32, #tpu.memory_space<vmem>>, vector<16xi32>,
          tpu.vector_store %arg13[%swap3A_576], %get3A_572 {strides = array<i32>} : memref<1040xi32, #tpu.memory_space<vmem>>, vector<16xi32>,
          %while3A_578 = arith.constant 0 : i32
          scf.yield %while3A_578 : i32
        }
        %while3A_564 = arith.constant 1 : i32
        %while3A_565 = scf.for %while3A_567 = %while3A_561 to %while3A_557 step %while3A_564 iter_args(%while3A_568 = %while3A_563) -> (i32)  : i32 {
          %mul3A_569 = arith.constant 16 : i32
          %mul3A_570 = arith.muli %while3A_567, %mul3A_569 : i32
          %get3A_571 = arith.index_cast %mul3A_570 : i32 to index
          %get3A_572 = tpu.vector_load %arg11[%get3A_571] {strides = array<i32>} : memref<1296xi32, #tpu.memory_space<vmem>>, vector<16xi32>,
          %mul3A_573 = arith.constant 16 : i32
          %mul3A_574 = arith.muli %while3A_567, %mul3A_573 : i32
          %add3A_575 = arith.addi %reduce_sum3A_533, %mul3A_574 : i32
          %swap3A_576 = arith.index_cast %add3A_575 : i32 to index
          %swap3A_577 = tpu.vector_load %arg13[%swap3A_576] {strides = array<i32>} : memref<1040xi32, #tpu.memory_space<vmem>>, vector<16xi32>,
          tpu.vector_store %arg13[%swap3A_576], %get3A_572 {strides = array<i32>} : memref<1040xi32, #tpu.memory_space<vmem>>, vector<16xi32>,
          %while3A_578 = arith.constant 0 : i32
          scf.yield %while3A_578 : i32
        }
        %scan3A_566 = arith.constant 0 : i32
        scf.yield %scan3A_566 : i32
      }
      %scan3A_496 = arith.constant 16 : i32
      %scan3A_497 = arith.constant 0 : i32
      %scan3A_498 = arith.constant 0 : i32
      %scan3A_499 = arith.constant 16 : i32
      %scan3A_500 = arith.addi %scan3A_498, %scan3A_499 : i32
      %scan3A_501 = arith.constant 1 : i32
      %scan3A_502 = scf.for %scan3A_514 = %scan3A_498 to %scan3A_500 step %scan3A_501 iter_args(%scan3A_515 = %scan3A_497) -> (i32)  : i32 {
        %eq3A_516 = vector.broadcast %scan3A_514 : i32 to vector<16xi32>
        %eq3A_517 = arith.cmpi eq, %iota3A, %eq3A_516 : vector<16xi32>
        %jit3A_518 = arith.constant 0 : i32
        %broadcast_in_dim3A_519 = vector.broadcast %jit3A_518 : i32 to vector<16xi32>
        %select_n3A_520 = arith.select %eq3A_517, %min3A, %broadcast_in_dim3A_519 : vector<16xi1>, vector<16xi32>
        %reduce_sum3A_521 = arith.constant true
        %reduce_sum3A_522 = vector.broadcast %reduce_sum3A_521 : i1 to vector<16xi1>
        %reduce_sum3A_523 = tpu.scan <sum>, %select_n3A_520 masked %reduce_sum3A_522 : vector<16xi32>, vector<16xi1> -> vector<16xi32>
        %reduce_sum3A_524 = vector.extract %reduce_sum3A_523[15] : i32 from vector<16xi32>
        %gt3A = arith.constant 0 : i32
        %gt3A_525 = arith.cmpi sgt, %reduce_sum3A_524, %gt3A : i32
        %convert_element_type3A_526 = arith.extui %gt3A_525 : i1 to i32
        %cond3A_527 = arith.constant 0 : i32
        %cond3A_528 = arith.cmpi ne, %convert_element_type3A_526, %cond3A_527 : i32
        scf.if %cond3A_528 {
          %eq3A_530 = vector.broadcast %scan3A_514 : i32 to vector<16xi32>
          %eq3A_531 = arith.cmpi eq, %iota3A, %eq3A_530 : vector<16xi32>
          %jit3A_532 = arith.constant 0 : i32
          %broadcast_in_dim3A_533 = vector.broadcast %jit3A_532 : i32 to vector<16xi32>
          %select_n3A_534 = arith.select %eq3A_531, %sub3A_489, %broadcast_in_dim3A_533 : vector<16xi1>, vector<16xi32>
          %reduce_sum3A_535 = arith.constant true
          %reduce_sum3A_536 = vector.broadcast %reduce_sum3A_535 : i1 to vector<16xi1>
          %reduce_sum3A_537 = tpu.scan <sum>, %select_n3A_534 masked %reduce_sum3A_536 : vector<16xi32>, vector<16xi1> -> vector<16xi32>
          %reduce_sum3A_538 = vector.extract %reduce_sum3A_537[15] : i32 from vector<16xi32>
          "tpu.region"() ({
            %run_scoped3A = tpu.sem_alloc : memref<!tpu.dma_semaphore, #tpu.memory_space<semaphore_mem>>
            %dma_start3A_571 = arith.constant 0 : i32
            %dma_start3A_572 = tpu.memref_slice %arg19[%scan3A_514, %dma_start3A_571] : memref<16x1296xi32, #tpu.memory_space<vmem_shared>> -> memref<1x1296xi32, #tpu.memory_space<vmem_shared>>
            %dma_start3A_573 = tpu.memref_squeeze %dma_start3A_572 : memref<1x1296xi32, #tpu.memory_space<vmem_shared>> -> memref<1296xi32, #tpu.memory_space<vmem_shared>>
            %dma_start3A_574 = arith.constant 0 : i32
            %dma_start3A_575 = tpu.memref_slice %arg19[%scan3A_514, %dma_start3A_574] : memref<16x1296xi32, #tpu.memory_space<vmem_shared>> -> memref<1x1296xi32, #tpu.memory_space<vmem_shared>>
            %dma_start3A_576 = tpu.memref_squeeze %dma_start3A_575 : memref<1x1296xi32, #tpu.memory_space<vmem_shared>> -> memref<1296xi32, #tpu.memory_space<vmem_shared>>
            tpu.enqueue_dma source(%dma_start3A_576 : memref<1296xi32, #tpu.memory_space<vmem_shared>>) target(%arg12 : memref<1296xi32, #tpu.memory_space<vmem>>) target_semaphore(%run_scoped3A : memref<!tpu.dma_semaphore, #tpu.memory_space<semaphore_mem>>)
            %dma_wait3A_577 = arith.constant 0 : i32
            %dma_wait3A_578 = tpu.memref_slice %arg19[%scan3A_514, %dma_wait3A_577] : memref<16x1296xi32, #tpu.memory_space<vmem_shared>> -> memref<1x1296xi32, #tpu.memory_space<vmem_shared>>
            %dma_wait3A_579 = tpu.memref_squeeze %dma_wait3A_578 : memref<1x1296xi32, #tpu.memory_space<vmem_shared>> -> memref<1296xi32, #tpu.memory_space<vmem_shared>>
            %dma_wait3A_580 = arith.constant 0 : i32
            %dma_wait3A_581 = tpu.memref_slice %arg19[%scan3A_514, %dma_wait3A_580] : memref<16x1296xi32, #tpu.memory_space<vmem_shared>> -> memref<1x1296xi32, #tpu.memory_space<vmem_shared>>
            %dma_wait3A_582 = tpu.memref_squeeze %dma_wait3A_581 : memref<1x1296xi32, #tpu.memory_space<vmem_shared>> -> memref<1296xi32, #tpu.memory_space<vmem_shared>>
            tpu.wait_dma2 semaphore(%run_scoped3A : memref<!tpu.dma_semaphore, #tpu.memory_space<semaphore_mem>>) src(%dma_wait3A_582 : memref<1296xi32, #tpu.memory_space<vmem_shared>>) dst(%arg12 : memref<1296xi32, #tpu.memory_space<vmem>>)
            tpu.yield
          }) : () -> ()
          %add3A_539 = arith.constant 15 : i32
          %add3A_540 = arith.addi %reduce_sum3A_524, %add3A_539 : i32
          %jit3A_541 = arith.constant 16 : i32
          %div3A = arith.divsi %add3A_540, %jit3A_541 : i32
          %sign3A = arith.constant 0 : i32
          %sign3A_542 = arith.cmpi sgt, %add3A_540, %sign3A : i32
          %sign3A_543 = arith.extui %sign3A_542 : i1 to i32
          %sign3A_544 = arith.constant 0 : i32
          %sign3A_545 = arith.cmpi slt, %add3A_540, %sign3A_544 : i32
          %sign3A_546 = arith.extui %sign3A_545 : i1 to i32
          %sign3A_547 = arith.subi %sign3A_543, %sign3A_546 : i32
          %sign3A_548 = arith.constant 0 : i32
          %sign3A_549 = arith.cmpi sgt, %jit3A_541, %sign3A_548 : i32
          %sign3A_550 = arith.extui %sign3A_549 : i1 to i32
          %sign3A_551 = arith.constant 0 : i32
          %sign3A_552 = arith.cmpi slt, %jit3A_541, %sign3A_551 : i32
          %sign3A_553 = arith.extui %sign3A_552 : i1 to i32
          %sign3A_554 = arith.subi %sign3A_550, %sign3A_553 : i32
          %ne3A = arith.cmpi ne, %sign3A_547, %sign3A_554 : i32
          %rem3A = arith.remsi %add3A_540, %jit3A_541 : i32
          %ne3A_555 = arith.constant 0 : i32
          %ne3A_556 = arith.cmpi ne, %rem3A, %ne3A_555 : i32
          %and3A = arith.andi %ne3A, %ne3A_556 : i1
          %sub3A_557 = arith.constant 1 : i32
          %sub3A_558 = arith.subi %div3A, %sub3A_557 : i32
          %select_n3A_559 = arith.select %and3A, %sub3A_558, %div3A : i32
          %while3A = arith.constant 0 : i32
          %while3A_560 = arith.constant 0 : i32
          %while3A_561 = arith.subi %select_n3A_559, %while3A : i32
          %while3A_562 = arith.addi %while3A, %while3A_561 : i32
          %while3A_563 = arith.constant 1 : i32
          %while3A_564 = arith.divsi %while3A_561, %while3A_563 : i32
          %while3A_565 = arith.muli %while3A_564, %while3A_563 : i32
          %while3A_566 = arith.addi %while3A, %while3A_565 : i32
          %while3A_567 = arith.constant 1 : i32
          %while3A_568 = scf.for %while3A_571 = %while3A to %while3A_566 step %while3A_567 iter_args(%while3A_572 = %while3A_560) -> (i32)  : i32 {
            %mul3A_573 = arith.constant 16 : i32
            %mul3A_574 = arith.muli %while3A_571, %mul3A_573 : i32
            %get3A_575 = arith.index_cast %mul3A_574 : i32 to index
            %get3A_576 = tpu.vector_load %arg12[%get3A_575] {strides = array<i32>} : memref<1296xi32, #tpu.memory_space<vmem>>, vector<16xi32>,
            %mul3A_577 = arith.constant 16 : i32
            %mul3A_578 = arith.muli %while3A_571, %mul3A_577 : i32
            %add3A_579 = arith.addi %reduce_sum3A_538, %mul3A_578 : i32
            %swap3A_580 = arith.index_cast %add3A_579 : i32 to index
            %swap3A_581 = tpu.vector_load %arg13[%swap3A_580] {strides = array<i32>} : memref<1040xi32, #tpu.memory_space<vmem>>, vector<16xi32>,
            tpu.vector_store %arg13[%swap3A_580], %get3A_576 {strides = array<i32>} : memref<1040xi32, #tpu.memory_space<vmem>>, vector<16xi32>,
            %while3A_582 = arith.constant 0 : i32
            scf.yield %while3A_582 : i32
          }
          %while3A_569 = arith.constant 1 : i32
          %while3A_570 = scf.for %while3A_571 = %while3A_566 to %while3A_562 step %while3A_569 iter_args(%while3A_572 = %while3A_568) -> (i32)  : i32 {
            %mul3A_573 = arith.constant 16 : i32
            %mul3A_574 = arith.muli %while3A_571, %mul3A_573 : i32
            %get3A_575 = arith.index_cast %mul3A_574 : i32 to index
            %get3A_576 = tpu.vector_load %arg12[%get3A_575] {strides = array<i32>} : memref<1296xi32, #tpu.memory_space<vmem>>, vector<16xi32>,
            %mul3A_577 = arith.constant 16 : i32
            %mul3A_578 = arith.muli %while3A_571, %mul3A_577 : i32
            %add3A_579 = arith.addi %reduce_sum3A_538, %mul3A_578 : i32
            %swap3A_580 = arith.index_cast %add3A_579 : i32 to index
            %swap3A_581 = tpu.vector_load %arg13[%swap3A_580] {strides = array<i32>} : memref<1040xi32, #tpu.memory_space<vmem>>, vector<16xi32>,
            tpu.vector_store %arg13[%swap3A_580], %get3A_576 {strides = array<i32>} : memref<1040xi32, #tpu.memory_space<vmem>>, vector<16xi32>,
            %while3A_582 = arith.constant 0 : i32
            scf.yield %while3A_582 : i32
          }
        } else {
        }
        %scan3A_529 = arith.constant 0 : i32
        scf.yield %scan3A_529 : i32
      }
      %scan3A_503 = arith.constant 16 : i32
      %add3A_504 = arith.constant 20000 : i32
      %add3A_505 = vector.broadcast %add3A_504 : i32 to vector<16xi32>
      %add3A_506 = arith.addi %add3A_505, %iota3A : vector<16xi32>
      %swap3A_507 = arith.constant 1000 : index
      %swap3A_508 = tpu.vector_load %arg13[%swap3A_507] {strides = array<i32>} : memref<1040xi32, #tpu.memory_space<vmem>>, vector<16xi32>,
      tpu.vector_store %arg13[%swap3A_507], %add3A_506 {strides = array<i32>} : memref<1040xi32, #tpu.memory_space<vmem>>, vector<16xi32>,
      %add3A_509 = arith.constant 20008 : i32
      %add3A_510 = vector.broadcast %add3A_509 : i32 to vector<16xi32>
      %add3A_511 = arith.addi %add3A_510, %iota3A : vector<16xi32>
      %swap3A_512 = arith.constant 1008 : index
      %swap3A_513 = tpu.vector_load %arg13[%swap3A_512] {strides = array<i32>} : memref<1040xi32, #tpu.memory_space<vmem>>, vector<16xi32>,
      tpu.vector_store %arg13[%swap3A_512], %add3A_511 {strides = array<i32>} : memref<1040xi32, #tpu.memory_space<vmem>>, vector<16xi32>,
      "tpu.region"() ({
        %run_scoped3A = tpu.sem_alloc : memref<!tpu.dma_semaphore, #tpu.memory_space<semaphore_mem>>
        %dma_start3A_514 = arith.constant 0 : i32
        %dma_start3A_515 = tpu.memref_slice %arg13[%dma_start3A_514] : memref<1040xi32, #tpu.memory_space<vmem>> -> memref<1024xi32, #tpu.memory_space<vmem>>
        %dma_start3A_516 = arith.constant 0 : i32
        %dma_start3A_517 = tpu.memref_slice %arg13[%dma_start3A_516] : memref<1040xi32, #tpu.memory_space<vmem>> -> memref<1024xi32, #tpu.memory_space<vmem>>
        tpu.enqueue_dma source(%dma_start3A_517 : memref<1024xi32, #tpu.memory_space<vmem>>) target(%arg20 : memref<1024xi32, #tpu.memory_space<vmem_shared>>) target_semaphore(%run_scoped3A : memref<!tpu.dma_semaphore, #tpu.memory_space<semaphore_mem>>)
        %dma_wait3A_518 = arith.constant 0 : i32
        %dma_wait3A_519 = tpu.memref_slice %arg13[%dma_wait3A_518] : memref<1040xi32, #tpu.memory_space<vmem>> -> memref<1024xi32, #tpu.memory_space<vmem>>
        %dma_wait3A_520 = arith.constant 0 : i32
        %dma_wait3A_521 = tpu.memref_slice %arg13[%dma_wait3A_520] : memref<1040xi32, #tpu.memory_space<vmem>> -> memref<1024xi32, #tpu.memory_space<vmem>>
        tpu.wait_dma2 semaphore(%run_scoped3A : memref<!tpu.dma_semaphore, #tpu.memory_space<semaphore_mem>>) src(%dma_wait3A_521 : memref<1024xi32, #tpu.memory_space<vmem>>) dst(%arg20 : memref<1024xi32, #tpu.memory_space<vmem_shared>>)
        tpu.yield
      }) : () -> ()
    } else {
    }
    %barrier3A_173 = arith.constant 0 : index
    tpu.barrier barrier_id(%barrier3A_173)
    %mul3A_174 = arith.constant 64 : i32
    %mul3A_175 = arith.muli %arg1, %mul3A_174 : i32
    "tpu.region"() ({
      %run_scoped3A = tpu.sem_alloc : memref<!tpu.dma_semaphore, #tpu.memory_space<semaphore_mem>>
      %dma_start3A_182 = tpu.memref_slice %arg20[%mul3A_175] : memref<1024xi32, #tpu.memory_space<vmem_shared>> -> memref<64xi32, #tpu.memory_space<vmem_shared>>
      %dma_start3A_183 = tpu.memref_slice %arg20[%mul3A_175] : memref<1024xi32, #tpu.memory_space<vmem_shared>> -> memref<64xi32, #tpu.memory_space<vmem_shared>>
      tpu.enqueue_dma source(%dma_start3A_183 : memref<64xi32, #tpu.memory_space<vmem_shared>>) target(%arg14 : memref<64xi32, #tpu.memory_space<vmem>>) target_semaphore(%run_scoped3A : memref<!tpu.dma_semaphore, #tpu.memory_space<semaphore_mem>>)
      %dma_wait3A_184 = tpu.memref_slice %arg20[%mul3A_175] : memref<1024xi32, #tpu.memory_space<vmem_shared>> -> memref<64xi32, #tpu.memory_space<vmem_shared>>
      %dma_wait3A_185 = tpu.memref_slice %arg20[%mul3A_175] : memref<1024xi32, #tpu.memory_space<vmem_shared>> -> memref<64xi32, #tpu.memory_space<vmem_shared>>
      tpu.wait_dma2 semaphore(%run_scoped3A : memref<!tpu.dma_semaphore, #tpu.memory_space<semaphore_mem>>) src(%dma_wait3A_185 : memref<64xi32, #tpu.memory_space<vmem_shared>>) dst(%arg14 : memref<64xi32, #tpu.memory_space<vmem>>)
      tpu.yield
    }) : () -> ()
    %dma_start3A = arith.constant 0 : i32
    %dma_start3A_176 = arith.constant 0 : i32
    %dma_start3A_177 = tpu.memref_slice %arg3[%dma_start3A, %dma_start3A_176] : memref<20480x16xf32, #tpu.memory_space<hbm>> -> memref<20480x16xf32, #tpu.memory_space<hbm>>
    tpu.enqueue_indirect_dma source(%dma_start3A_177 : memref<20480x16xf32, #tpu.memory_space<hbm>>) target(%arg15 : memref<64x16xf32, #tpu.memory_space<vmem>>) offsets(%arg14 : memref<64xi32, #tpu.memory_space<vmem>>) semaphore(%arg21 : memref<!tpu.dma_semaphore, #tpu.memory_space<semaphore_mem>>)
    %dma_wait3A = arith.constant 0 : i32
    %dma_wait3A_178 = arith.constant 0 : i32
    %dma_wait3A_179 = tpu.memref_slice %arg3[%dma_wait3A, %dma_wait3A_178] : memref<20480x16xf32, #tpu.memory_space<hbm>> -> memref<20480x16xf32, #tpu.memory_space<hbm>>
    tpu.wait_indirect_dma semaphore(%arg21 : memref<!tpu.dma_semaphore, #tpu.memory_space<semaphore_mem>>) src(%dma_wait3A_179 : memref<20480x16xf32, #tpu.memory_space<hbm>>) dst(%arg15 : memref<64x16xf32, #tpu.memory_space<vmem>>)
    %mul3A_180 = arith.constant 64 : i32
    %mul3A_181 = arith.muli %arg1, %mul3A_180 : i32
    "tpu.region"() ({
      %run_scoped3A = tpu.sem_alloc : memref<!tpu.dma_semaphore, #tpu.memory_space<semaphore_mem>>
      %dma_start3A_182 = arith.constant 0 : i32
      %dma_start3A_183 = tpu.memref_slice %arg4[%mul3A_181, %dma_start3A_182] : memref<1024x16xf32, #tpu.memory_space<hbm>> -> memref<64x16xf32, #tpu.memory_space<hbm>>
      %dma_start3A_184 = arith.constant 0 : i32
      %dma_start3A_185 = tpu.memref_slice %arg4[%mul3A_181, %dma_start3A_184] : memref<1024x16xf32, #tpu.memory_space<hbm>> -> memref<64x16xf32, #tpu.memory_space<hbm>>
      tpu.enqueue_dma source(%arg15 : memref<64x16xf32, #tpu.memory_space<vmem>>) target(%dma_start3A_185 : memref<64x16xf32, #tpu.memory_space<hbm>>) target_semaphore(%run_scoped3A : memref<!tpu.dma_semaphore, #tpu.memory_space<semaphore_mem>>)
      %dma_wait3A_186 = arith.constant 0 : i32
      %dma_wait3A_187 = tpu.memref_slice %arg4[%mul3A_181, %dma_wait3A_186] : memref<1024x16xf32, #tpu.memory_space<hbm>> -> memref<64x16xf32, #tpu.memory_space<hbm>>
      %dma_wait3A_188 = arith.constant 0 : i32
      %dma_wait3A_189 = tpu.memref_slice %arg4[%mul3A_181, %dma_wait3A_188] : memref<1024x16xf32, #tpu.memory_space<hbm>> -> memref<64x16xf32, #tpu.memory_space<hbm>>
      tpu.wait_dma2 semaphore(%run_scoped3A : memref<!tpu.dma_semaphore, #tpu.memory_space<semaphore_mem>>) src(%arg15 : memref<64x16xf32, #tpu.memory_space<vmem>>) dst(%dma_wait3A_189 : memref<64x16xf32, #tpu.memory_space<hbm>>)
      tpu.yield
    }) : () -> ()
    return
  }
}

module attributes {stable_mosaic.version = 14 : i64} {
  func.func @_nms_body(%arg0: memref<7x1024xf32, #tpu.memory_space<vmem>>, %arg1: memref<1024x16xf32, #tpu.memory_space<vmem>>, %arg2: memref<625x128xf32, #tpu.memory_space<vmem>>, %arg3: memref<104x128xf32, #tpu.memory_space<vmem>>) attributes {dimension_semantics = [], scalar_prefetch = 0 : i64, scratch_operands = 0 : i64, tpu.core_type = #tpu.core_type<tc>} {
    %get3A = arith.constant 0 : index
    %get3A_0 = arith.constant 0 : index
    %get3A_1 = vector.load %arg2[%get3A, %get3A_0] : memref<625x128xf32, #tpu.memory_space<vmem>>, vector<625x128xf32>
    %reduce_max3A = vector.shape_cast %get3A_1 : vector<625x128xf32> to vector<1x625x128xf32>
    %reduce_max3A_2 = arith.constant dense<0xFF800000> : vector<1xf32>
    %reduce_max3A_3 = vector.multi_reduction <maximumf>, %reduce_max3A, %reduce_max3A_2 [1, 2] : vector<1x625x128xf32> to vector<1xf32>
    %reduce_max3A_4 = vector.shape_cast %reduce_max3A_3 : vector<1xf32> to vector<1x1x1xf32>
    %reduce_max3A_5 = vector.extract %reduce_max3A_4[0, 0, 0] : f32 from vector<1x1x1xf32>
    %add3A = arith.constant 1.000000e+00 : f32
    %add3A_6 = arith.addf %reduce_max3A_5, %add3A : f32
    %get3A_7 = arith.constant 0 : index
    %get3A_8 = arith.constant 0 : index
    %get3A_9 = vector.load %arg0[%get3A_7, %get3A_8] : memref<7x1024xf32, #tpu.memory_space<vmem>>, vector<1x1024xf32>
    %get3A_10 = arith.constant 1 : index
    %get3A_11 = arith.constant 0 : index
    %get3A_12 = vector.load %arg0[%get3A_10, %get3A_11] : memref<7x1024xf32, #tpu.memory_space<vmem>>, vector<1x1024xf32>
    %get3A_13 = arith.constant 2 : index
    %get3A_14 = arith.constant 0 : index
    %get3A_15 = vector.load %arg0[%get3A_13, %get3A_14] : memref<7x1024xf32, #tpu.memory_space<vmem>>, vector<1x1024xf32>
    %get3A_16 = arith.constant 3 : index
    %get3A_17 = arith.constant 0 : index
    %get3A_18 = vector.load %arg0[%get3A_16, %get3A_17] : memref<7x1024xf32, #tpu.memory_space<vmem>>, vector<1x1024xf32>
    %get3A_19 = arith.constant 4 : index
    %get3A_20 = arith.constant 0 : index
    %get3A_21 = vector.load %arg0[%get3A_19, %get3A_20] : memref<7x1024xf32, #tpu.memory_space<vmem>>, vector<1x1024xf32>
    %get3A_22 = arith.constant 5 : index
    %get3A_23 = arith.constant 0 : index
    %get3A_24 = vector.load %arg0[%get3A_22, %get3A_23] : memref<7x1024xf32, #tpu.memory_space<vmem>>, vector<1x1024xf32>
    %get3A_25 = arith.constant 6 : index
    %get3A_26 = arith.constant 0 : index
    %get3A_27 = vector.load %arg0[%get3A_25, %get3A_26] : memref<7x1024xf32, #tpu.memory_space<vmem>>, vector<1x1024xf32>
    %get3A_28 = arith.constant 0 : index
    %get3A_29 = arith.constant 0 : index
    %get3A_30 = vector.load %arg1[%get3A_28, %get3A_29] : memref<1024x16xf32, #tpu.memory_space<vmem>>, vector<1024x1xf32>
    %get3A_31 = arith.constant 0 : index
    %get3A_32 = arith.constant 1 : index
    %get3A_33 = vector.load %arg1[%get3A_31, %get3A_32] : memref<1024x16xf32, #tpu.memory_space<vmem>>, vector<1024x1xf32>
    %get3A_34 = arith.constant 0 : index
    %get3A_35 = arith.constant 2 : index
    %get3A_36 = vector.load %arg1[%get3A_34, %get3A_35] : memref<1024x16xf32, #tpu.memory_space<vmem>>, vector<1024x1xf32>
    %get3A_37 = arith.constant 0 : index
    %get3A_38 = arith.constant 3 : index
    %get3A_39 = vector.load %arg1[%get3A_37, %get3A_38] : memref<1024x16xf32, #tpu.memory_space<vmem>>, vector<1024x1xf32>
    %get3A_40 = arith.constant 0 : index
    %get3A_41 = arith.constant 4 : index
    %get3A_42 = vector.load %arg1[%get3A_40, %get3A_41] : memref<1024x16xf32, #tpu.memory_space<vmem>>, vector<1024x1xf32>
    %get3A_43 = arith.constant 0 : index
    %get3A_44 = arith.constant 5 : index
    %get3A_45 = vector.load %arg1[%get3A_43, %get3A_44] : memref<1024x16xf32, #tpu.memory_space<vmem>>, vector<1024x1xf32>
    %get3A_46 = arith.constant 0 : index
    %get3A_47 = arith.constant 6 : index
    %get3A_48 = vector.load %arg1[%get3A_46, %get3A_47] : memref<1024x16xf32, #tpu.memory_space<vmem>>, vector<1024x1xf32>
    %gt3A = arith.constant 5.000000e-02 : f32
    %gt3A_49 = vector.broadcast %gt3A : f32 to vector<1x1024xf32>
    %gt3A_50 = arith.cmpf ogt, %get3A_21, %gt3A_49 : vector<1x1024xf32>
    %jit3A = arith.constant -1.000000e+00 : f32
    %broadcast_in_dim3A = vector.broadcast %jit3A : f32 to vector<1x1024xf32>
    %select_n3A = arith.select %gt3A_50, %get3A_21, %broadcast_in_dim3A : vector<1x1024xi1>, vector<1x1024xf32>
    %gt3A_51 = arith.constant 5.000000e-02 : f32
    %gt3A_52 = vector.broadcast %gt3A_51 : f32 to vector<1024x1xf32>
    %gt3A_53 = arith.cmpf ogt, %get3A_42, %gt3A_52 : vector<1024x1xf32>
    %jit3A_54 = arith.constant -1.000000e+00 : f32
    %broadcast_in_dim3A_55 = vector.broadcast %jit3A_54 : f32 to vector<1024x1xf32>
    %select_n3A_56 = arith.select %gt3A_53, %get3A_42, %broadcast_in_dim3A_55 : vector<1024x1xi1>, vector<1024x1xf32>
    %mul3A = vector.broadcast %add3A_6 : f32 to vector<1x1024xf32>
    %mul3A_57 = arith.mulf %get3A_24, %mul3A : vector<1x1024xf32>
    %mul3A_58 = vector.broadcast %add3A_6 : f32 to vector<1024x1xf32>
    %mul3A_59 = arith.mulf %get3A_45, %mul3A_58 : vector<1024x1xf32>
    %add3A_60 = arith.addf %get3A_9, %mul3A_57 : vector<1x1024xf32>
    %add3A_61 = arith.addf %get3A_12, %mul3A_57 : vector<1x1024xf32>
    %add3A_62 = arith.addf %get3A_15, %mul3A_57 : vector<1x1024xf32>
    %add3A_63 = arith.addf %get3A_18, %mul3A_57 : vector<1x1024xf32>
    %add3A_64 = arith.addf %get3A_30, %mul3A_59 : vector<1024x1xf32>
    %add3A_65 = arith.addf %get3A_33, %mul3A_59 : vector<1024x1xf32>
    %add3A_66 = arith.addf %get3A_36, %mul3A_59 : vector<1024x1xf32>
    %add3A_67 = arith.addf %get3A_39, %mul3A_59 : vector<1024x1xf32>
    %sub3A = arith.subf %add3A_62, %add3A_60 : vector<1x1024xf32>
    %sub3A_68 = arith.subf %add3A_63, %add3A_61 : vector<1x1024xf32>
    %mul3A_69 = arith.mulf %sub3A, %sub3A_68 : vector<1x1024xf32>
    %sub3A_70 = arith.subf %add3A_66, %add3A_64 : vector<1024x1xf32>
    %sub3A_71 = arith.subf %add3A_67, %add3A_65 : vector<1024x1xf32>
    %mul3A_72 = arith.mulf %sub3A_70, %sub3A_71 : vector<1024x1xf32>
    %min3A = vector.broadcast %add3A_66 : vector<1024x1xf32> to vector<1024x1024xf32>
    %min3A_73 = vector.broadcast %add3A_62 : vector<1x1024xf32> to vector<1024x1024xf32>
    %min3A_74 = arith.minimumf %min3A, %min3A_73 : vector<1024x1024xf32>
    %max3A = vector.broadcast %add3A_64 : vector<1024x1xf32> to vector<1024x1024xf32>
    %max3A_75 = vector.broadcast %add3A_60 : vector<1x1024xf32> to vector<1024x1024xf32>
    %max3A_76 = arith.maximumf %max3A, %max3A_75 : vector<1024x1024xf32>
    %sub3A_77 = arith.subf %min3A_74, %max3A_76 : vector<1024x1024xf32>
    %max3A_78 = arith.constant 0.000000e+00 : f32
    %max3A_79 = vector.broadcast %max3A_78 : f32 to vector<1024x1024xf32>
    %max3A_80 = arith.maximumf %sub3A_77, %max3A_79 : vector<1024x1024xf32>
    %min3A_81 = vector.broadcast %add3A_67 : vector<1024x1xf32> to vector<1024x1024xf32>
    %min3A_82 = vector.broadcast %add3A_63 : vector<1x1024xf32> to vector<1024x1024xf32>
    %min3A_83 = arith.minimumf %min3A_81, %min3A_82 : vector<1024x1024xf32>
    %max3A_84 = vector.broadcast %add3A_65 : vector<1024x1xf32> to vector<1024x1024xf32>
    %max3A_85 = vector.broadcast %add3A_61 : vector<1x1024xf32> to vector<1024x1024xf32>
    %max3A_86 = arith.maximumf %max3A_84, %max3A_85 : vector<1024x1024xf32>
    %sub3A_87 = arith.subf %min3A_83, %max3A_86 : vector<1024x1024xf32>
    %max3A_88 = arith.constant 0.000000e+00 : f32
    %max3A_89 = vector.broadcast %max3A_88 : f32 to vector<1024x1024xf32>
    %max3A_90 = arith.maximumf %sub3A_87, %max3A_89 : vector<1024x1024xf32>
    %mul3A_91 = arith.mulf %max3A_80, %max3A_90 : vector<1024x1024xf32>
    %add3A_92 = vector.broadcast %mul3A_72 : vector<1024x1xf32> to vector<1024x1024xf32>
    %add3A_93 = vector.broadcast %mul3A_69 : vector<1x1024xf32> to vector<1024x1024xf32>
    %add3A_94 = arith.addf %add3A_92, %add3A_93 : vector<1024x1024xf32>
    %sub3A_95 = arith.subf %add3A_94, %mul3A_91 : vector<1024x1024xf32>
    %max3A_96 = arith.constant 9.99999997E-7 : f32
    %max3A_97 = vector.broadcast %max3A_96 : f32 to vector<1024x1024xf32>
    %max3A_98 = arith.maximumf %sub3A_95, %max3A_97 : vector<1024x1024xf32>
    %div3A = arith.divf %mul3A_91, %max3A_98 : vector<1024x1024xf32>
    %gt3A_99 = arith.constant 5.000000e-02 : f32
    %gt3A_100 = vector.broadcast %gt3A_99 : f32 to vector<1x1024xf32>
    %gt3A_101 = arith.cmpf ogt, %select_n3A, %gt3A_100 : vector<1x1024xf32>
    %gt3A_102 = arith.constant 5.000000e-02 : f32
    %gt3A_103 = vector.broadcast %gt3A_102 : f32 to vector<1024x1xf32>
    %gt3A_104 = arith.cmpf ogt, %select_n3A_56, %gt3A_103 : vector<1024x1xf32>
    %gt3A_105 = arith.constant 6.000000e-01 : f32
    %gt3A_106 = vector.broadcast %gt3A_105 : f32 to vector<1024x1024xf32>
    %gt3A_107 = arith.cmpf ogt, %div3A, %gt3A_106 : vector<1024x1024xf32>
    %and3A = vector.broadcast %gt3A_101 : vector<1x1024xi1> to vector<1024x1024xi1>
    %and3A_108 = arith.andi %gt3A_107, %and3A : vector<1024x1024xi1>
    %and3A_109 = vector.broadcast %gt3A_104 : vector<1024x1xi1> to vector<1024x1024xi1>
    %and3A_110 = arith.andi %and3A_108, %and3A_109 : vector<1024x1024xi1>
    %gt3A_111 = vector.broadcast %select_n3A_56 : vector<1024x1xf32> to vector<1024x1024xf32>
    %gt3A_112 = vector.broadcast %select_n3A : vector<1x1024xf32> to vector<1024x1024xf32>
    %gt3A_113 = arith.cmpf ogt, %gt3A_111, %gt3A_112 : vector<1024x1024xf32>
    %eq3A = vector.broadcast %select_n3A_56 : vector<1024x1xf32> to vector<1024x1024xf32>
    %eq3A_114 = vector.broadcast %select_n3A : vector<1x1024xf32> to vector<1024x1024xf32>
    %eq3A_115 = arith.cmpf oeq, %eq3A, %eq3A_114 : vector<1024x1024xf32>
    %lt3A = vector.broadcast %get3A_48 : vector<1024x1xf32> to vector<1024x1024xf32>
    %lt3A_116 = vector.broadcast %get3A_27 : vector<1x1024xf32> to vector<1024x1024xf32>
    %lt3A_117 = arith.cmpf olt, %lt3A, %lt3A_116 : vector<1024x1024xf32>
    %and3A_118 = arith.andi %eq3A_115, %lt3A_117 : vector<1024x1024xi1>
    %or3A = arith.ori %gt3A_113, %and3A_118 : vector<1024x1024xi1>
    %gt3A_119 = vector.broadcast %select_n3A : vector<1x1024xf32> to vector<1024x1024xf32>
    %gt3A_120 = vector.broadcast %select_n3A_56 : vector<1024x1xf32> to vector<1024x1024xf32>
    %gt3A_121 = arith.cmpf ogt, %gt3A_119, %gt3A_120 : vector<1024x1024xf32>
    %eq3A_122 = vector.broadcast %select_n3A : vector<1x1024xf32> to vector<1024x1024xf32>
    %eq3A_123 = vector.broadcast %select_n3A_56 : vector<1024x1xf32> to vector<1024x1024xf32>
    %eq3A_124 = arith.cmpf oeq, %eq3A_122, %eq3A_123 : vector<1024x1024xf32>
    %lt3A_125 = vector.broadcast %get3A_27 : vector<1x1024xf32> to vector<1024x1024xf32>
    %lt3A_126 = vector.broadcast %get3A_48 : vector<1024x1xf32> to vector<1024x1024xf32>
    %lt3A_127 = arith.cmpf olt, %lt3A_125, %lt3A_126 : vector<1024x1024xf32>
    %and3A_128 = arith.andi %eq3A_124, %lt3A_127 : vector<1024x1024xi1>
    %or3A_129 = arith.ori %gt3A_121, %and3A_128 : vector<1024x1024xi1>
    %and3A_130 = arith.andi %and3A_110, %or3A : vector<1024x1024xi1>
    %and3A_131 = arith.andi %and3A_110, %or3A_129 : vector<1024x1024xi1>
    %convert_element_type3A = arith.extui %gt3A_101 : vector<1x1024xi1> to vector<1x1024xi32>
    %convert_element_type3A_132 = arith.sitofp %convert_element_type3A : vector<1x1024xi32> to vector<1x1024xf32>
    %while3A = arith.constant true
    %while3A_133:2 = scf.while (%while3A_258 = %convert_element_type3A_132, %while3A_259 = %while3A) : (vector<1x1024xf32>, i1) -> (vector<1x1024xf32>, i1) {
      scf.condition(%while3A_259) %while3A_258, %while3A_259 : vector<1x1024xf32>, i1
    } do {
    ^bb0(%while3A_258: vector<1x1024xf32>, %while3A_259: i1):
      %gt3A_260 = arith.constant 0.000000e+00 : f32
      %gt3A_261 = vector.broadcast %gt3A_260 : f32 to vector<1x1024xf32>
      %gt3A_262 = arith.cmpf ogt, %while3A_258, %gt3A_261 : vector<1x1024xf32>
      %and3A_263 = vector.broadcast %gt3A_262 : vector<1x1024xi1> to vector<1024x1024xi1>
      %and3A_264 = arith.andi %and3A_131, %and3A_263 : vector<1024x1024xi1>
      %reduce_or3A_265 = arith.constant 1.000000e+00 : f32
      %reduce_or3A_266 = arith.constant 0.000000e+00 : f32
      %reduce_or3A_267 = vector.broadcast %reduce_or3A_265 : f32 to vector<1024x1024xf32>
      %reduce_or3A_268 = vector.broadcast %reduce_or3A_266 : f32 to vector<1024x1024xf32>
      %reduce_or3A_269 = arith.select %and3A_264, %reduce_or3A_267, %reduce_or3A_268 : vector<1024x1024xi1>, vector<1024x1024xf32>
      %reduce_or3A_270 = arith.constant dense<0xFF800000> : vector<1024xf32>
      %reduce_or3A_271 = vector.multi_reduction <maximumf>, %reduce_or3A_269, %reduce_or3A_270 [1] : vector<1024x1024xf32> to vector<1024xf32>
      %reduce_or3A_272 = arith.constant 0.000000e+00 : f32
      %reduce_or3A_273 = vector.broadcast %reduce_or3A_272 : f32 to vector<1024xf32>
      %reduce_or3A_274 = arith.cmpf ogt, %reduce_or3A_271, %reduce_or3A_273 : vector<1024xf32>
      %broadcast_in_dim3A_275 = vector.shape_cast %reduce_or3A_274 : vector<1024xi1> to vector<1024x1xi1>
      %not3A_276 = arith.constant dense<true> : vector<1024x1xi1>
      %not3A_277 = arith.xori %broadcast_in_dim3A_275, %not3A_276 : vector<1024x1xi1>
      %and3A_278 = arith.andi %gt3A_104, %not3A_277 : vector<1024x1xi1>
      %and3A_279 = vector.broadcast %and3A_278 : vector<1024x1xi1> to vector<1024x1024xi1>
      %and3A_280 = arith.andi %and3A_130, %and3A_279 : vector<1024x1024xi1>
      %reduce_or3A_281 = arith.constant 1.000000e+00 : f32
      %reduce_or3A_282 = arith.constant 0.000000e+00 : f32
      %reduce_or3A_283 = vector.broadcast %reduce_or3A_281 : f32 to vector<1024x1024xf32>
      %reduce_or3A_284 = vector.broadcast %reduce_or3A_282 : f32 to vector<1024x1024xf32>
      %reduce_or3A_285 = arith.select %and3A_280, %reduce_or3A_283, %reduce_or3A_284 : vector<1024x1024xi1>, vector<1024x1024xf32>
      %reduce_or3A_286 = arith.constant dense<0xFF800000> : vector<1024xf32>
      %reduce_or3A_287 = vector.multi_reduction <maximumf>, %reduce_or3A_285, %reduce_or3A_286 [0] : vector<1024x1024xf32> to vector<1024xf32>
      %reduce_or3A_288 = arith.constant 0.000000e+00 : f32
      %reduce_or3A_289 = vector.broadcast %reduce_or3A_288 : f32 to vector<1024xf32>
      %reduce_or3A_290 = arith.cmpf ogt, %reduce_or3A_287, %reduce_or3A_289 : vector<1024xf32>
      %broadcast_in_dim3A_291 = vector.shape_cast %reduce_or3A_290 : vector<1024xi1> to vector<1x1024xi1>
      %not3A_292 = arith.constant dense<true> : vector<1x1024xi1>
      %not3A_293 = arith.xori %broadcast_in_dim3A_291, %not3A_292 : vector<1x1024xi1>
      %and3A_294 = arith.andi %gt3A_101, %not3A_293 : vector<1x1024xi1>
      %ne3A = arith.xori %and3A_294, %gt3A_262 : vector<1x1024xi1>
      %reduce_or3A_295 = arith.constant 1.000000e+00 : f32
      %reduce_or3A_296 = arith.constant 0.000000e+00 : f32
      %reduce_or3A_297 = vector.broadcast %reduce_or3A_295 : f32 to vector<1x1024xf32>
      %reduce_or3A_298 = vector.broadcast %reduce_or3A_296 : f32 to vector<1x1024xf32>
      %reduce_or3A_299 = arith.select %ne3A, %reduce_or3A_297, %reduce_or3A_298 : vector<1x1024xi1>, vector<1x1024xf32>
      %reduce_or3A_300 = vector.shape_cast %reduce_or3A_299 : vector<1x1024xf32> to vector<1x1x1024xf32>
      %reduce_or3A_301 = arith.constant dense<0xFF800000> : vector<1xf32>
      %reduce_or3A_302 = vector.multi_reduction <maximumf>, %reduce_or3A_300, %reduce_or3A_301 [1, 2] : vector<1x1x1024xf32> to vector<1xf32>
      %reduce_or3A_303 = vector.shape_cast %reduce_or3A_302 : vector<1xf32> to vector<1x1x1xf32>
      %reduce_or3A_304 = vector.extract %reduce_or3A_303[0, 0, 0] : f32 from vector<1x1x1xf32>
      %reduce_or3A_305 = arith.constant 0.000000e+00 : f32
      %reduce_or3A_306 = arith.cmpf ogt, %reduce_or3A_304, %reduce_or3A_305 : f32
      %convert_element_type3A_307 = arith.extui %and3A_294 : vector<1x1024xi1> to vector<1x1024xi32>
      %convert_element_type3A_308 = arith.sitofp %convert_element_type3A_307 : vector<1x1024xi32> to vector<1x1024xf32>
      scf.yield %convert_element_type3A_308, %reduce_or3A_306 : vector<1x1024xf32>, i1
    }
    %gt3A_134 = arith.constant 0.000000e+00 : f32
    %gt3A_135 = vector.broadcast %gt3A_134 : f32 to vector<1x1024xf32>
    %gt3A_136 = arith.cmpf ogt, %while3A_133#0, %gt3A_135 : vector<1x1024xf32>
    %and3A_137 = vector.broadcast %gt3A_136 : vector<1x1024xi1> to vector<1024x1024xi1>
    %and3A_138 = arith.andi %and3A_131, %and3A_137 : vector<1024x1024xi1>
    %reduce_or3A = arith.constant 1.000000e+00 : f32
    %reduce_or3A_139 = arith.constant 0.000000e+00 : f32
    %reduce_or3A_140 = vector.broadcast %reduce_or3A : f32 to vector<1024x1024xf32>
    %reduce_or3A_141 = vector.broadcast %reduce_or3A_139 : f32 to vector<1024x1024xf32>
    %reduce_or3A_142 = arith.select %and3A_138, %reduce_or3A_140, %reduce_or3A_141 : vector<1024x1024xi1>, vector<1024x1024xf32>
    %reduce_or3A_143 = arith.constant dense<0xFF800000> : vector<1024xf32>
    %reduce_or3A_144 = vector.multi_reduction <maximumf>, %reduce_or3A_142, %reduce_or3A_143 [1] : vector<1024x1024xf32> to vector<1024xf32>
    %reduce_or3A_145 = arith.constant 0.000000e+00 : f32
    %reduce_or3A_146 = vector.broadcast %reduce_or3A_145 : f32 to vector<1024xf32>
    %reduce_or3A_147 = arith.cmpf ogt, %reduce_or3A_144, %reduce_or3A_146 : vector<1024xf32>
    %broadcast_in_dim3A_148 = vector.shape_cast %reduce_or3A_147 : vector<1024xi1> to vector<1024x1xi1>
    %not3A = arith.constant dense<true> : vector<1024x1xi1>
    %not3A_149 = arith.xori %broadcast_in_dim3A_148, %not3A : vector<1024x1xi1>
    %and3A_150 = arith.andi %gt3A_104, %not3A_149 : vector<1024x1xi1>
    %convert_element_type3A_151 = arith.extui %or3A : vector<1024x1024xi1> to vector<1024x1024xi32>
    %convert_element_type3A_152 = arith.sitofp %convert_element_type3A_151 : vector<1024x1024xi32> to vector<1024x1024xf32>
    %convert_element_type3A_153 = arith.extui %and3A_150 : vector<1024x1xi1> to vector<1024x1xi32>
    %convert_element_type3A_154 = arith.sitofp %convert_element_type3A_153 : vector<1024x1xi32> to vector<1024x1xf32>
    %mul3A_155 = vector.broadcast %convert_element_type3A_154 : vector<1024x1xf32> to vector<1024x1024xf32>
    %mul3A_156 = arith.mulf %mul3A_155, %convert_element_type3A_152 : vector<1024x1024xf32>
    %reduce_sum3A = arith.constant dense<0.000000e+00> : vector<1024xf32>
    %reduce_sum3A_157 = vector.multi_reduction <add>, %mul3A_156, %reduce_sum3A [0] : vector<1024x1024xf32> to vector<1024xf32>
    %broadcast_in_dim3A_158 = vector.shape_cast %reduce_sum3A_157 : vector<1024xf32> to vector<1x1024xf32>
    %sub3A_159 = arith.constant 1.000000e+00 : f32
    %sub3A_160 = vector.broadcast %sub3A_159 : f32 to vector<1024x1xf32>
    %sub3A_161 = arith.subf %sub3A_160, %convert_element_type3A_154 : vector<1024x1xf32>
    %mul3A_162 = vector.broadcast %sub3A_161 : vector<1024x1xf32> to vector<1024x1024xf32>
    %mul3A_163 = arith.mulf %mul3A_162, %convert_element_type3A_152 : vector<1024x1024xf32>
    %reduce_sum3A_164 = arith.constant dense<0.000000e+00> : vector<1024xf32>
    %reduce_sum3A_165 = vector.multi_reduction <add>, %mul3A_163, %reduce_sum3A_164 [0] : vector<1024x1024xf32> to vector<1024xf32>
    %broadcast_in_dim3A_166 = vector.shape_cast %reduce_sum3A_165 : vector<1024xf32> to vector<1x1024xf32>
    %reduce_sum3A_167 = vector.shape_cast %convert_element_type3A_154 : vector<1024x1xf32> to vector<1x1024x1xf32>
    %reduce_sum3A_168 = arith.constant dense<0.000000e+00> : vector<1xf32>
    %reduce_sum3A_169 = vector.multi_reduction <add>, %reduce_sum3A_167, %reduce_sum3A_168 [1, 2] : vector<1x1024x1xf32> to vector<1xf32>
    %reduce_sum3A_170 = vector.shape_cast %reduce_sum3A_169 : vector<1xf32> to vector<1x1x1xf32>
    %reduce_sum3A_171 = vector.extract %reduce_sum3A_170[0, 0, 0] : f32 from vector<1x1x1xf32>
    %add3A_172 = vector.broadcast %reduce_sum3A_171 : f32 to vector<1x1024xf32>
    %add3A_173 = arith.addf %add3A_172, %broadcast_in_dim3A_166 : vector<1x1024xf32>
    %select_n3A_174 = arith.select %gt3A_136, %broadcast_in_dim3A_158, %add3A_173 : vector<1x1024xi1>, vector<1x1024xf32>
    %iota3A = tpu.iota {dimensions = array<i32: 0>} : vector<104x1024xi32>
    %convert_element_type3A_175 = arith.fptosi %select_n3A_174 : vector<1x1024xf32> to vector<1x1024xi32>
    %eq3A_176 = vector.broadcast %convert_element_type3A_175 : vector<1x1024xi32> to vector<104x1024xi32>
    %eq3A_177 = arith.cmpi eq, %iota3A, %eq3A_176 : vector<104x1024xi32>
    %convert_element_type3A_178 = arith.extui %eq3A_177 : vector<104x1024xi1> to vector<104x1024xi32>
    %convert_element_type3A_179 = arith.sitofp %convert_element_type3A_178 : vector<104x1024xi32> to vector<104x1024xf32>
    %jit3A_180 = arith.constant -1.000000e+00 : f32
    %broadcast_in_dim3A_181 = vector.broadcast %jit3A_180 : f32 to vector<1x1024xf32>
    %select_n3A_182 = arith.select %gt3A_136, %select_n3A, %broadcast_in_dim3A_181 : vector<1x1024xi1>, vector<1x1024xf32>
    %iota3A_183 = tpu.iota {dimensions = array<i32: 1>} : vector<104x128xi32>
    %broadcast_in_dim3A_184 = arith.constant 0.000000e+00 : f32
    %broadcast_in_dim3A_185 = vector.broadcast %broadcast_in_dim3A_184 : f32 to vector<104x128xf32>
    %mul3A_186 = vector.broadcast %get3A_9 : vector<1x1024xf32> to vector<104x1024xf32>
    %mul3A_187 = arith.mulf %convert_element_type3A_179, %mul3A_186 : vector<104x1024xf32>
    %reduce_sum3A_188 = arith.constant dense<0.000000e+00> : vector<104xf32>
    %reduce_sum3A_189 = vector.multi_reduction <add>, %mul3A_187, %reduce_sum3A_188 [1] : vector<104x1024xf32> to vector<104xf32>
    %broadcast_in_dim3A_190 = vector.shape_cast %reduce_sum3A_189 : vector<104xf32> to vector<104x1xf32>
    %eq3A_191 = arith.constant 0 : i32
    %eq3A_192 = vector.broadcast %eq3A_191 : i32 to vector<104x128xi32>
    %eq3A_193 = arith.cmpi eq, %iota3A_183, %eq3A_192 : vector<104x128xi32>
    %jit3A_194 = arith.constant 0.000000e+00 : f32
    %broadcast_in_dim3A_195 = vector.shape_cast %broadcast_in_dim3A_190 : vector<104x1xf32> to vector<104x1xf32>
    %broadcast_in_dim3A_196 = vector.broadcast %broadcast_in_dim3A_195 : vector<104x1xf32> to vector<104x128xf32>
    %broadcast_in_dim3A_197 = vector.broadcast %jit3A_194 : f32 to vector<104x128xf32>
    %select_n3A_198 = arith.select %eq3A_193, %broadcast_in_dim3A_196, %broadcast_in_dim3A_197 : vector<104x128xi1>, vector<104x128xf32>
    %add3A_199 = arith.addf %broadcast_in_dim3A_185, %select_n3A_198 : vector<104x128xf32>
    %mul3A_200 = vector.broadcast %get3A_12 : vector<1x1024xf32> to vector<104x1024xf32>
    %mul3A_201 = arith.mulf %convert_element_type3A_179, %mul3A_200 : vector<104x1024xf32>
    %reduce_sum3A_202 = arith.constant dense<0.000000e+00> : vector<104xf32>
    %reduce_sum3A_203 = vector.multi_reduction <add>, %mul3A_201, %reduce_sum3A_202 [1] : vector<104x1024xf32> to vector<104xf32>
    %broadcast_in_dim3A_204 = vector.shape_cast %reduce_sum3A_203 : vector<104xf32> to vector<104x1xf32>
    %eq3A_205 = arith.constant 1 : i32
    %eq3A_206 = vector.broadcast %eq3A_205 : i32 to vector<104x128xi32>
    %eq3A_207 = arith.cmpi eq, %iota3A_183, %eq3A_206 : vector<104x128xi32>
    %jit3A_208 = arith.constant 0.000000e+00 : f32
    %broadcast_in_dim3A_209 = vector.shape_cast %broadcast_in_dim3A_204 : vector<104x1xf32> to vector<104x1xf32>
    %broadcast_in_dim3A_210 = vector.broadcast %broadcast_in_dim3A_209 : vector<104x1xf32> to vector<104x128xf32>
    %broadcast_in_dim3A_211 = vector.broadcast %jit3A_208 : f32 to vector<104x128xf32>
    %select_n3A_212 = arith.select %eq3A_207, %broadcast_in_dim3A_210, %broadcast_in_dim3A_211 : vector<104x128xi1>, vector<104x128xf32>
    %add3A_213 = arith.addf %add3A_199, %select_n3A_212 : vector<104x128xf32>
    %mul3A_214 = vector.broadcast %get3A_15 : vector<1x1024xf32> to vector<104x1024xf32>
    %mul3A_215 = arith.mulf %convert_element_type3A_179, %mul3A_214 : vector<104x1024xf32>
    %reduce_sum3A_216 = arith.constant dense<0.000000e+00> : vector<104xf32>
    %reduce_sum3A_217 = vector.multi_reduction <add>, %mul3A_215, %reduce_sum3A_216 [1] : vector<104x1024xf32> to vector<104xf32>
    %broadcast_in_dim3A_218 = vector.shape_cast %reduce_sum3A_217 : vector<104xf32> to vector<104x1xf32>
    %eq3A_219 = arith.constant 2 : i32
    %eq3A_220 = vector.broadcast %eq3A_219 : i32 to vector<104x128xi32>
    %eq3A_221 = arith.cmpi eq, %iota3A_183, %eq3A_220 : vector<104x128xi32>
    %jit3A_222 = arith.constant 0.000000e+00 : f32
    %broadcast_in_dim3A_223 = vector.shape_cast %broadcast_in_dim3A_218 : vector<104x1xf32> to vector<104x1xf32>
    %broadcast_in_dim3A_224 = vector.broadcast %broadcast_in_dim3A_223 : vector<104x1xf32> to vector<104x128xf32>
    %broadcast_in_dim3A_225 = vector.broadcast %jit3A_222 : f32 to vector<104x128xf32>
    %select_n3A_226 = arith.select %eq3A_221, %broadcast_in_dim3A_224, %broadcast_in_dim3A_225 : vector<104x128xi1>, vector<104x128xf32>
    %add3A_227 = arith.addf %add3A_213, %select_n3A_226 : vector<104x128xf32>
    %mul3A_228 = vector.broadcast %get3A_18 : vector<1x1024xf32> to vector<104x1024xf32>
    %mul3A_229 = arith.mulf %convert_element_type3A_179, %mul3A_228 : vector<104x1024xf32>
    %reduce_sum3A_230 = arith.constant dense<0.000000e+00> : vector<104xf32>
    %reduce_sum3A_231 = vector.multi_reduction <add>, %mul3A_229, %reduce_sum3A_230 [1] : vector<104x1024xf32> to vector<104xf32>
    %broadcast_in_dim3A_232 = vector.shape_cast %reduce_sum3A_231 : vector<104xf32> to vector<104x1xf32>
    %eq3A_233 = arith.constant 3 : i32
    %eq3A_234 = vector.broadcast %eq3A_233 : i32 to vector<104x128xi32>
    %eq3A_235 = arith.cmpi eq, %iota3A_183, %eq3A_234 : vector<104x128xi32>
    %jit3A_236 = arith.constant 0.000000e+00 : f32
    %broadcast_in_dim3A_237 = vector.shape_cast %broadcast_in_dim3A_232 : vector<104x1xf32> to vector<104x1xf32>
    %broadcast_in_dim3A_238 = vector.broadcast %broadcast_in_dim3A_237 : vector<104x1xf32> to vector<104x128xf32>
    %broadcast_in_dim3A_239 = vector.broadcast %jit3A_236 : f32 to vector<104x128xf32>
    %select_n3A_240 = arith.select %eq3A_235, %broadcast_in_dim3A_238, %broadcast_in_dim3A_239 : vector<104x128xi1>, vector<104x128xf32>
    %add3A_241 = arith.addf %add3A_227, %select_n3A_240 : vector<104x128xf32>
    %mul3A_242 = vector.broadcast %select_n3A_182 : vector<1x1024xf32> to vector<104x1024xf32>
    %mul3A_243 = arith.mulf %convert_element_type3A_179, %mul3A_242 : vector<104x1024xf32>
    %reduce_sum3A_244 = arith.constant dense<0.000000e+00> : vector<104xf32>
    %reduce_sum3A_245 = vector.multi_reduction <add>, %mul3A_243, %reduce_sum3A_244 [1] : vector<104x1024xf32> to vector<104xf32>
    %broadcast_in_dim3A_246 = vector.shape_cast %reduce_sum3A_245 : vector<104xf32> to vector<104x1xf32>
    %eq3A_247 = arith.constant 4 : i32
    %eq3A_248 = vector.broadcast %eq3A_247 : i32 to vector<104x128xi32>
    %eq3A_249 = arith.cmpi eq, %iota3A_183, %eq3A_248 : vector<104x128xi32>
    %jit3A_250 = arith.constant 0.000000e+00 : f32
    %broadcast_in_dim3A_251 = vector.shape_cast %broadcast_in_dim3A_246 : vector<104x1xf32> to vector<104x1xf32>
    %broadcast_in_dim3A_252 = vector.broadcast %broadcast_in_dim3A_251 : vector<104x1xf32> to vector<104x128xf32>
    %broadcast_in_dim3A_253 = vector.broadcast %jit3A_250 : f32 to vector<104x128xf32>
    %select_n3A_254 = arith.select %eq3A_249, %broadcast_in_dim3A_252, %broadcast_in_dim3A_253 : vector<104x128xi1>, vector<104x128xf32>
    %add3A_255 = arith.addf %add3A_241, %select_n3A_254 : vector<104x128xf32>
    %swap3A = arith.constant 0 : index
    %swap3A_256 = arith.constant 0 : index
    %swap3A_257 = vector.load %arg3[%swap3A, %swap3A_256] : memref<104x128xf32, #tpu.memory_space<vmem>>, vector<104x128xf32>
    tpu.vector_store %arg3[%swap3A, %swap3A_256], %add3A_255 {strides = array<i32>} : memref<104x128xf32, #tpu.memory_space<vmem>>, vector<104x128xf32>,
    return
  }
}

</mosaic_0001>

<sc_bundles>
// kernel: kernel.4.cloned.1.call-start
scs
__scs_entry_jumppad:
0x0: {  	(pc) =	sbr.rel $0x88, $3  }
0x1: {  	(tag) =	ssettag $0x0;
	lr =	simm.s32 $0x1  }
0x2: {  	[smem:$0x3F9E] =	sst lr;
	_ =	strace $0xD0000000  }
0x3: {  	_ = 	snop  }
0x4: {  	_ = 	snop  }
0x5: {  	_ = 	snop  }
0x6: {  	_ = 	snop  }
0x7: {  	_ = 	snop  }
__scs_overlays_trampoline_lowered:
0x8: {  	[smem:$0x3FAD] =	sst s0  }
0x9: {  	[smem:$0x3FAE] =	sst s1  }
0xa: {  	[smem:$0x3FAF] =	sst s2  }
0xb: {  	[smem:$0x3FB0] =	sst s3  }
0xc: {  	[smem:$0x3FB1] =	sst s4  }
0xd: {  	[smem:$0x3FB2] =	sst s5  }
0xe: {  	[smem:$0x3FB3] =	sst s6  }
0xf: {  	[smem:$0x3FB4] =	sst s7  }
0x10: {  	[smem:$0x3FB5] =	sst s8  }
0x11: {  	[smem:$0x3FB6] =	sst s9;
	s0 =	simm.s32 @!p0 $0x0  }
0x12: {  	s1 =	sld [smem:$0x3F9C];
	s0 =	simm.s32 @p0 $0x1  }
0x13: {  	[smem:$0x3FB7] =	sst s0;
	s0 =	simm.s32 @!p1 $0x0  }
0x14: {  	s2 =	sld [smem:$0x3F9B];
	s0 =	simm.s32 @p1 $0x1  }
0x15: {  	[smem:$0x3FB8] =	sst s0;
	s0 =	simm.s32 @!p2 $0x0  }
0x16: {  	s3 =	sld [smem:$0x3FDB];
	s0 =	simm.s32 @p2 $0x1  }
0x17: {  	s4 =	simm.s32 $0x1BF5;
	[smem:$0x3FBA] =	sst s0  }
0x18: {  	s0 =	sld [smem:$0x3F9D];
	_ =	swait.ge [sflag:s4], $0x0  }
0x19: {  	s7 =	sld [smem:$0x3F9E]  }
0x1a: {  	s8 =	sadd.s32 $0xFFFFE003, lr  }
0x1b: {  	s9 =	sadd.s32 $0xFFFFFEF7, lr;
	s5 =	simm.s32 $0xFFFFFFFF;
	p2 =	slt.u32 s8, $0xFFFFF086  }
0x1c: {  	p1 =	slt.u32 s9, $0xF7A;
	s5 =	simm.s32 @!p2 $0x0  }
0x1d: {  	s5 =	simm.s32 @p1 $0x1;
	p0 =	seq.s32 s7, s2  }
0x1e: {  	s7 =	smul.u32 @!p0 $0xF7A, s2;
	p2 =	seq.s32 @!p0 s5, $0x0  }
0x1f: {  	s9 =	smul.u32 $0xF7A, s1;
	s8 =	simm.s32 @!p0 $0x1BF5;
	p2 =	por !p2, p0  }
0x20: {  	[sflag:s8] =	ssyncset.s32 @!p0 $0xFFFFF086;
	s6 =	sadd.s32 @!p0 s3, s7;
	s7 =	simm.s32 @!p0 $0x108  }
0x21: {  	s3 =	sadd.s32 s3, s9;
	s6 =	sadd.s32 @!p0 $0x88, s6;
	s7 =	simm.s32 @p2 $0x1082  }
0x22: {  	[simem:s7], [sflag:s8] =	dma.local @!p0 [hbm:s6], $0xF7A  }
0x23: {  	s9 =	sor.u32 $0xD0000000, s2;
	s6 =	simm.s32 $0x108;
	_ =	swait.ge @!p0 [sflag:s8], $0x0  }
0x24: {  	s3 =	sadd.s32 $0x88, s3;
	s6 =	simm.s32 @!p1 $0x1082;
	[sflag:s4] =	ssyncset.s32 $0xFFFFF086  }
0x25: {  	[simem:s6], [sflag:s4] =	dma.local [hbm:s3], $0xF7A  }
0x26: {  	[smem:$0x3F9E] =	sst s1;
	(tag) =	ssettag s2;
	_ =	strace s9  }
0x27: {  	s1 =	sld [smem:$0x3FAE]  }
0x28: {  	s2 =	sld [smem:$0x3FAF]  }
0x29: {  	s4 =	sld [smem:$0x3FB1]  }
0x2a: {  	p0 =	seq.s32 s5, $0x0;
	s5 =	sld [smem:$0x3FB2]  }
0x2b: {  	s6 =	sld [smem:$0x3FB3]  }
0x2c: {  	s7 =	sld [smem:$0x3FB4]  }
0x2d: {  	s3 =	simm.s32 $0x108;
	s8 =	sld [smem:$0x3FB5]  }
0x2e: {  	s3 =	simm.s32 @!p0 $0x1082;
	s9 =	sld [smem:$0x3FB6]  }
0x2f: {  	lr =	sadd.s32 s0, s3;
	s0 =	sld [smem:$0x3FAD]  }
0x30: {  	s3 =	sld [smem:$0x3FB0]  }
0x31: {  	[smem:$0x3FB9] =	sst s10  }
0x32: {  	s10 =	sld [smem:$0x3FB7];
	_ =	sdelay $0x3  }
0x33: {  	p0 =	seq.s32 s10, $0x1;
	s10 =	sld [smem:$0x3FB9];
	_ =	sdelay $0x3  }
0x34: {  	[smem:$0x3FB9] =	sst s10  }
0x35: {  	s10 =	sld [smem:$0x3FB8];
	_ =	sdelay $0x3  }
0x36: {  	p1 =	seq.s32 s10, $0x1;
	s10 =	sld [smem:$0x3FB9];
	_ =	sdelay $0x3  }
0x37: {  	[smem:$0x3FB9] =	sst s10  }
0x38: {  	s10 =	sld [smem:$0x3FBA]  }
0x39: {  	_ = 	snop;
	(pc) =	sbr.ind lr, $3  }
0x3a: {  	_ = 	snop  }
0x3b: {  	_ = 	snop  }
0x3c: {  	p2 =	seq.s32 s10, $0x1;
	s10 =	sld [smem:$0x3FB9]  }
0x3d: {  	_ =	shalt  }
0x3e: {  	_ =	shalt  }
0x3f: {  	_ =	shalt  }
0x40: {  	_ =	shalt  }
0x41: {  	_ =	shalt  }
0x42: {  	_ =	shalt  }
0x43: {  	_ =	shalt  }
0x44: {  	_ =	shalt  }
0x45: {  	_ =	shalt  }
0x46: {  	_ =	shalt  }
0x47: {  	_ =	shalt  }
0x48: {  	_ =	shalt  }
0x49: {  	_ =	shalt  }
0x4a: {  	_ =	shalt  }
0x4b: {  	_ =	shalt  }
0x4c: {  	_ =	shalt  }
0x4d: {  	_ =	shalt  }
0x4e: {  	_ =	shalt  }
0x4f: {  	_ =	shalt  }
0x50: {  	_ =	shalt  }
0x51: {  	_ =	shalt  }
0x52: {  	_ =	shalt  }
0x53: {  	_ =	shalt  }
0x54: {  	_ =	shalt  }
0x55: {  	_ =	shalt  }
0x56: {  	_ =	shalt  }
0x57: {  	_ =	shalt  }
0x58: {  	_ =	shalt  }
0x59: {  	_ =	shalt  }
0x5a: {  	_ =	shalt  }
0x5b: {  	_ =	shalt  }
0x5c: {  	_ =	shalt  }
0x5d: {  	_ =	shalt  }
0x5e: {  	_ =	shalt  }
0x5f: {  	_ =	shalt  }
0x60: {  	_ =	shalt  }
0x61: {  	_ =	shalt  }
0x62: {  	_ =	shalt  }
0x63: {  	_ =	shalt  }
0x64: {  	_ =	shalt  }
0x65: {  	_ =	shalt  }
0x66: {  	_ =	shalt  }
0x67: {  	_ =	shalt  }
0x68: {  	_ =	shalt  }
0x69: {  	_ =	shalt  }
0x6a: {  	_ =	shalt  }
0x6b: {  	_ =	shalt  }
0x6c: {  	_ =	shalt  }
0x6d: {  	_ =	shalt  }
0x6e: {  	_ =	shalt  }
0x6f: {  	_ =	shalt  }
0x70: {  	_ =	shalt  }
0x71: {  	_ =	shalt  }
0x72: {  	_ =	shalt  }
0x73: {  	_ =	shalt  }
0x74: {  	_ =	shalt  }
0x75: {  	_ =	shalt  }
0x76: {  	_ =	shalt  }
0x77: {  	_ =	shalt  }
0x78: {  	_ =	shalt  }
0x79: {  	_ =	shalt  }
0x7a: {  	_ =	shalt  }
0x7b: {  	_ =	shalt  }
0x7c: {  	_ =	shalt  }
0x7d: {  	_ =	shalt  }
0x7e: {  	_ =	shalt  }
0x7f: {  	_ =	shalt  }
0x80: {  	_ =	shalt  }
0x81: {  	_ =	shalt  }
0x82: {  	_ =	shalt  }
0x83: {  	_ =	shalt  }
0x84: {  	_ =	shalt  }
0x85: {  	_ =	shalt  }
0x86: {  	_ =	shalt  }
0x87: {  	_ =	shalt  }
.Lfunc_end0:
.L_simem_size_0:
called_computation_lowered:
.L_overlay_start_0:
0x88: {  	s0 =	sld [smem:$0x3FD9]  }
0x89: {  	s1 =	sld [smem:$0x3FFE];
	_ =	sdelay $0x3  }
0x8a: {  	s0 =	sadd.s32 s1, s0  }
0x8b: {  	[smem:$0x3FC5] =	sst s0  }
0x8c: {  	_ = 	snop  }
0x8d: {  	(tm) =	ssettm $0x1  }
0x8e: {  	s15 =	sld [smem:$0x3FFB];
	_ =	sdelay $0x3  }
0x8f: {  	_ =	strace s15  }
0x90: {  	s0 =	sld [smem:$0x3FFC];
	_ =	sdelay $0x3  }
0x91: {  	_ =	strace s0  }
0x92: {  	s0 =	sld [smem:$0x3FFD];
	_ =	sdelay $0x3  }
0x93: {  	_ =	strace s0  }
0x94: {  	_ =	strace $0x8FFFFFFF  }
0x95: {  	s16 =	sld [smem:$0x3FDB];
	_ =	sdelay $0x1  }
0x96: {  	s17 =	simm.s32 $_scs_section_size  }
0x97: {  	s2 =	simm.s32 $_size__tile_overlayer_lowered;
	s3 =	simm.s32 $_tile_overlayer_lowered  }
0x98: {  	s20 =	simm.s32 $0x1BFF;
	s19 =	sshll.u32 s3, $0x1;
	s0 =	sadd.s32 s17, s16  }
0x99: {  	s4 =	simm.s32 $0x0;
	s18 =	sshll.u32 s2, $0x1;
	s2 =	sadd.s32 s19, s0  }
0x9a: {  	[timem:s4], [sflag:s20] =	dma.local [hbm:s2], s18  }
0x9b: {  	_ =	swait.ge [sflag:s20], s18  }
0x9c: {  	s1 =	ssub.s32 $0x0, s18;
	[sflag:s20] =	ssyncset.done $0x0  }
0x9d: {  	[sflag:s20] =	ssyncadd.s32 s1;
	_ =	sdelay $0x1  }
0x9e: {  	s21 =	simm.s32 $0x1B8B  }
0x9f: {  	_ =	swait.ge [sflag:s21], $0x1  }
0xa0: {  	[sflag:s21] =	ssyncset.done $0x0  }
0xa1: {  	s23 =	simm.s32 $0x1B8E;
	s22 =	sld [smem:$0x3FFE];
	[sflag:s21] =	ssyncadd.s32 $0xFFFFFFFF  }
0xa2: {  	s24 =	simm.s32 $execute0_lowered;
	[smem:$0x3FD2] =	sst s23  }
0xa3: {  	s2 =	sshll.u32 s24, $0x1;
	_ =	strace $0x80000046;
	[dreg:$0x1] =	wrdreg $0xFFFFFFFF  }
0xa4: {  	s25 =	simm.s32 $_size_execute0_lowered;
	s0 =	sadd.s32 s0, s2;
	[dreg:$0x0] =	wrdreg $0x0  }
0xa5: {  	s2 =	sshll.u32 s25, $0x1;
	[dreg:$0x2] =	wrdreg s0  }
0xa6: {  	[dreg:$0x3] =	wrdreg s2  }
0xa7: {  	[dreg:$0x4] =	wrdreg $0xC0  }
0xa8: {  	_ =	task [dreg:s4], $0x5FFFF  }
0xa9: {  	[dreg:$0x1] =	wrdreg $0xFFFFFFFF  }
0xaa: {  	[dreg:$0x0] =	wrdreg $0x60  }
0xab: {  	[dreg:$0x2] =	wrdreg s22  }
0xac: {  	[dreg:$0x3] =	wrdreg $0x2E800  }
0xad: {  	[dreg:$0x4] =	wrdreg $0x2F800  }
0xae: {  	[dreg:$0x5] =	wrdreg $0x2F900  }
0xaf: {  	[dreg:$0x6] =	wrdreg $0x34A00  }
0xb0: {  	[dreg:$0x7] =	wrdreg $0x39B00  }
0xb1: {  	[dreg:$0x8] =	wrdreg $0x9  }
0xb2: {  	_ =	task.clear_ibuf [dreg:s4], $0x9FFFF;
	_ =	strace $0x90000046  }
0xb3: {  	s26 =	simm.s32 $0x9;
	_ =	strace $0x80000048  }
0xb4: {  	_ =	swait.ge [sflag:s26], $0x1  }
0xb5: {  	[sflag:s26] =	ssyncadd.s32 $0xFFFFFFFF  }
0xb6: {  	_ =	strace $0x90000048  }
0xb7: {  	_ =	sfence  }
0xb8: {  	s28 =	sld [smem:$0x0];
	_ =	sdelay $0x1  }
0xb9: {  	s29 =	srdreg.scid  }
0xba: {  	s30 =	sshll.u32 s29, $0xD;
	s31 =	sshrl.u32 s29, $0x2  }
0xbb: {  	s1 =	sand.u32 $0x1, s29;
	s2 =	sand.u32 $0x4000, s30;
	s0 =	sadd.s32 s31, s28  }
0xbc: {  	s1 =	sor.u32 s2, s1;
	s0 =	sshll.u32 s0, $0x11  }
0xbd: {  	s0 =	sor.u32 s0, s1  }
0xbe: {  	s0 =	sadd.s32 $0x8F2B, s0  }
0xbf: {  	[sflag:s0] =	ssyncadd.remote.s32 $0x1  }
0xc0: {  	_ =	sfence.sel $0xFFFF  }
0xc1: {  	[dreg:$0x0] =	wrdreg $0xFFFFFFFF;
	(pc) =	sbr.abs _section_cstart, $3  }
0xc2: {  	[dreg:$0x1] =	wrdreg $0xFFFFFFFF  }
0xc3: {  	_ =	task.clear_ibuf [dreg:s4], $0x2FFFF;
	_ =	strace $0x9FFFFFFF  }
0xc4: {  	(tm) =	ssettm $0x7FFFFFFF  }
0xc5: {  	_ =	shalt  }
tec
execute0_lowered:
.L_overlay_start_1:
0x0: {  	(tag) =	ssettag $0x1  }
0x1: {  	s7 =	rddreg [dreg:$0x0]  }
0x2: {  	s9 =	rddreg [dreg:$0x1]  }
0x3: {  	s5 =	rddreg [dreg:$0x2]  }
0x4: {  	s4 =	rddreg [dreg:$0x3];
	s6 =	stileid.u32  }
0x5: {  	s3 =	rddreg [dreg:$0x4];
	s8 =	smul.u32 $0x500, s6  }
0x6: {  	s1 =	rddreg [dreg:$0x5]  }
0x7: {  	s0 =	rddreg [dreg:$0x6];
	s2 =	simm.s32 $0x0;
	s10 =	sshrl.u32 s8, $0x3  }
0x8: {  	[smem:$0x7FF] =	sst s2;
	s10 =	sadd.s32 s10, s7  }
0x9: {  	s31 =	simm.s32 $0x2;
	_ =	strace $0x80000047;
	s10 =	sadd.s32 $0x800, s10  }
0xa: {  	[tilespmem:s2], [sflag:$0x2] =	stream.linear.gather [hbm4b:s10+s2], $0x500, $0x38;
	[tilespmem:$0x39F0] =	vst v63  }
0xb: {  	_ =	swait.ge [sflag:s31], $0x500  }
0xc: {  	[sflag:s31] =	ssyncset.done $0x0  }
0xd: {  	s10 =	simm.s32 $0x0;
	[sflag:s31] =	ssyncadd.s32 $0xFFFFFB00  }
0xe: {  	v0 =	vld [tilespmem:s10+$0x0]  }
0xf: {  	s11 =	simm.s32 $0x40;
	s2 =	sadd.s32 $0x1200, s7;
	s7 =	sadd.s32 $0xB200, s7  }
.LBB2_1:
0x10: {  	p0 =	sne.s32 s11, $0x13C0  }
.Ltmp0:
0x11: {  	_ = 	snop;
	(pc) =	sbr.rel @p0 .LBB2_1-.Ltmp0, $4  }
0x12: {  	_ = 	snop  }
0x13: {  	s12 =	sshra.s32 s11, $0x2;
	s11 =	sadd.s32 $0x40, s11;
	vm0 =	vgt.f32 v0, $5.000000070e-02;
	v1 =	vxor.u32 $0x80000000, v0  }
0x14: {  	v0 =	vld [tilespmem:s12+$0x0];
	v1 =	vnsel vm0, $0x3F800000, v1  }
0x15: {  	[tilespmem:s10+$0x500] =	vst v1;
	s10 =	smov.u32 s12  }
0x16: {  	_ =	sdelay $0x2  }
0x17: {  	vm0 =	vgt.f32 v0, $5.000000070e-02;
	v0 =	vxor.u32 $0x80000000, v0  }
0x18: {  	v0 =	vnsel vm0, $0x3F800000, v0  }
0x19: {  	[tilespmem:s10+$0x500] =	vst v0;
	v0 =	vimm.s32 $0x0  }
0x1a: {  	[tilespmem:$0xA00] =	vst v0  }
0x1b: {  	[tilespmem:$0xA10] =	vst v0  }
0x1c: {  	[tilespmem:$0xA20] =	vst v0  }
0x1d: {  	[tilespmem:$0xA30] =	vst v0  }
0x1e: {  	[tilespmem:$0xA40] =	vst v0  }
0x1f: {  	[tilespmem:$0xA50] =	vst v0  }
0x20: {  	[tilespmem:$0xA60] =	vst v0  }
0x21: {  	[tilespmem:$0xA70] =	vst v0  }
0x22: {  	[tilespmem:$0xA80] =	vst v0  }
0x23: {  	[tilespmem:$0xA90] =	vst v0  }
0x24: {  	[tilespmem:$0xAA0] =	vst v0  }
0x25: {  	[tilespmem:$0xAB0] =	vst v0  }
0x26: {  	[tilespmem:$0xAC0] =	vst v0  }
0x27: {  	[tilespmem:$0xAD0] =	vst v0  }
0x28: {  	[tilespmem:$0xAE0] =	vst v0  }
0x29: {  	s12 =	simm.s32 $0x0;
	s11 =	simm.s32 $0x40;
	s10 =	simm.s32 $0xA00;
	[tilespmem:$0xAF0] =	vst v0;
	v0 =	vimm.s32 $0x1  }
.LBB2_3:
0x2a: {  	p0 =	sne.s32 s11, $0x13C0;
	v1 =	vld [tilespmem:s12+$0x500];
	_ =	sdelay $0x4  }
0x2b: {  	v1 =	vshrl.u32 v1, $0x18  }
.Ltmp1:
0x2c: {  	(pc) =	sbr.rel @p0 .LBB2_3-.Ltmp1, $2  }
0x2d: {  	_ =	sdelay $0x2  }
0x2e: {  	s12 =	sshra.s32 s11, $0x2;
	s11 =	sadd.s32 $0x40, s11;
	[tilespmem:v1+s10+$0x0] =	vst.idx.add.s32.msk $0xffff, v0  }
0x2f: {  	v1 =	vld [tilespmem:s12+$0x500];
	_ =	sdelay $0x4  }
0x30: {  	v1 =	vshrl.u32 v1, $0x18;
	_ =	sdelay $0x3  }
0x31: {  	s11 =	sshll.u32 s6, $0x8  }
0x32: {  	s29 =	simm.s32 $0xA00;
	s30 =	simm.s32 $0x2;
	[tilespmem:v1+s10+$0x0] =	vst.idx.add.s32.msk $0xffff, v0;
	s10 =	sadd.s32 s11, s9  }
0x33: {  	[spmem:s10] =	stream.linear.scatter [tilespmem:s29], [sflag:$0x2], $0x100, $0x38;
	[tilespmem:$0x39F0] =	vst v63  }
0x34: {  	_ =	swait.ge [sflag:s30], $0x100  }
0x35: {  	[sflag:s30] =	ssyncset.done $0x0  }
0x36: {  	[sflag:s30] =	ssyncadd.s32 $0xFFFFFF00  }
0x37: {  	s31 =	simm.s32 $0xB00;
	[bflag:$0x0] =	sbarrier.arrive $0xFFFF  }
0x38: {  	[tilespmem:s31], [sflag:$0x2] =	stream.linear.gather [spmem:s9], $0x1000, $0x38;
	[tilespmem:$0x39F0] =	vst v63  }
0x39: {  	_ =	swait.ge [sflag:s30], $0x1000  }
0x3a: {  	[sflag:s30] =	ssyncset.done $0x0  }
0x3b: {  	s11 =	simm.s32 $0x0;
	[sflag:s30] =	ssyncadd.s32 $0xFFFFF000  }
0x3c: {  	v0 =	vld [tilespmem:s11+$0xB00]  }
0x3d: {  	v1 =	vld [tilespmem:s11+$0xC00]  }
0x3e: {  	v2 =	vld [tilespmem:s11+$0xD00]  }
0x3f: {  	v3 =	vld [tilespmem:s11+$0xE00]  }
0x40: {  	v4 =	vld [tilespmem:s11+$0xF00]  }
0x41: {  	v5 =	vld [tilespmem:s11+$0x1000]  }
0x42: {  	v0 =	vadd.s32 v0, v1;
	v1 =	vld [tilespmem:s11+$0x1100]  }
0x43: {  	v0 =	vadd.s32 v2, v0;
	v2 =	vld [tilespmem:s11+$0x1200]  }
0x44: {  	v0 =	vadd.s32 v3, v0;
	v3 =	vld [tilespmem:s11+$0x1300]  }
0x45: {  	v0 =	vadd.s32 v4, v0;
	v4 =	vld [tilespmem:s11+$0x1400]  }
0x46: {  	v0 =	vadd.s32 v5, v0;
	v5 =	vld [tilespmem:s11+$0x1500]  }
0x47: {  	v6 =	vld [tilespmem:s11+$0x1600];
	v0 =	vadd.s32 v1, v0  }
0x48: {  	v1 =	vld [tilespmem:s11+$0x1700];
	v0 =	vadd.s32 v2, v0  }
0x49: {  	v2 =	vld [tilespmem:s11+$0x1800];
	v0 =	vadd.s32 v3, v0  }
0x4a: {  	v3 =	vld [tilespmem:s11+$0x1900];
	v0 =	vadd.s32 v4, v0  }
0x4b: {  	s12 =	simm.s32 $0x10;
	v4 =	vld [tilespmem:s11+$0x1A00];
	v5 =	vadd.s32 v5, v0  }
0x4c: {  	s13 =	simm.s32 $0x80;
	v0 =	vld [tilespmem:s12+$0xB00];
	v5 =	vadd.s32 v6, v5  }
.LBB2_5:
0x4d: {  	p0 =	sne.s32 s13, $0x3C0;
	v6 =	vld [tilespmem:s12+$0xC00];
	v1 =	vadd.s32 v1, v5  }
0x4e: {  	v5 =	vld [tilespmem:s12+$0xD00];
	v1 =	vadd.s32 v2, v1  }
0x4f: {  	v2 =	vld [tilespmem:s12+$0xE00];
	v1 =	vadd.s32 v3, v1  }
0x50: {  	v3 =	vld [tilespmem:s12+$0xF00];
	v1 =	vadd.s32 v4, v1  }
0x51: {  	v4 =	vld [tilespmem:s12+$0x1000];
	[tilespmem:s11+$0xA00] =	vst v1;
	s11 =	smov.u32 s12  }
0x52: {  	v0 =	vadd.s32 v0, v6;
	v1 =	vld [tilespmem:s11+$0x1100]  }
0x53: {  	v0 =	vadd.s32 v5, v0;
	v5 =	vld [tilespmem:s11+$0x1200]  }
0x54: {  	v0 =	vadd.s32 v2, v0;
	v2 =	vld [tilespmem:s11+$0x1300]  }
0x55: {  	v0 =	vadd.s32 v3, v0;
	v3 =	vld [tilespmem:s11+$0x1400]  }
0x56: {  	v0 =	vadd.s32 v4, v0;
	v4 =	vld [tilespmem:s11+$0x1500]  }
0x57: {  	v0 =	vadd.s32 v1, v0;
	v6 =	vld [tilespmem:s11+$0x1600]  }
.Ltmp2:
0x58: {  	v0 =	vadd.s32 v5, v0;
	v1 =	vld [tilespmem:s11+$0x1700];
	(pc) =	sbr.rel @p0 .LBB2_5-.Ltmp2, $4  }
0x59: {  	v0 =	vadd.s32 v2, v0;
	v2 =	vld [tilespmem:s11+$0x1800]  }
0x5a: {  	v0 =	vadd.s32 v3, v0;
	v3 =	vld [tilespmem:s11+$0x1900]  }
0x5b: {  	s12 =	sshra.s32 s13, $0x2;
	v5 =	vadd.s32 v4, v0;
	v4 =	vld [tilespmem:s11+$0x1A00]  }
0x5c: {  	s13 =	sadd.s32 $0x40, s13;
	v0 =	vld [tilespmem:s12+$0xB00];
	v5 =	vadd.s32 v6, v5  }
0x5d: {  	v6 =	vld [tilespmem:s12+$0xC00];
	v1 =	vadd.s32 v1, v5  }
0x5e: {  	v5 =	vld [tilespmem:s12+$0xD00];
	v1 =	vadd.s32 v2, v1  }
0x5f: {  	v2 =	vld [tilespmem:s12+$0xE00];
	v1 =	vadd.s32 v3, v1  }
0x60: {  	v3 =	vld [tilespmem:s12+$0xF00];
	v1 =	vadd.s32 v4, v1  }
0x61: {  	v4 =	vld [tilespmem:s12+$0x1000];
	[tilespmem:s11+$0xA00] =	vst v1  }
0x62: {  	v0 =	vadd.s32 v0, v6;
	v1 =	vld [tilespmem:s12+$0x1100]  }
0x63: {  	v0 =	vadd.s32 v5, v0;
	v5 =	vld [tilespmem:s12+$0x1200]  }
0x64: {  	v0 =	vadd.s32 v2, v0;
	v2 =	vld [tilespmem:s12+$0x1300]  }
0x65: {  	v0 =	vadd.s32 v3, v0;
	v3 =	vld [tilespmem:s12+$0x1400]  }
0x66: {  	v0 =	vadd.s32 v4, v0;
	v4 =	vld [tilespmem:s12+$0x1500]  }
0x67: {  	v0 =	vadd.s32 v1, v0;
	v1 =	vld [tilespmem:s12+$0x1600]  }
0x68: {  	v0 =	vadd.s32 v5, v0;
	v5 =	vld [tilespmem:s12+$0x1700]  }
0x69: {  	v0 =	vadd.s32 v2, v0;
	v2 =	vld [tilespmem:s12+$0x1800]  }
0x6a: {  	v0 =	vadd.s32 v3, v0;
	v3 =	vld [tilespmem:s12+$0x1900]  }
0x6b: {  	v0 =	vadd.s32 v4, v0;
	v4 =	vld [tilespmem:s12+$0x1A00]  }
0x6c: {  	v0 =	vadd.s32 v1, v0  }
0x6d: {  	v0 =	vadd.s32 v5, v0  }
0x6e: {  	v0 =	vadd.s32 v2, v0  }
0x6f: {  	v0 =	vadd.s32 v3, v0  }
0x70: {  	v0 =	vadd.s32 v4, v0  }
0x71: {  	[tilespmem:s12+$0xA00] =	vst v0  }
0x72: {  	s30 =	simm.s32 $0xAF0;
	[bflag:$0x0] =	sbarrier.arrive $0xFFFF  }
0x73: {  	v4 =	vld [tilespmem:s30+$0x0]  }
0x74: {  	v0 =	vlaneseq.u32  }
0x75: {  	v1 =	vmul.u32 $0xFFFFFFFF, v0;
	_ =	sdelay $0x1  }
0x76: {  	v3 =	vadd.s32 $0xF, v1  }
0x77: {  	v5 =	vperm.xlane v4, v3;
	_ =	sdelay $0x1  }
0x78: {  	(xrf0) =	vadd.scan.msk.s32 $0xffff, v5;
	_ =	sdelay $0x5  }
0x79: {  	s12 =	simm.s32 $0x0;
	v1, _, _ =	vpop (xrf0)  }
0x7a: {  	v6 =	vadd.s32 s12, v1  }
0x7b: {  	v1 =	vor.u32 $0x80000000, v0;
	vm0 =	vgt.s32 v6, $0x3E7  }
0x7c: {  	v2 =	vnsel vm0, $0x80000010, v1  }
0x7d: {  	(xrf0) =	vmin.scan.msk.u32 $0xffff, v2;
	_ =	sdelay $0x5  }
0x7e: {  	v2, _, _ =	vpop (xrf0)  }
0x7f: {  	(v2sf) =	vpush v2, $0xF;
	_ =	sdelay $0xe  }
0x80: {  	v2 =	vimm.s32 $0x0;
	s31 =	spop (v2sf)  }
0x81: {  	v7 =	vsel vm0, $0x1, v2;
	s13 =	sxor.u32 $0x80000000, s31  }
0x82: {  	(xrf0) =	vadd.scan.msk.s32 $0xffff, v7;
	v8 =	vmov s13  }
0x83: {  	v5 =	vsub.s32 v6, v5;
	(xrf0) =	vadd.scan.msk.s32 $0xffff, v4;
	vm15 =	veq.s32 v8, v0  }
0x84: {  	v4 =	vnsel vm15, $0x0, v5  }
0x85: {  	(xrf0) =	vadd.scan.msk.s32 $0xffff, v4;
	_ =	sdelay $0x2  }
0x86: {  	v4, _, _ =	vpop (xrf0)  }
0x87: {  	(v2sf) =	vpush v4, $0xF;
	v4, _, _ =	vpop (xrf0)  }
0x88: {  	(v2sf) =	vpush v4, $0xF  }
0x89: {  	v4, _, _ =	vpop (xrf0)  }
0x8a: {  	(v2sf) =	vpush v4, $0xF;
	_ =	sdelay $0x1  }
0x8b: {  	s16 =	simm.s32 $0xAE0;
	s17 =	simm.s32 $0x800000DF;
	s15 =	simm.s32 $0x0  }
0x8c: {  	s11 =	simm.s32 $0x0;
	s14 =	ssub.s32 $0x800000FF, s31;
	s13 =	simm.s32 $0x800000EF;
	v4 =	vld [tilespmem:s16+$0x0]  }
.LBB2_7:
0x8d: {  	p0 =	sne.s32 s17, $0x8000000F;
	_ =	sdelay $0x3  }
0x8e: {  	v5 =	vperm.xlane v4, v3;
	_ =	sdelay $0x1  }
0x8f: {  	(xrf0) =	vadd.scan.msk.s32 $0xffff, v5;
	_ =	sdelay $0x1  }
0x90: {  	s18 =	spop (v2sf)  }
0x91: {  	p2 =	seq.s32 s12, $0x0;
	p1 =	sgt.s32 s18, $0x0;
	s18 =	spop (v2sf)  }
0x92: {  	p1 =	por !p2, !p1;
	s18 =	simm.s32 @!p2 $0x0  }
0x93: {  	p1 =	por !p1, !p1;
	s15 =	sadd.s32 s15, s18;
	s18 =	spop (v2sf)  }
0x94: {  	v6, _, _ =	vpop (xrf0);
	s12 =	simm.s32 @p1 $0x1;
	s15 =	smov.u32 @p1 s18  }
0x95: {  	s11 =	smov.u32 @p1 s14;
	v6 =	vadd.s32 s15, v6  }
0x96: {  	vm0 =	vgt.s32 v6, $0x3E7  }
0x97: {  	v7 =	vnsel vm0, $0x80000010, v1  }
0x98: {  	(xrf0) =	vmin.scan.msk.u32 $0xffff, v7;
	_ =	sdelay $0x5  }
0x99: {  	v7, _, _ =	vpop (xrf0)  }
0x9a: {  	(v2sf) =	vpush v7, $0xF;
	_ =	sdelay $0xe  }
0x9b: {  	s14 =	spop (v2sf)  }
0x9c: {  	v7 =	vsel vm0, $0x1, v2;
	s18 =	sxor.u32 $0x80000000, s14;
	s14 =	ssub.s32 s13, s14;
	s13 =	smov.u32 s17  }
0x9d: {  	v8 =	vmov s18;
	(xrf0) =	vadd.scan.msk.s32 $0xffff, v7  }
0x9e: {  	v5 =	vsub.s32 v6, v5;
	vm0 =	veq.s32 v8, v0;
	(xrf0) =	vadd.scan.msk.s32 $0xffff, v4  }
0x9f: {  	v4 =	vnsel vm0, $0x0, v5  }
0xa0: {  	(xrf0) =	vadd.scan.msk.s32 $0xffff, v4;
	_ =	sdelay $0x2  }
0xa1: {  	v4, _, _ =	vpop (xrf0)  }
0xa2: {  	(v2sf) =	vpush v4, $0xF;
	v4, _, _ =	vpop (xrf0)  }
0xa3: {  	(v2sf) =	vpush v4, $0xF  }
.Ltmp3:
0xa4: {  	v4, _, _ =	vpop (xrf0);
	(pc) =	sbr.rel @p0 .LBB2_7-.Ltmp3, $3  }
0xa5: {  	(v2sf) =	vpush v4, $0xF;
	_ =	sdelay $0x1  }
0xa6: {  	s16 =	sadd.s32 $0xFFFFFFF0, s16  }
0xa7: {  	s17 =	sadd.s32 $0xFFFFFFF0, s17;
	v4 =	vld [tilespmem:s16+$0x0]  }
0xa8: {  	_ =	sdelay $0x3  }
0xa9: {  	v3 =	vperm.xlane v4, v3;
	_ =	sdelay $0x1  }
0xaa: {  	(xrf0) =	vadd.scan.msk.s32 $0xffff, v3;
	_ =	sdelay $0x1  }
0xab: {  	s16 =	spop (v2sf)  }
0xac: {  	p1 =	seq.s32 s12, $0x0;
	p0 =	sgt.s32 s16, $0x0;
	s16 =	spop (v2sf)  }
0xad: {  	p0 =	por !p1, !p0;
	s16 =	simm.s32 @!p1 $0x0  }
0xae: {  	p0 =	por !p0, !p0;
	s15 =	sadd.s32 s15, s16;
	s16 =	spop (v2sf)  }
0xaf: {  	v5, _, _ =	vpop (xrf0);
	s15 =	smov.u32 @p0 s16  }
0xb0: {  	v5 =	vadd.s32 s15, v5  }
0xb1: {  	vm0 =	vgt.s32 v5, $0x3E7  }
0xb2: {  	v1 =	vnsel vm0, $0x80000010, v1  }
0xb3: {  	(xrf0) =	vmin.scan.msk.u32 $0xffff, v1;
	_ =	sdelay $0x5  }
0xb4: {  	v1, _, _ =	vpop (xrf0)  }
0xb5: {  	(v2sf) =	vpush v1, $0xF;
	_ =	sdelay $0xe  }
0xb6: {  	v1 =	vsel vm0, $0x1, v2;
	s30 =	spop (v2sf)  }
0xb7: {  	(xrf0) =	vadd.scan.msk.s32 $0xffff, v1;
	s17 =	sxor.u32 $0x80000000, s30  }
0xb8: {  	v1 =	vmov s17  }
0xb9: {  	v2 =	vsub.s32 v5, v3;
	(xrf0) =	vadd.scan.msk.s32 $0xffff, v4;
	vm15 =	veq.s32 v1, v0  }
0xba: {  	v0 =	vnsel vm15, $0x0, v2;
	_ =	sdelay $0x1  }
0xbb: {  	(xrf0) =	vadd.scan.msk.s32 $0xffff, v0  }
0xbc: {  	v0, _, _ =	vpop (xrf0)  }
0xbd: {  	(v2sf) =	vpush v0, $0xF  }
0xbe: {  	v0, _, _ =	vpop (xrf0)  }
0xbf: {  	(v2sf) =	vpush v0, $0xF;
	_ =	sdelay $0x1  }
0xc0: {  	v0, _, _ =	vpop (xrf0)  }
0xc1: {  	(v2sf) =	vpush v0, $0xF;
	v0 =	vimm.s32 $0x0  }
0xc2: {  	[tilespmem:$0xA00] =	vst v0  }
0xc3: {  	[tilespmem:$0xA10] =	vst v0  }
0xc4: {  	[tilespmem:$0xA20] =	vst v0  }
0xc5: {  	[tilespmem:$0xA30] =	vst v0  }
0xc6: {  	[tilespmem:$0xA40] =	vst v0  }
0xc7: {  	[tilespmem:$0xA50] =	vst v0  }
0xc8: {  	[tilespmem:$0xA60] =	vst v0  }
0xc9: {  	[tilespmem:$0xA70] =	vst v0  }
0xca: {  	[tilespmem:$0xA80] =	vst v0  }
0xcb: {  	s12 =	simm.s32 @p0 $0x1;
	[tilespmem:$0xA90] =	vst v0;
	s31 =	spop (v2sf)  }
0xcc: {  	p2 =	seq.s32 s12, $0x0;
	[tilespmem:$0xAA0] =	vst v0;
	p5 =	sgt.s32 s31, $0x0  }
0xcd: {  	s11 =	smov.u32 @p0 s14;
	[tilespmem:$0xAB0] =	vst v0;
	s12 =	spop (v2sf);
	p6 =	por !p2, !p5  }
0xce: {  	s13 =	ssub.s32 s13, s30;
	[tilespmem:$0xAC0] =	vst v0;
	s12 =	simm.s32 @!p2 $0x0;
	p0 =	por !p6, !p6  }
0xcf: {  	[tilespmem:$0xAD0] =	vst v0;
	s12 =	sadd.s32 s15, s12;
	s11 =	smov.u32 @p0 s13  }
0xd0: {  	[tilespmem:$0xAE0] =	vst v0;
	s15 =	simm.s32 $0x0;
	s14 =	spop (v2sf);
	s13 =	sand.u32 $0xFF, s11  }
0xd1: {  	[tilespmem:$0xAF0] =	vst v0;
	v0 =	vimm.s32 $0x1;
	s12 =	smov.u32 @p0 s14;
	s14 =	simm.s32 $0x40;
	v1 =	vmov s13;
	s13 =	simm.s32 $0xA00  }
.LBB2_9:
0xd2: {  	p0 =	sne.s32 s14, $0x13C0;
	v2 =	vld [tilespmem:s15+$0x500];
	_ =	sdelay $0x4  }
0xd3: {  	v3 =	vshrl.u32 v2, $0x18  }
0xd4: {  	v2 =	vshrl.u32 v2, $0x10;
	vm0 =	veq.s32 v3, v1  }
0xd5: {  	v2 =	vand.u32 $0xFF, v2  }
.Ltmp4:
0xd6: {  	(pc) =	sbr.rel @p0 .LBB2_9-.Ltmp4, $2  }
0xd7: {  	_ =	sdelay $0x2  }
0xd8: {  	s15 =	sshra.s32 s14, $0x2;
	s14 =	sadd.s32 $0x40, s14;
	[tilespmem:v2+s13+$0x0] =	vst.idx.add.s32.msk vm0, v0  }
0xd9: {  	v2 =	vld [tilespmem:s15+$0x500];
	_ =	sdelay $0x4  }
0xda: {  	v3 =	vshrl.u32 v2, $0x18  }
0xdb: {  	v2 =	vshrl.u32 v2, $0x10;
	vm0 =	veq.s32 v3, v1  }
0xdc: {  	v1 =	vand.u32 $0xFF, v2;
	_ =	sdelay $0x4  }
0xdd: {  	s30 =	simm.s32 $0xA00;
	s31 =	simm.s32 $0x2;
	[tilespmem:v1+s13+$0x0] =	vst.idx.add.s32.msk vm0, v0  }
0xde: {  	[spmem:s10] =	stream.linear.scatter [tilespmem:s30], [sflag:$0x2], $0x100, $0x38;
	[tilespmem:$0x39F0] =	vst v63  }
0xdf: {  	_ =	swait.ge [sflag:s31], $0x100  }
0xe0: {  	[sflag:s31] =	ssyncset.done $0x0  }
0xe1: {  	[sflag:s31] =	ssyncadd.s32 $0xFFFFFF00  }
0xe2: {  	s14 =	simm.s32 $0xB00;
	[bflag:$0x0] =	sbarrier.arrive $0xFFFF  }
0xe3: {  	[tilespmem:s14], [sflag:$0x2] =	stream.linear.gather [spmem:s9], $0x1000, $0x38;
	[tilespmem:$0x39F0] =	vst v63  }
0xe4: {  	_ =	swait.ge [sflag:s31], $0x1000  }
0xe5: {  	[sflag:s31] =	ssyncset.done $0x0  }
0xe6: {  	s13 =	simm.s32 $0x0;
	[sflag:s31] =	ssyncadd.s32 $0xFFFFF000  }
0xe7: {  	v0 =	vld [tilespmem:s13+$0xB00]  }
0xe8: {  	v1 =	vld [tilespmem:s13+$0xC00]  }
0xe9: {  	v2 =	vld [tilespmem:s13+$0xD00]  }
0xea: {  	v3 =	vld [tilespmem:s13+$0xE00]  }
0xeb: {  	v4 =	vld [tilespmem:s13+$0xF00]  }
0xec: {  	v5 =	vld [tilespmem:s13+$0x1000]  }
0xed: {  	v0 =	vadd.s32 v0, v1;
	v1 =	vld [tilespmem:s13+$0x1100]  }
0xee: {  	v0 =	vadd.s32 v2, v0;
	v2 =	vld [tilespmem:s13+$0x1200]  }
0xef: {  	v0 =	vadd.s32 v3, v0;
	v3 =	vld [tilespmem:s13+$0x1300]  }
0xf0: {  	v0 =	vadd.s32 v4, v0;
	v4 =	vld [tilespmem:s13+$0x1400]  }
0xf1: {  	v0 =	vadd.s32 v5, v0;
	v5 =	vld [tilespmem:s13+$0x1500]  }
0xf2: {  	v6 =	vld [tilespmem:s13+$0x1600];
	v0 =	vadd.s32 v1, v0  }
0xf3: {  	v1 =	vld [tilespmem:s13+$0x1700];
	v0 =	vadd.s32 v2, v0  }
0xf4: {  	v2 =	vld [tilespmem:s13+$0x1800];
	v0 =	vadd.s32 v3, v0  }
0xf5: {  	v3 =	vld [tilespmem:s13+$0x1900];
	v0 =	vadd.s32 v4, v0  }
0xf6: {  	s14 =	simm.s32 $0x10;
	v4 =	vld [tilespmem:s13+$0x1A00];
	v5 =	vadd.s32 v5, v0  }
0xf7: {  	s15 =	simm.s32 $0x80;
	v0 =	vld [tilespmem:s14+$0xB00];
	v5 =	vadd.s32 v6, v5  }
.LBB2_11:
0xf8: {  	p0 =	sne.s32 s15, $0x3C0;
	v6 =	vld [tilespmem:s14+$0xC00];
	v1 =	vadd.s32 v1, v5  }
0xf9: {  	v5 =	vld [tilespmem:s14+$0xD00];
	v1 =	vadd.s32 v2, v1  }
0xfa: {  	v2 =	vld [tilespmem:s14+$0xE00];
	v1 =	vadd.s32 v3, v1  }
0xfb: {  	v3 =	vld [tilespmem:s14+$0xF00];
	v1 =	vadd.s32 v4, v1  }
0xfc: {  	v4 =	vld [tilespmem:s14+$0x1000];
	[tilespmem:s13+$0xA00] =	vst v1;
	s13 =	smov.u32 s14  }
0xfd: {  	v0 =	vadd.s32 v0, v6;
	v1 =	vld [tilespmem:s13+$0x1100]  }
0xfe: {  	v0 =	vadd.s32 v5, v0;
	v5 =	vld [tilespmem:s13+$0x1200]  }
0xff: {  	v0 =	vadd.s32 v2, v0;
	v2 =	vld [tilespmem:s13+$0x1300]  }
0x100: {  	v0 =	vadd.s32 v3, v0;
	v3 =	vld [tilespmem:s13+$0x1400]  }
0x101: {  	v0 =	vadd.s32 v4, v0;
	v4 =	vld [tilespmem:s13+$0x1500]  }
0x102: {  	v0 =	vadd.s32 v1, v0;
	v6 =	vld [tilespmem:s13+$0x1600]  }
.Ltmp5:
0x103: {  	v0 =	vadd.s32 v5, v0;
	v1 =	vld [tilespmem:s13+$0x1700];
	(pc) =	sbr.rel @p0 .LBB2_11-.Ltmp5, $4  }
0x104: {  	v0 =	vadd.s32 v2, v0;
	v2 =	vld [tilespmem:s13+$0x1800]  }
0x105: {  	v0 =	vadd.s32 v3, v0;
	v3 =	vld [tilespmem:s13+$0x1900]  }
0x106: {  	s14 =	sshra.s32 s15, $0x2;
	v5 =	vadd.s32 v4, v0;
	v4 =	vld [tilespmem:s13+$0x1A00]  }
0x107: {  	s15 =	sadd.s32 $0x40, s15;
	v0 =	vld [tilespmem:s14+$0xB00];
	v5 =	vadd.s32 v6, v5  }
0x108: {  	v6 =	vld [tilespmem:s14+$0xC00];
	v1 =	vadd.s32 v1, v5  }
0x109: {  	v5 =	vld [tilespmem:s14+$0xD00];
	v1 =	vadd.s32 v2, v1  }
0x10a: {  	v2 =	vld [tilespmem:s14+$0xE00];
	v1 =	vadd.s32 v3, v1  }
0x10b: {  	v3 =	vld [tilespmem:s14+$0xF00];
	v1 =	vadd.s32 v4, v1  }
0x10c: {  	v4 =	vld [tilespmem:s14+$0x1000];
	[tilespmem:s13+$0xA00] =	vst v1  }
0x10d: {  	v0 =	vadd.s32 v0, v6;
	v1 =	vld [tilespmem:s14+$0x1100]  }
0x10e: {  	v0 =	vadd.s32 v5, v0;
	v5 =	vld [tilespmem:s14+$0x1200]  }
0x10f: {  	v0 =	vadd.s32 v2, v0;
	v2 =	vld [tilespmem:s14+$0x1300]  }
0x110: {  	v0 =	vadd.s32 v3, v0;
	v3 =	vld [tilespmem:s14+$0x1400]  }
0x111: {  	v0 =	vadd.s32 v4, v0;
	v4 =	vld [tilespmem:s14+$0x1500]  }
0x112: {  	v0 =	vadd.s32 v1, v0;
	v1 =	vld [tilespmem:s14+$0x1600]  }
0x113: {  	v0 =	vadd.s32 v5, v0;
	v5 =	vld [tilespmem:s14+$0x1700]  }
0x114: {  	v0 =	vadd.s32 v2, v0;
	v2 =	vld [tilespmem:s14+$0x1800]  }
0x115: {  	v0 =	vadd.s32 v3, v0;
	v3 =	vld [tilespmem:s14+$0x1900]  }
0x116: {  	v0 =	vadd.s32 v4, v0;
	v4 =	vld [tilespmem:s14+$0x1A00]  }
0x117: {  	v0 =	vadd.s32 v1, v0  }
0x118: {  	v0 =	vadd.s32 v5, v0  }
0x119: {  	v0 =	vadd.s32 v2, v0  }
0x11a: {  	v0 =	vadd.s32 v3, v0  }
0x11b: {  	v0 =	vadd.s32 v4, v0  }
0x11c: {  	[tilespmem:s14+$0xA00] =	vst v0  }
0x11d: {  	s30 =	simm.s32 $0xAF0;
	[bflag:$0x0] =	sbarrier.arrive $0xFFFF  }
0x11e: {  	v5 =	vld [tilespmem:s30+$0x0]  }
0x11f: {  	v0 =	vlaneseq.u32  }
0x120: {  	v1 =	vmul.u32 $0xFFFFFFFF, v0;
	_ =	sdelay $0x1  }
0x121: {  	v4 =	vadd.s32 $0xF, v1  }
0x122: {  	v6 =	vperm.xlane v5, v4;
	_ =	sdelay $0x1  }
0x123: {  	(xrf0) =	vadd.scan.msk.s32 $0xffff, v6;
	_ =	sdelay $0x5  }
0x124: {  	s12 =	ssub.s32 $0x3E8, s12;
	s13 =	simm.s32 $0x0;
	v2, _, _ =	vpop (xrf0)  }
0x125: {  	v1 =	vmov s12;
	v7 =	vadd.s32 s13, v2  }
0x126: {  	v2 =	vor.u32 $0x80000000, v0;
	vm0 =	vge.s32 v7, v1  }
0x127: {  	v3 =	vnsel vm0, $0x80000010, v2  }
0x128: {  	(xrf0) =	vmin.scan.msk.u32 $0xffff, v3;
	_ =	sdelay $0x5  }
0x129: {  	v3, _, _ =	vpop (xrf0)  }
0x12a: {  	(v2sf) =	vpush v3, $0xF;
	_ =	sdelay $0xe  }
0x12b: {  	v3 =	vimm.s32 $0x0;
	s15 =	spop (v2sf)  }
0x12c: {  	v8 =	vsel vm0, $0x1, v3;
	s31 =	sxor.u32 $0x80000000, s15  }
0x12d: {  	(xrf0) =	vadd.scan.msk.s32 $0xffff, v8;
	v9 =	vmov s31  }
0x12e: {  	v6 =	vsub.s32 v7, v6;
	(xrf0) =	vadd.scan.msk.s32 $0xffff, v5;
	vm15 =	veq.s32 v9, v0  }
0x12f: {  	v5 =	vnsel vm15, $0x0, v6  }
0x130: {  	(xrf0) =	vadd.scan.msk.s32 $0xffff, v5;
	_ =	sdelay $0x2  }
0x131: {  	v5, _, _ =	vpop (xrf0)  }
0x132: {  	(v2sf) =	vpush v5, $0xF;
	v5, _, _ =	vpop (xrf0)  }
0x133: {  	(v2sf) =	vpush v5, $0xF  }
0x134: {  	v5, _, _ =	vpop (xrf0)  }
0x135: {  	(v2sf) =	vpush v5, $0xF;
	_ =	sdelay $0x1  }
0x136: {  	s18 =	simm.s32 $0xAE0;
	s19 =	simm.s32 $0x800000DF;
	s17 =	simm.s32 $0x0  }
0x137: {  	s14 =	simm.s32 $0x800000EF;
	s16 =	ssub.s32 $0x800000FF, s15;
	s15 =	simm.s32 $0x0;
	v5 =	vld [tilespmem:s18+$0x0]  }
.LBB2_13:
0x138: {  	p0 =	sne.s32 s19, $0x8000000F;
	_ =	sdelay $0x3  }
0x139: {  	v6 =	vperm.xlane v5, v4;
	_ =	sdelay $0x1  }
0x13a: {  	(xrf0) =	vadd.scan.msk.s32 $0xffff, v6;
	_ =	sdelay $0x1  }
0x13b: {  	s20 =	spop (v2sf)  }
0x13c: {  	p2 =	seq.s32 s13, $0x0;
	p1 =	sgt.s32 s20, $0x0;
	s20 =	spop (v2sf)  }
0x13d: {  	p1 =	por !p2, !p1;
	s20 =	simm.s32 @!p2 $0x0  }
0x13e: {  	p1 =	por !p1, !p1;
	s17 =	sadd.s32 s17, s20;
	s20 =	spop (v2sf)  }
0x13f: {  	v7, _, _ =	vpop (xrf0);
	s13 =	simm.s32 @p1 $0x1;
	s17 =	smov.u32 @p1 s20  }
0x140: {  	s15 =	smov.u32 @p1 s16;
	v7 =	vadd.s32 s17, v7  }
0x141: {  	vm0 =	vge.s32 v7, v1  }
0x142: {  	v8 =	vnsel vm0, $0x80000010, v2  }
0x143: {  	(xrf0) =	vmin.scan.msk.u32 $0xffff, v8;
	_ =	sdelay $0x5  }
0x144: {  	v8, _, _ =	vpop (xrf0)  }
0x145: {  	(v2sf) =	vpush v8, $0xF;
	_ =	sdelay $0xe  }
0x146: {  	s16 =	spop (v2sf)  }
0x147: {  	v8 =	vsel vm0, $0x1, v3;
	s20 =	sxor.u32 $0x80000000, s16;
	s16 =	ssub.s32 s14, s16;
	s14 =	smov.u32 s19  }
0x148: {  	v9 =	vmov s20;
	(xrf0) =	vadd.scan.msk.s32 $0xffff, v8  }
0x149: {  	v6 =	vsub.s32 v7, v6;
	vm0 =	veq.s32 v9, v0;
	(xrf0) =	vadd.scan.msk.s32 $0xffff, v5  }
0x14a: {  	v5 =	vnsel vm0, $0x0, v6  }
0x14b: {  	(xrf0) =	vadd.scan.msk.s32 $0xffff, v5;
	_ =	sdelay $0x2  }
0x14c: {  	v5, _, _ =	vpop (xrf0)  }
0x14d: {  	(v2sf) =	vpush v5, $0xF;
	v5, _, _ =	vpop (xrf0)  }
0x14e: {  	(v2sf) =	vpush v5, $0xF  }
.Ltmp6:
0x14f: {  	v5, _, _ =	vpop (xrf0);
	(pc) =	sbr.rel @p0 .LBB2_13-.Ltmp6, $3  }
0x150: {  	(v2sf) =	vpush v5, $0xF;
	_ =	sdelay $0x1  }
0x151: {  	s18 =	sadd.s32 $0xFFFFFFF0, s18  }
0x152: {  	s19 =	sadd.s32 $0xFFFFFFF0, s19;
	v5 =	vld [tilespmem:s18+$0x0]  }
0x153: {  	_ =	sdelay $0x3  }
0x154: {  	v4 =	vperm.xlane v5, v4;
	_ =	sdelay $0x1  }
0x155: {  	(xrf0) =	vadd.scan.msk.s32 $0xffff, v4;
	_ =	sdelay $0x1  }
0x156: {  	s18 =	spop (v2sf)  }
0x157: {  	p1 =	seq.s32 s13, $0x0;
	p0 =	sgt.s32 s18, $0x0;
	s18 =	spop (v2sf)  }
0x158: {  	p0 =	por !p1, !p0;
	s18 =	simm.s32 @!p1 $0x0  }
0x159: {  	p0 =	por !p0, !p0;
	s17 =	sadd.s32 s17, s18;
	s18 =	spop (v2sf)  }
0x15a: {  	v6, _, _ =	vpop (xrf0);
	s17 =	smov.u32 @p0 s18  }
0x15b: {  	v6 =	vadd.s32 s17, v6  }
0x15c: {  	vm0 =	vge.s32 v6, v1  }
0x15d: {  	v1 =	vnsel vm0, $0x80000010, v2  }
0x15e: {  	(xrf0) =	vmin.scan.msk.u32 $0xffff, v1;
	_ =	sdelay $0x5  }
0x15f: {  	v1, _, _ =	vpop (xrf0)  }
0x160: {  	(v2sf) =	vpush v1, $0xF;
	_ =	sdelay $0xe  }
0x161: {  	v1 =	vsel vm0, $0x1, v3;
	s29 =	spop (v2sf)  }
0x162: {  	(xrf0) =	vadd.scan.msk.s32 $0xffff, v1;
	s19 =	sxor.u32 $0x80000000, s29  }
0x163: {  	v1 =	vmov s19  }
0x164: {  	v2 =	vsub.s32 v6, v4;
	vm15 =	veq.s32 v1, v0  }
0x165: {  	v0 =	vnsel vm15, $0x0, v2;
	_ =	sdelay $0x1  }
0x166: {  	(xrf0) =	vadd.scan.msk.s32 $0xffff, v5  }
0x167: {  	(xrf0) =	vadd.scan.msk.s32 $0xffff, v0;
	v0, _, _ =	vpop (xrf0)  }
0x168: {  	(v2sf) =	vpush v0, $0xF;
	_ =	sdelay $0x3  }
0x169: {  	v0, _, _ =	vpop (xrf0)  }
0x16a: {  	(v2sf) =	vpush v0, $0xF  }
0x16b: {  	v0, _, _ =	vpop (xrf0)  }
0x16c: {  	(v2sf) =	vpush v0, $0xF;
	v0 =	vimm.s32 $0x0  }
0x16d: {  	[tilespmem:$0xA00] =	vst v0  }
0x16e: {  	[tilespmem:$0xA10] =	vst v0  }
0x16f: {  	[tilespmem:$0xA20] =	vst v0  }
0x170: {  	[tilespmem:$0xA30] =	vst v0  }
0x171: {  	[tilespmem:$0xA40] =	vst v0  }
0x172: {  	[tilespmem:$0xA50] =	vst v0  }
0x173: {  	[tilespmem:$0xA60] =	vst v0  }
0x174: {  	s13 =	simm.s32 @p0 $0x1;
	[tilespmem:$0xA70] =	vst v0;
	s30 =	spop (v2sf)  }
0x175: {  	p2 =	seq.s32 s13, $0x0;
	[tilespmem:$0xA80] =	vst v0;
	p6 =	sgt.s32 s30, $0x0  }
0x176: {  	[tilespmem:$0xA90] =	vst v0;
	p1 =	por !p2, !p6  }
0x177: {  	s15 =	smov.u32 @p0 s16;
	s13 =	ssub.s32 s14, s29;
	[tilespmem:$0xAA0] =	vst v0;
	p0 =	por !p1, !p1  }
0x178: {  	[tilespmem:$0xAB0] =	vst v0;
	s15 =	smov.u32 @p0 s13  }
0x179: {  	s11 =	sshll.u32 s11, $0x18;
	[tilespmem:$0xAC0] =	vst v0;
	s14 =	spop (v2sf);
	s15 =	sshll.u32 s15, $0x10  }
0x17a: {  	s16 =	simm.s32 $0x0;
	[tilespmem:$0xAD0] =	vst v0;
	s14 =	simm.s32 @!p2 $0x0;
	s11 =	sor.u32 s11, s15  }
0x17b: {  	[tilespmem:$0xAE0] =	vst v0;
	s13 =	sadd.s32 s17, s14;
	s14 =	spop (v2sf);
	s31 =	sshrl.u32 s11, $0x10  }
0x17c: {  	[tilespmem:$0xAF0] =	vst v0;
	v0 =	vimm.s32 $0x1;
	s13 =	smov.u32 @p0 s14;
	s14 =	simm.s32 $0xA00;
	s15 =	simm.s32 $0x40;
	v1 =	vmov s31  }
.LBB2_15:
0x17d: {  	p0 =	sne.s32 s15, $0x13C0;
	v2 =	vld [tilespmem:s16+$0x500];
	_ =	sdelay $0x4  }
0x17e: {  	v3 =	vshrl.u32 v2, $0x10  }
0x17f: {  	v2 =	vshrl.u32 v2, $0x8;
	vm0 =	veq.s32 v3, v1  }
0x180: {  	v2 =	vand.u32 $0xFF, v2  }
.Ltmp7:
0x181: {  	(pc) =	sbr.rel @p0 .LBB2_15-.Ltmp7, $2  }
0x182: {  	_ =	sdelay $0x2  }
0x183: {  	s16 =	sshra.s32 s15, $0x2;
	s15 =	sadd.s32 $0x40, s15;
	[tilespmem:v2+s14+$0x0] =	vst.idx.add.s32.msk vm0, v0  }
0x184: {  	v2 =	vld [tilespmem:s16+$0x500];
	_ =	sdelay $0x4  }
0x185: {  	v3 =	vshrl.u32 v2, $0x10  }
0x186: {  	v2 =	vshrl.u32 v2, $0x8;
	vm0 =	veq.s32 v3, v1  }
0x187: {  	v1 =	vand.u32 $0xFF, v2;
	_ =	sdelay $0x4  }
0x188: {  	s30 =	simm.s32 $0xA00;
	s31 =	simm.s32 $0x2;
	[tilespmem:v1+s14+$0x0] =	vst.idx.add.s32.msk vm0, v0  }
0x189: {  	[spmem:s10] =	stream.linear.scatter [tilespmem:s30], [sflag:$0x2], $0x100, $0x38;
	[tilespmem:$0x39F0] =	vst v63  }
0x18a: {  	_ =	swait.ge [sflag:s31], $0x100  }
0x18b: {  	[sflag:s31] =	ssyncset.done $0x0  }
0x18c: {  	[sflag:s31] =	ssyncadd.s32 $0xFFFFFF00  }
0x18d: {  	s15 =	simm.s32 $0xB00;
	[bflag:$0x0] =	sbarrier.arrive $0xFFFF  }
0x18e: {  	[tilespmem:s15], [sflag:$0x2] =	stream.linear.gather [spmem:s9], $0x1000, $0x38;
	[tilespmem:$0x39F0] =	vst v63  }
0x18f: {  	_ =	swait.ge [sflag:s31], $0x1000  }
0x190: {  	[sflag:s31] =	ssyncset.done $0x0  }
0x191: {  	s14 =	simm.s32 $0x0;
	[sflag:s31] =	ssyncadd.s32 $0xFFFFF000  }
0x192: {  	v0 =	vld [tilespmem:s14+$0xB00]  }
0x193: {  	v1 =	vld [tilespmem:s14+$0xC00]  }
0x194: {  	v2 =	vld [tilespmem:s14+$0xD00]  }
0x195: {  	v3 =	vld [tilespmem:s14+$0xE00]  }
0x196: {  	v4 =	vld [tilespmem:s14+$0xF00]  }
0x197: {  	v5 =	vld [tilespmem:s14+$0x1000]  }
0x198: {  	v0 =	vadd.s32 v0, v1;
	v1 =	vld [tilespmem:s14+$0x1100]  }
0x199: {  	v0 =	vadd.s32 v2, v0;
	v2 =	vld [tilespmem:s14+$0x1200]  }
0x19a: {  	v0 =	vadd.s32 v3, v0;
	v3 =	vld [tilespmem:s14+$0x1300]  }
0x19b: {  	v0 =	vadd.s32 v4, v0;
	v4 =	vld [tilespmem:s14+$0x1400]  }
0x19c: {  	v0 =	vadd.s32 v5, v0;
	v5 =	vld [tilespmem:s14+$0x1500]  }
0x19d: {  	v6 =	vld [tilespmem:s14+$0x1600];
	v0 =	vadd.s32 v1, v0  }
0x19e: {  	v1 =	vld [tilespmem:s14+$0x1700];
	v0 =	vadd.s32 v2, v0  }
0x19f: {  	v2 =	vld [tilespmem:s14+$0x1800];
	v0 =	vadd.s32 v3, v0  }
0x1a0: {  	v3 =	vld [tilespmem:s14+$0x1900];
	v0 =	vadd.s32 v4, v0  }
0x1a1: {  	s15 =	simm.s32 $0x10;
	v4 =	vld [tilespmem:s14+$0x1A00];
	v5 =	vadd.s32 v5, v0  }
0x1a2: {  	s16 =	simm.s32 $0x80;
	v0 =	vld [tilespmem:s15+$0xB00];
	v5 =	vadd.s32 v6, v5  }
.LBB2_17:
0x1a3: {  	p0 =	sne.s32 s16, $0x3C0;
	v6 =	vld [tilespmem:s15+$0xC00];
	v1 =	vadd.s32 v1, v5  }
0x1a4: {  	v5 =	vld [tilespmem:s15+$0xD00];
	v1 =	vadd.s32 v2, v1  }
0x1a5: {  	v2 =	vld [tilespmem:s15+$0xE00];
	v1 =	vadd.s32 v3, v1  }
0x1a6: {  	v3 =	vld [tilespmem:s15+$0xF00];
	v1 =	vadd.s32 v4, v1  }
0x1a7: {  	v4 =	vld [tilespmem:s15+$0x1000];
	[tilespmem:s14+$0xA00] =	vst v1;
	s14 =	smov.u32 s15  }
0x1a8: {  	v0 =	vadd.s32 v0, v6;
	v1 =	vld [tilespmem:s14+$0x1100]  }
0x1a9: {  	v0 =	vadd.s32 v5, v0;
	v5 =	vld [tilespmem:s14+$0x1200]  }
0x1aa: {  	v0 =	vadd.s32 v2, v0;
	v2 =	vld [tilespmem:s14+$0x1300]  }
0x1ab: {  	v0 =	vadd.s32 v3, v0;
	v3 =	vld [tilespmem:s14+$0x1400]  }
0x1ac: {  	v0 =	vadd.s32 v4, v0;
	v4 =	vld [tilespmem:s14+$0x1500]  }
0x1ad: {  	v0 =	vadd.s32 v1, v0;
	v6 =	vld [tilespmem:s14+$0x1600]  }
.Ltmp8:
0x1ae: {  	v0 =	vadd.s32 v5, v0;
	v1 =	vld [tilespmem:s14+$0x1700];
	(pc) =	sbr.rel @p0 .LBB2_17-.Ltmp8, $4  }
0x1af: {  	v0 =	vadd.s32 v2, v0;
	v2 =	vld [tilespmem:s14+$0x1800]  }
0x1b0: {  	v0 =	vadd.s32 v3, v0;
	v3 =	vld [tilespmem:s14+$0x1900]  }
0x1b1: {  	s15 =	sshra.s32 s16, $0x2;
	v5 =	vadd.s32 v4, v0;
	v4 =	vld [tilespmem:s14+$0x1A00]  }
0x1b2: {  	s16 =	sadd.s32 $0x40, s16;
	v0 =	vld [tilespmem:s15+$0xB00];
	v5 =	vadd.s32 v6, v5  }
0x1b3: {  	v6 =	vld [tilespmem:s15+$0xC00];
	v1 =	vadd.s32 v1, v5  }
0x1b4: {  	v5 =	vld [tilespmem:s15+$0xD00];
	v1 =	vadd.s32 v2, v1  }
0x1b5: {  	v2 =	vld [tilespmem:s15+$0xE00];
	v1 =	vadd.s32 v3, v1  }
0x1b6: {  	v3 =	vld [tilespmem:s15+$0xF00];
	v1 =	vadd.s32 v4, v1  }
0x1b7: {  	v4 =	vld [tilespmem:s15+$0x1000];
	[tilespmem:s14+$0xA00] =	vst v1  }
0x1b8: {  	v0 =	vadd.s32 v0, v6;
	v1 =	vld [tilespmem:s15+$0x1100]  }
0x1b9: {  	v0 =	vadd.s32 v5, v0;
	v5 =	vld [tilespmem:s15+$0x1200]  }
0x1ba: {  	v0 =	vadd.s32 v2, v0;
	v2 =	vld [tilespmem:s15+$0x1300]  }
0x1bb: {  	v0 =	vadd.s32 v3, v0;
	v3 =	vld [tilespmem:s15+$0x1400]  }
0x1bc: {  	v0 =	vadd.s32 v4, v0;
	v4 =	vld [tilespmem:s15+$0x1500]  }
0x1bd: {  	v0 =	vadd.s32 v1, v0;
	v1 =	vld [tilespmem:s15+$0x1600]  }
0x1be: {  	v0 =	vadd.s32 v5, v0;
	v5 =	vld [tilespmem:s15+$0x1700]  }
0x1bf: {  	v0 =	vadd.s32 v2, v0;
	v2 =	vld [tilespmem:s15+$0x1800]  }
0x1c0: {  	v0 =	vadd.s32 v3, v0;
	v3 =	vld [tilespmem:s15+$0x1900]  }
0x1c1: {  	v0 =	vadd.s32 v4, v0;
	v4 =	vld [tilespmem:s15+$0x1A00]  }
0x1c2: {  	v0 =	vadd.s32 v1, v0  }
0x1c3: {  	v0 =	vadd.s32 v5, v0  }
0x1c4: {  	v0 =	vadd.s32 v2, v0  }
0x1c5: {  	v0 =	vadd.s32 v3, v0  }
0x1c6: {  	v0 =	vadd.s32 v4, v0  }
0x1c7: {  	[tilespmem:s15+$0xA00] =	vst v0  }
0x1c8: {  	s29 =	simm.s32 $0xAF0;
	[bflag:$0x0] =	sbarrier.arrive $0xFFFF  }
0x1c9: {  	v5 =	vld [tilespmem:s29+$0x0]  }
0x1ca: {  	v0 =	vlaneseq.u32  }
0x1cb: {  	v1 =	vmul.u32 $0xFFFFFFFF, v0;
	_ =	sdelay $0x1  }
0x1cc: {  	v4 =	vadd.s32 $0xF, v1  }
0x1cd: {  	v6 =	vperm.xlane v5, v4;
	_ =	sdelay $0x1  }
0x1ce: {  	(xrf0) =	vadd.scan.msk.s32 $0xffff, v6;
	_ =	sdelay $0x5  }
0x1cf: {  	s12 =	ssub.s32 s12, s13;
	s13 =	simm.s32 $0x0;
	v2, _, _ =	vpop (xrf0)  }
0x1d0: {  	v1 =	vmov s12;
	v7 =	vadd.s32 s13, v2  }
0x1d1: {  	v2 =	vor.u32 $0x80000000, v0;
	vm0 =	vge.s32 v7, v1  }
0x1d2: {  	v3 =	vnsel vm0, $0x80000010, v2  }
0x1d3: {  	(xrf0) =	vmin.scan.msk.u32 $0xffff, v3;
	_ =	sdelay $0x5  }
0x1d4: {  	v3, _, _ =	vpop (xrf0)  }
0x1d5: {  	(v2sf) =	vpush v3, $0xF;
	_ =	sdelay $0xe  }
0x1d6: {  	v3 =	vimm.s32 $0x0;
	s30 =	spop (v2sf)  }
0x1d7: {  	v8 =	vsel vm0, $0x1, v3;
	s31 =	sxor.u32 $0x80000000, s30  }
0x1d8: {  	(xrf0) =	vadd.scan.msk.s32 $0xffff, v8;
	v9 =	vmov s31  }
0x1d9: {  	v6 =	vsub.s32 v7, v6;
	(xrf0) =	vadd.scan.msk.s32 $0xffff, v5;
	vm15 =	veq.s32 v9, v0  }
0x1da: {  	v5 =	vnsel vm15, $0x0, v6  }
0x1db: {  	(xrf0) =	vadd.scan.msk.s32 $0xffff, v5;
	_ =	sdelay $0x2  }
0x1dc: {  	v5, _, _ =	vpop (xrf0)  }
0x1dd: {  	(v2sf) =	vpush v5, $0xF;
	v5, _, _ =	vpop (xrf0)  }
0x1de: {  	(v2sf) =	vpush v5, $0xF  }
0x1df: {  	v5, _, _ =	vpop (xrf0)  }
0x1e0: {  	(v2sf) =	vpush v5, $0xF;
	_ =	sdelay $0x1  }
0x1e1: {  	s18 =	simm.s32 $0xAE0;
	s19 =	simm.s32 $0x800000DF;
	s17 =	simm.s32 $0x0  }
0x1e2: {  	s14 =	simm.s32 $0x800000EF;
	s15 =	simm.s32 $0x0;
	s16 =	ssub.s32 $0x800000FF, s30;
	v5 =	vld [tilespmem:s18+$0x0]  }
.LBB2_19:
0x1e3: {  	p0 =	sne.s32 s19, $0x8000000F;
	_ =	sdelay $0x3  }
0x1e4: {  	v6 =	vperm.xlane v5, v4;
	_ =	sdelay $0x1  }
0x1e5: {  	(xrf0) =	vadd.scan.msk.s32 $0xffff, v6;
	_ =	sdelay $0x1  }
0x1e6: {  	s20 =	spop (v2sf)  }
0x1e7: {  	p2 =	seq.s32 s13, $0x0;
	p1 =	sgt.s32 s20, $0x0;
	s20 =	spop (v2sf)  }
0x1e8: {  	p1 =	por !p2, !p1;
	s20 =	simm.s32 @!p2 $0x0  }
0x1e9: {  	p1 =	por !p1, !p1;
	s17 =	sadd.s32 s17, s20;
	s20 =	spop (v2sf)  }
0x1ea: {  	v7, _, _ =	vpop (xrf0);
	s13 =	simm.s32 @p1 $0x1;
	s17 =	smov.u32 @p1 s20  }
0x1eb: {  	s15 =	smov.u32 @p1 s16;
	v7 =	vadd.s32 s17, v7  }
0x1ec: {  	vm0 =	vge.s32 v7, v1  }
0x1ed: {  	v8 =	vnsel vm0, $0x80000010, v2  }
0x1ee: {  	(xrf0) =	vmin.scan.msk.u32 $0xffff, v8;
	_ =	sdelay $0x5  }
0x1ef: {  	v8, _, _ =	vpop (xrf0)  }
0x1f0: {  	(v2sf) =	vpush v8, $0xF;
	_ =	sdelay $0xe  }
0x1f1: {  	s16 =	spop (v2sf)  }
0x1f2: {  	v8 =	vsel vm0, $0x1, v3;
	s20 =	sxor.u32 $0x80000000, s16;
	s16 =	ssub.s32 s14, s16;
	s14 =	smov.u32 s19  }
0x1f3: {  	v9 =	vmov s20;
	(xrf0) =	vadd.scan.msk.s32 $0xffff, v8  }
0x1f4: {  	v6 =	vsub.s32 v7, v6;
	vm0 =	veq.s32 v9, v0;
	(xrf0) =	vadd.scan.msk.s32 $0xffff, v5  }
0x1f5: {  	v5 =	vnsel vm0, $0x0, v6  }
0x1f6: {  	(xrf0) =	vadd.scan.msk.s32 $0xffff, v5;
	_ =	sdelay $0x2  }
0x1f7: {  	v5, _, _ =	vpop (xrf0)  }
0x1f8: {  	(v2sf) =	vpush v5, $0xF;
	v5, _, _ =	vpop (xrf0)  }
0x1f9: {  	(v2sf) =	vpush v5, $0xF  }
.Ltmp9:
0x1fa: {  	v5, _, _ =	vpop (xrf0);
	(pc) =	sbr.rel @p0 .LBB2_19-.Ltmp9, $3  }
0x1fb: {  	(v2sf) =	vpush v5, $0xF;
	_ =	sdelay $0x1  }
0x1fc: {  	s18 =	sadd.s32 $0xFFFFFFF0, s18  }
0x1fd: {  	s19 =	sadd.s32 $0xFFFFFFF0, s19;
	v5 =	vld [tilespmem:s18+$0x0]  }
0x1fe: {  	_ =	sdelay $0x3  }
0x1ff: {  	v4 =	vperm.xlane v5, v4;
	_ =	sdelay $0x1  }
0x200: {  	(xrf0) =	vadd.scan.msk.s32 $0xffff, v4;
	_ =	sdelay $0x1  }
0x201: {  	s18 =	spop (v2sf)  }
0x202: {  	p1 =	seq.s32 s13, $0x0;
	p0 =	sgt.s32 s18, $0x0;
	s18 =	spop (v2sf)  }
0x203: {  	p0 =	por !p1, !p0;
	s18 =	simm.s32 @!p1 $0x0  }
0x204: {  	p0 =	por !p0, !p0;
	s17 =	sadd.s32 s17, s18;
	s18 =	spop (v2sf)  }
0x205: {  	v6, _, _ =	vpop (xrf0);
	s17 =	smov.u32 @p0 s18  }
0x206: {  	v6 =	vadd.s32 s17, v6  }
0x207: {  	vm0 =	vge.s32 v6, v1  }
0x208: {  	v1 =	vnsel vm0, $0x80000010, v2  }
0x209: {  	(xrf0) =	vmin.scan.msk.u32 $0xffff, v1;
	_ =	sdelay $0x5  }
0x20a: {  	v1, _, _ =	vpop (xrf0)  }
0x20b: {  	(v2sf) =	vpush v1, $0xF;
	_ =	sdelay $0xe  }
0x20c: {  	v1 =	vsel vm0, $0x1, v3;
	s29 =	spop (v2sf)  }
0x20d: {  	(xrf0) =	vadd.scan.msk.s32 $0xffff, v1;
	s19 =	sxor.u32 $0x80000000, s29  }
0x20e: {  	v1 =	vmov s19  }
0x20f: {  	v2 =	vsub.s32 v6, v4;
	vm15 =	veq.s32 v1, v0  }
0x210: {  	v0 =	vnsel vm15, $0x0, v2;
	_ =	sdelay $0x1  }
0x211: {  	(xrf0) =	vadd.scan.msk.s32 $0xffff, v5  }
0x212: {  	(xrf0) =	vadd.scan.msk.s32 $0xffff, v0;
	v0, _, _ =	vpop (xrf0)  }
0x213: {  	(v2sf) =	vpush v0, $0xF;
	_ =	sdelay $0x3  }
0x214: {  	v0, _, _ =	vpop (xrf0)  }
0x215: {  	(v2sf) =	vpush v0, $0xF  }
0x216: {  	v0, _, _ =	vpop (xrf0)  }
0x217: {  	(v2sf) =	vpush v0, $0xF;
	v0 =	vimm.s32 $0x0  }
0x218: {  	[tilespmem:$0xA00] =	vst v0  }
0x219: {  	[tilespmem:$0xA10] =	vst v0  }
0x21a: {  	[tilespmem:$0xA20] =	vst v0  }
0x21b: {  	[tilespmem:$0xA30] =	vst v0  }
0x21c: {  	[tilespmem:$0xA40] =	vst v0  }
0x21d: {  	[tilespmem:$0xA50] =	vst v0  }
0x21e: {  	[tilespmem:$0xA60] =	vst v0  }
0x21f: {  	s13 =	simm.s32 @p0 $0x1;
	[tilespmem:$0xA70] =	vst v0;
	s30 =	spop (v2sf)  }
0x220: {  	p2 =	seq.s32 s13, $0x0;
	[tilespmem:$0xA80] =	vst v0;
	p6 =	sgt.s32 s30, $0x0  }
0x221: {  	[tilespmem:$0xA90] =	vst v0;
	p1 =	por !p2, !p6  }
0x222: {  	s15 =	smov.u32 @p0 s16;
	s13 =	ssub.s32 s14, s29;
	[tilespmem:$0xAA0] =	vst v0;
	p0 =	por !p1, !p1  }
0x223: {  	[tilespmem:$0xAB0] =	vst v0;
	s15 =	smov.u32 @p0 s13  }
0x224: {  	[tilespmem:$0xAC0] =	vst v0;
	s14 =	spop (v2sf);
	s15 =	sshll.u32 s15, $0x8  }
0x225: {  	s16 =	simm.s32 $0x0;
	[tilespmem:$0xAD0] =	vst v0;
	s14 =	simm.s32 @!p2 $0x0;
	s11 =	sor.u32 s11, s15  }
0x226: {  	[tilespmem:$0xAE0] =	vst v0;
	s13 =	sadd.s32 s17, s14;
	s14 =	spop (v2sf);
	s31 =	sshrl.u32 s11, $0x8  }
0x227: {  	[tilespmem:$0xAF0] =	vst v0;
	v0 =	vimm.s32 $0x1;
	s13 =	smov.u32 @p0 s14;
	s14 =	simm.s32 $0xA00;
	s15 =	simm.s32 $0x40;
	v1 =	vmov s31  }
.LBB2_21:
0x228: {  	p0 =	sne.s32 s15, $0x13C0;
	v2 =	vld [tilespmem:s16+$0x500];
	_ =	sdelay $0x4  }
0x229: {  	v3 =	vshrl.u32 v2, $0x8  }
0x22a: {  	vm0 =	veq.s32 v3, v1  }
0x22b: {  	v2 =	vand.u32 $0xFF, v2  }
.Ltmp10:
0x22c: {  	(pc) =	sbr.rel @p0 .LBB2_21-.Ltmp10, $2  }
0x22d: {  	_ =	sdelay $0x2  }
0x22e: {  	s16 =	sshra.s32 s15, $0x2;
	s15 =	sadd.s32 $0x40, s15;
	[tilespmem:v2+s14+$0x0] =	vst.idx.add.s32.msk vm0, v0  }
0x22f: {  	v2 =	vld [tilespmem:s16+$0x500];
	_ =	sdelay $0x4  }
0x230: {  	v3 =	vshrl.u32 v2, $0x8  }
0x231: {  	vm0 =	veq.s32 v3, v1  }
0x232: {  	v1 =	vand.u32 $0xFF, v2;
	_ =	sdelay $0x4  }
0x233: {  	s29 =	simm.s32 $0xA00;
	s30 =	simm.s32 $0x2;
	[tilespmem:v1+s14+$0x0] =	vst.idx.add.s32.msk vm0, v0  }
0x234: {  	[spmem:s10] =	stream.linear.scatter [tilespmem:s29], [sflag:$0x2], $0x100, $0x38;
	[tilespmem:$0x39F0] =	vst v63  }
0x235: {  	_ =	swait.ge [sflag:s30], $0x100  }
0x236: {  	[sflag:s30] =	ssyncset.done $0x0  }
0x237: {  	[sflag:s30] =	ssyncadd.s32 $0xFFFFFF00  }
0x238: {  	s31 =	simm.s32 $0xB00;
	[bflag:$0x0] =	sbarrier.arrive $0xFFFF  }
0x239: {  	[tilespmem:s31], [sflag:$0x2] =	stream.linear.gather [spmem:s9], $0x1000, $0x38;
	[tilespmem:$0x39F0] =	vst v63  }
0x23a: {  	_ =	swait.ge [sflag:s30], $0x1000  }
0x23b: {  	[sflag:s30] =	ssyncset.done $0x0  }
0x23c: {  	s9 =	simm.s32 $0x0;
	[sflag:s30] =	ssyncadd.s32 $0xFFFFF000  }
0x23d: {  	v0 =	vld [tilespmem:s9+$0xB00]  }
0x23e: {  	v1 =	vld [tilespmem:s9+$0xC00]  }
0x23f: {  	v2 =	vld [tilespmem:s9+$0xD00]  }
0x240: {  	v3 =	vld [tilespmem:s9+$0xE00]  }
0x241: {  	v4 =	vld [tilespmem:s9+$0xF00]  }
0x242: {  	v5 =	vld [tilespmem:s9+$0x1000]  }
0x243: {  	v0 =	vadd.s32 v0, v1;
	v1 =	vld [tilespmem:s9+$0x1100]  }
0x244: {  	v0 =	vadd.s32 v2, v0;
	v2 =	vld [tilespmem:s9+$0x1200]  }
0x245: {  	v0 =	vadd.s32 v3, v0;
	v3 =	vld [tilespmem:s9+$0x1300]  }
0x246: {  	v0 =	vadd.s32 v4, v0;
	v4 =	vld [tilespmem:s9+$0x1400]  }
0x247: {  	v0 =	vadd.s32 v5, v0;
	v5 =	vld [tilespmem:s9+$0x1500]  }
0x248: {  	v6 =	vld [tilespmem:s9+$0x1600];
	v0 =	vadd.s32 v1, v0  }
0x249: {  	v1 =	vld [tilespmem:s9+$0x1700];
	v0 =	vadd.s32 v2, v0  }
0x24a: {  	v2 =	vld [tilespmem:s9+$0x1800];
	v0 =	vadd.s32 v3, v0  }
0x24b: {  	v3 =	vld [tilespmem:s9+$0x1900];
	v0 =	vadd.s32 v4, v0  }
0x24c: {  	s10 =	simm.s32 $0x10;
	v4 =	vld [tilespmem:s9+$0x1A00];
	v5 =	vadd.s32 v5, v0  }
0x24d: {  	s14 =	simm.s32 $0x80;
	v0 =	vld [tilespmem:s10+$0xB00];
	v5 =	vadd.s32 v6, v5  }
.LBB2_23:
0x24e: {  	p0 =	sne.s32 s14, $0x3C0;
	v6 =	vld [tilespmem:s10+$0xC00];
	v1 =	vadd.s32 v1, v5  }
0x24f: {  	v5 =	vld [tilespmem:s10+$0xD00];
	v1 =	vadd.s32 v2, v1  }
0x250: {  	v2 =	vld [tilespmem:s10+$0xE00];
	v1 =	vadd.s32 v3, v1  }
0x251: {  	v3 =	vld [tilespmem:s10+$0xF00];
	v1 =	vadd.s32 v4, v1  }
0x252: {  	v4 =	vld [tilespmem:s10+$0x1000];
	[tilespmem:s9+$0xA00] =	vst v1;
	s9 =	smov.u32 s10  }
0x253: {  	v0 =	vadd.s32 v0, v6;
	v1 =	vld [tilespmem:s9+$0x1100]  }
0x254: {  	v0 =	vadd.s32 v5, v0;
	v5 =	vld [tilespmem:s9+$0x1200]  }
0x255: {  	v0 =	vadd.s32 v2, v0;
	v2 =	vld [tilespmem:s9+$0x1300]  }
0x256: {  	v0 =	vadd.s32 v3, v0;
	v3 =	vld [tilespmem:s9+$0x1400]  }
0x257: {  	v0 =	vadd.s32 v4, v0;
	v4 =	vld [tilespmem:s9+$0x1500]  }
0x258: {  	v0 =	vadd.s32 v1, v0;
	v6 =	vld [tilespmem:s9+$0x1600]  }
.Ltmp11:
0x259: {  	v0 =	vadd.s32 v5, v0;
	v1 =	vld [tilespmem:s9+$0x1700];
	(pc) =	sbr.rel @p0 .LBB2_23-.Ltmp11, $4  }
0x25a: {  	v0 =	vadd.s32 v2, v0;
	v2 =	vld [tilespmem:s9+$0x1800]  }
0x25b: {  	v0 =	vadd.s32 v3, v0;
	v3 =	vld [tilespmem:s9+$0x1900]  }
0x25c: {  	s10 =	sshra.s32 s14, $0x2;
	v5 =	vadd.s32 v4, v0;
	v4 =	vld [tilespmem:s9+$0x1A00]  }
0x25d: {  	s14 =	sadd.s32 $0x40, s14;
	v0 =	vld [tilespmem:s10+$0xB00];
	v5 =	vadd.s32 v6, v5  }
0x25e: {  	v6 =	vld [tilespmem:s10+$0xC00];
	v1 =	vadd.s32 v1, v5  }
0x25f: {  	v5 =	vld [tilespmem:s10+$0xD00];
	v1 =	vadd.s32 v2, v1  }
0x260: {  	v2 =	vld [tilespmem:s10+$0xE00];
	v1 =	vadd.s32 v3, v1  }
0x261: {  	v3 =	vld [tilespmem:s10+$0xF00];
	v1 =	vadd.s32 v4, v1  }
0x262: {  	v4 =	vld [tilespmem:s10+$0x1000];
	[tilespmem:s9+$0xA00] =	vst v1  }
0x263: {  	v0 =	vadd.s32 v0, v6;
	v1 =	vld [tilespmem:s10+$0x1100]  }
0x264: {  	v0 =	vadd.s32 v5, v0;
	v5 =	vld [tilespmem:s10+$0x1200]  }
0x265: {  	v0 =	vadd.s32 v2, v0;
	v2 =	vld [tilespmem:s10+$0x1300]  }
0x266: {  	v0 =	vadd.s32 v3, v0;
	v3 =	vld [tilespmem:s10+$0x1400]  }
0x267: {  	v0 =	vadd.s32 v4, v0;
	v4 =	vld [tilespmem:s10+$0x1500]  }
0x268: {  	v0 =	vadd.s32 v1, v0;
	v1 =	vld [tilespmem:s10+$0x1600]  }
0x269: {  	v0 =	vadd.s32 v5, v0;
	v5 =	vld [tilespmem:s10+$0x1700]  }
0x26a: {  	v0 =	vadd.s32 v2, v0;
	v2 =	vld [tilespmem:s10+$0x1800]  }
0x26b: {  	v0 =	vadd.s32 v3, v0;
	v3 =	vld [tilespmem:s10+$0x1900]  }
0x26c: {  	v0 =	vadd.s32 v4, v0;
	v4 =	vld [tilespmem:s10+$0x1A00]  }
0x26d: {  	v0 =	vadd.s32 v1, v0  }
0x26e: {  	v0 =	vadd.s32 v5, v0  }
0x26f: {  	v0 =	vadd.s32 v2, v0  }
0x270: {  	v0 =	vadd.s32 v3, v0  }
0x271: {  	v0 =	vadd.s32 v4, v0  }
0x272: {  	[tilespmem:s10+$0xA00] =	vst v0  }
0x273: {  	s29 =	simm.s32 $0xAF0;
	[bflag:$0x0] =	sbarrier.arrive $0xFFFF  }
0x274: {  	v5 =	vld [tilespmem:s29+$0x0]  }
0x275: {  	v0 =	vlaneseq.u32  }
0x276: {  	v1 =	vmul.u32 $0xFFFFFFFF, v0;
	_ =	sdelay $0x1  }
0x277: {  	v4 =	vadd.s32 $0xF, v1  }
0x278: {  	v6 =	vperm.xlane v5, v4;
	_ =	sdelay $0x1  }
0x279: {  	(xrf0) =	vadd.scan.msk.s32 $0xffff, v6;
	_ =	sdelay $0x5  }
0x27a: {  	s9 =	ssub.s32 s12, s13;
	s10 =	simm.s32 $0x0;
	v2, _, _ =	vpop (xrf0)  }
0x27b: {  	v1 =	vmov s9;
	v7 =	vadd.s32 s10, v2  }
0x27c: {  	v2 =	vor.u32 $0x80000000, v0;
	vm0 =	vge.s32 v7, v1  }
0x27d: {  	v3 =	vnsel vm0, $0x80000010, v2  }
0x27e: {  	(xrf0) =	vmin.scan.msk.u32 $0xffff, v3;
	_ =	sdelay $0x5  }
0x27f: {  	v3, _, _ =	vpop (xrf0)  }
0x280: {  	(v2sf) =	vpush v3, $0xF;
	_ =	sdelay $0xe  }
0x281: {  	v3 =	vimm.s32 $0x0;
	s30 =	spop (v2sf)  }
0x282: {  	v8 =	vsel vm0, $0x1, v3;
	s31 =	sxor.u32 $0x80000000, s30  }
0x283: {  	(xrf0) =	vadd.scan.msk.s32 $0xffff, v8;
	v9 =	vmov s31  }
0x284: {  	v6 =	vsub.s32 v7, v6;
	(xrf0) =	vadd.scan.msk.s32 $0xffff, v5;
	vm15 =	veq.s32 v9, v0  }
0x285: {  	v5 =	vnsel vm15, $0x0, v6  }
0x286: {  	(xrf0) =	vadd.scan.msk.s32 $0xffff, v5;
	_ =	sdelay $0x2  }
0x287: {  	v5, _, _ =	vpop (xrf0)  }
0x288: {  	(v2sf) =	vpush v5, $0xF;
	v5, _, _ =	vpop (xrf0)  }
0x289: {  	(v2sf) =	vpush v5, $0xF  }
0x28a: {  	v5, _, _ =	vpop (xrf0)  }
0x28b: {  	(v2sf) =	vpush v5, $0xF;
	_ =	sdelay $0x1  }
0x28c: {  	s16 =	simm.s32 $0xAE0;
	s17 =	simm.s32 $0x800000DF;
	s15 =	simm.s32 $0x0  }
0x28d: {  	s12 =	simm.s32 $0x800000EF;
	s13 =	simm.s32 $0x0;
	s14 =	ssub.s32 $0x800000FF, s30;
	v5 =	vld [tilespmem:s16+$0x0]  }
.LBB2_25:
0x28e: {  	p0 =	sne.s32 s17, $0x8000000F;
	_ =	sdelay $0x3  }
0x28f: {  	v6 =	vperm.xlane v5, v4;
	_ =	sdelay $0x1  }
0x290: {  	(xrf0) =	vadd.scan.msk.s32 $0xffff, v6;
	_ =	sdelay $0x1  }
0x291: {  	s18 =	spop (v2sf)  }
0x292: {  	p2 =	seq.s32 s10, $0x0;
	p1 =	sgt.s32 s18, $0x0;
	s18 =	spop (v2sf)  }
0x293: {  	p1 =	por !p2, !p1;
	s18 =	simm.s32 @!p2 $0x0  }
0x294: {  	p1 =	por !p1, !p1;
	s15 =	sadd.s32 s15, s18;
	s18 =	spop (v2sf)  }
0x295: {  	v7, _, _ =	vpop (xrf0);
	s10 =	simm.s32 @p1 $0x1;
	s15 =	smov.u32 @p1 s18  }
0x296: {  	s13 =	smov.u32 @p1 s14;
	v7 =	vadd.s32 s15, v7  }
0x297: {  	vm0 =	vge.s32 v7, v1  }
0x298: {  	v8 =	vnsel vm0, $0x80000010, v2  }
0x299: {  	(xrf0) =	vmin.scan.msk.u32 $0xffff, v8;
	_ =	sdelay $0x5  }
0x29a: {  	v8, _, _ =	vpop (xrf0)  }
0x29b: {  	(v2sf) =	vpush v8, $0xF;
	_ =	sdelay $0xe  }
0x29c: {  	s14 =	spop (v2sf)  }
0x29d: {  	v8 =	vsel vm0, $0x1, v3;
	s18 =	sxor.u32 $0x80000000, s14;
	s14 =	ssub.s32 s12, s14;
	s12 =	smov.u32 s17  }
0x29e: {  	v9 =	vmov s18;
	(xrf0) =	vadd.scan.msk.s32 $0xffff, v8  }
0x29f: {  	v6 =	vsub.s32 v7, v6;
	vm0 =	veq.s32 v9, v0;
	(xrf0) =	vadd.scan.msk.s32 $0xffff, v5  }
0x2a0: {  	v5 =	vnsel vm0, $0x0, v6  }
0x2a1: {  	(xrf0) =	vadd.scan.msk.s32 $0xffff, v5;
	_ =	sdelay $0x2  }
0x2a2: {  	v5, _, _ =	vpop (xrf0)  }
0x2a3: {  	(v2sf) =	vpush v5, $0xF;
	v5, _, _ =	vpop (xrf0)  }
0x2a4: {  	(v2sf) =	vpush v5, $0xF  }
.Ltmp12:
0x2a5: {  	v5, _, _ =	vpop (xrf0);
	(pc) =	sbr.rel @p0 .LBB2_25-.Ltmp12, $3  }
0x2a6: {  	(v2sf) =	vpush v5, $0xF;
	_ =	sdelay $0x1  }
0x2a7: {  	s16 =	sadd.s32 $0xFFFFFFF0, s16  }
0x2a8: {  	s17 =	sadd.s32 $0xFFFFFFF0, s17;
	v5 =	vld [tilespmem:s16+$0x0]  }
0x2a9: {  	_ =	sdelay $0x3  }
0x2aa: {  	v4 =	vperm.xlane v5, v4;
	_ =	sdelay $0x1  }
0x2ab: {  	(xrf0) =	vadd.scan.msk.s32 $0xffff, v4;
	_ =	sdelay $0x1  }
0x2ac: {  	s16 =	spop (v2sf)  }
0x2ad: {  	p1 =	seq.s32 s10, $0x0;
	p0 =	sgt.s32 s16, $0x0;
	s16 =	spop (v2sf)  }
0x2ae: {  	p0 =	por !p1, !p0;
	s16 =	simm.s32 @!p1 $0x0  }
0x2af: {  	p0 =	por !p0, !p0;
	s15 =	sadd.s32 s15, s16;
	s16 =	spop (v2sf)  }
0x2b0: {  	v6, _, _ =	vpop (xrf0);
	s15 =	smov.u32 @p0 s16  }
0x2b1: {  	v6 =	vadd.s32 s15, v6  }
0x2b2: {  	vm0 =	vge.s32 v6, v1  }
0x2b3: {  	v1 =	vnsel vm0, $0x80000010, v2  }
0x2b4: {  	(xrf0) =	vmin.scan.msk.u32 $0xffff, v1;
	_ =	sdelay $0x5  }
0x2b5: {  	v1, _, _ =	vpop (xrf0)  }
0x2b6: {  	(v2sf) =	vpush v1, $0xF;
	_ =	sdelay $0x1  }
0x2b7: {  	v1 =	vsel vm0, $0x1, v3  }
0x2b8: {  	(xrf0) =	vadd.scan.msk.s32 $0xffff, v1;
	_ =	sdelay $0x5  }
0x2b9: {  	v1, _, _ =	vpop (xrf0)  }
0x2ba: {  	(v2sf) =	vpush v1, $0xF;
	_ =	sdelay $0x4  }
0x2bb: {  	s29 =	spop (v2sf)  }
0x2bc: {  	s17 =	sxor.u32 $0x80000000, s29  }
0x2bd: {  	(xrf0) =	vadd.scan.msk.s32 $0xffff, v5;
	v1 =	vmov s17  }
0x2be: {  	v2 =	vsub.s32 v6, v4;
	vm14 =	veq.s32 v1, v0  }
0x2bf: {  	v0 =	vnsel vm14, $0x0, v2  }
0x2c0: {  	(xrf0) =	vadd.scan.msk.s32 $0xffff, v0;
	_ =	sdelay $0x2  }
0x2c1: {  	v0, _, _ =	vpop (xrf0)  }
0x2c2: {  	(v2sf) =	vpush v0, $0xF  }
0x2c3: {  	s10 =	simm.s32 @p0 $0x1;
	s30 =	spop (v2sf)  }
0x2c4: {  	s31 =	simm.s32 $0x0;
	p1 =	seq.s32 s10, $0x0;
	p2 =	sgt.s32 s30, $0x0;
	v0, _, _ =	vpop (xrf0)  }
0x2c5: {  	p2 =	por !p1, !p2;
	(v2sf) =	vpush v0, $0xF;
	v0 =	vld [tilespmem:s31+$0x500]  }
0x2c6: {  	s13 =	smov.u32 @p0 s14;
	s10 =	ssub.s32 s12, s29;
	p0 =	por !p2, !p2  }
0x2c7: {  	s13 =	smov.u32 @p0 s10  }
0x2c8: {  	s10 =	sor.u32 s11, s13  }
0x2c9: {  	v2 =	vmov s10  }
0x2ca: {  	v1 =	vimm.s32 $0x0;
	vm15 =	vgt.u32 v0, v2  }
0x2cb: {  	vm1 =	veq.s32 v0, v2;
	v0 =	vsel vm15, $0x1, v1  }
0x2cc: {  	v3 =	vsel vm1, $0x1, v1;
	(xrf0) =	vadd.scan.msk.s32 $0xffff, v0  }
0x2cd: {  	(xrf0) =	vadd.scan.msk.s32 $0xffff, v3;
	_ =	sdelay $0x3  }
0x2ce: {  	s10 =	spop (v2sf)  }
0x2cf: {  	v0 =	vlaneseq.u32;
	s10 =	simm.s32 @!p1 $0x0;
	v62, _, _ =	vpop (xrf0)  }
0x2d0: {  	v3 =	vor.u32 s8, v0;
	s11 =	sadd.s32 s15, s10;
	s10 =	simm.s32 $0x0;
	(v2sf) =	vpush v62, $0xF;
	v63, _, _ =	vpop (xrf0)  }
0x2d1: {  	s14 =	simm.s32 $0x10;
	[tilespmem:s10+$0x1C10] =	vst.msk vm15, v3;
	s12 =	spop (v2sf);
	(v2sf) =	vpush v63, $0xF  }
0x2d2: {  	s13 =	simm.s32 $0x80;
	[tilespmem:s10+$0x2120] =	vst.msk vm1, v3;
	s11 =	smov.u32 @p0 s12;
	s12 =	simm.s32 $0x0  }
.LBB2_27:
0x2d3: {  	p0 =	sne.s32 s13, $0x13C0;
	v3 =	vld [tilespmem:s14+$0x500];
	_ =	sdelay $0x4  }
0x2d4: {  	vm0 =	vgt.u32 v3, v2;
	vm1 =	veq.s32 v3, v2  }
0x2d5: {  	v3 =	vsel vm0, $0x1, v1;
	v4 =	vsel vm1, $0x1, v1  }
0x2d6: {  	(xrf0) =	vadd.scan.msk.s32 $0xffff, v3  }
0x2d7: {  	(xrf0) =	vadd.scan.msk.s32 $0xffff, v4;
	_ =	sdelay $0x3  }
.Ltmp13:
0x2d8: {  	s8 =	sadd.s32 $0x10, s8;
	s14 =	spop (v2sf);
	(pc) =	sbr.rel @p0 .LBB2_27-.Ltmp13, $4  }
0x2d9: {  	v3 =	vor.u32 s8, v0;
	v4, _, _ =	vpop (xrf0);
	s10 =	sadd.s32 s10, s14;
	s14 =	spop (v2sf)  }
0x2da: {  	[tilespmem:s10+$0x1C10] =	vst.msk vm0, v3;
	(v2sf) =	vpush v4, $0xF;
	v4, _, _ =	vpop (xrf0);
	s12 =	sadd.s32 s12, s14  }
0x2db: {  	[tilespmem:s12+$0x2120] =	vst.msk vm1, v3;
	(v2sf) =	vpush v4, $0xF  }
0x2dc: {  	s14 =	sshra.s32 s13, $0x2;
	s13 =	sadd.s32 $0x40, s13  }
0x2dd: {  	v3 =	vld [tilespmem:s14+$0x500];
	_ =	sdelay $0x4  }
0x2de: {  	vm0 =	vgt.u32 v3, v2  }
0x2df: {  	v4 =	vsel vm0, $0x1, v1  }
0x2e0: {  	vm1 =	veq.s32 v3, v2;
	(xrf0) =	vadd.scan.msk.s32 $0xffff, v4  }
0x2e1: {  	v59 =	vsel vm1, $0x1, v1  }
0x2e2: {  	(xrf0) =	vadd.scan.msk.s32 $0xffff, v59;
	_ =	sdelay $0x3  }
0x2e3: {  	v60, _, _ =	vpop (xrf0)  }
0x2e4: {  	(v2sf) =	vpush v60, $0xF  }
0x2e5: {  	v61, _, _ =	vpop (xrf0)  }
0x2e6: {  	(v2sf) =	vpush v61, $0xF;
	_ =	sdelay $0xa  }
0x2e7: {  	s13 =	spop (v2sf)  }
0x2e8: {  	s19 =	spop (v2sf)  }
0x2e9: {  	s10 =	sadd.s32 s10, s13;
	s20 =	spop (v2sf)  }
0x2ea: {  	s8 =	sadd.s32 $0x10, s8;
	s13 =	sadd.s32 s10, s20  }
0x2eb: {  	vm2 =	vcmask $0x300;
	v0 =	vor.u32 s8, v0;
	s21 =	sadd.s32 s12, s19;
	s22 =	spop (v2sf);
	v62 =	vmov s13  }
0x2ec: {  	s24 =	sshll.u32 s6, $0x6;
	[tilespmem:s10+$0x1C10] =	vst.msk vm0, v0;
	vm0 =	vcmask $0x704;
	s23 =	sadd.s32 s21, s22;
	v1 =	vnsel vm2, $0x0, v62  }
0x2ed: {  	s25 =	sshrl.u32 s24, $0x2;
	[tilespmem:s21+$0x2120] =	vst.msk vm1, v0;
	v63 =	vsel vm0, s23, v1  }
0x2ee: {  	s26 =	simm.s32 $0x1B00;
	s8 =	sadd.s32 s25, s5;
	[tilespmem:$0x1B00] =	vst v63  }
0x2ef: {  	[spmem:s8] =	stream.linear.scatter [tilespmem:s26], [sflag:$0x2], $0x10, $0x38;
	[tilespmem:$0x39F0] =	vst v63  }
0x2f0: {  	s8 =	simm.s32 $0x2  }
0x2f1: {  	s28 =	smul.u32 $0x510, s6;
	_ =	swait.ge [sflag:s8], $0x10  }
0x2f2: {  	[sflag:s8] =	ssyncset.done $0x0  }
0x2f3: {  	s29 =	sadd.s32 s28, s4;
	s12 =	simm.s32 $0x1C10;
	[sflag:s8] =	ssyncadd.s32 $0xFFFFFFF0  }
0x2f4: {  	[spmem:s29] =	stream.linear.scatter [tilespmem:s12], [sflag:$0x2], $0x510, $0x38;
	[tilespmem:$0x39F0] =	vst v63  }
0x2f5: {  	_ =	swait.ge [sflag:s8], $0x510  }
0x2f6: {  	s30 =	simm.s32 $0x2120;
	[sflag:s8] =	ssyncset.done $0x0  }
0x2f7: {  	p0 =	sne.s32 s6, $0x0;
	s10 =	sadd.s32 s28, s3;
	[sflag:s8] =	ssyncadd.s32 $0xFFFFFAF0  }
0x2f8: {  	[spmem:s10] =	stream.linear.scatter [tilespmem:s30], [sflag:$0x2], $0x510, $0x38;
	[tilespmem:$0x39F0] =	vst v63  }
.Ltmp14:
0x2f9: {  	_ =	swait.ge [sflag:s8], $0x510;
	(pc) =	sbr.rel @p0 .LBB2_40-.Ltmp14, $4  }
0x2fa: {  	[sflag:s8] =	ssyncset.done $0x0  }
0x2fb: {  	[sflag:s8] =	ssyncadd.s32 $0xFFFFFAF0  }
0x2fc: {  	s31 =	sshll.u32 s6, $0x7;
	[bflag:$0x0] =	sbarrier.arrive $0xFFFF  }
0x2fd: {  	s6 =	sadd.s32 s7, s31;
	s10 =	sadd.s32 s24, s1  }
0x2fe: {  	s7 =	simm.s32 $0x1B10  }
0x2ff: {  	[tilespmem:s7], [sflag:$0x2] =	stream.linear.gather [spmem:s5], $0x100, $0x38;
	[tilespmem:$0x39F0] =	vst v63  }
0x300: {  	_ =	swait.ge [sflag:s8], $0x100  }
0x301: {  	[sflag:s8] =	ssyncset.done $0x0  }
0x302: {  	[sflag:s8] =	ssyncadd.s32 $0xFFFFFF00  }
0x303: {  	v7 =	vld [tilespmem:$0x1B10]  }
0x304: {  	v3 =	vld [tilespmem:$0x1B20]  }
0x305: {  	v8 =	vld [tilespmem:$0x1B30]  }
0x306: {  	v5 =	vld [tilespmem:$0x1B40]  }
0x307: {  	v4 =	vld [tilespmem:$0x1B50]  }
0x308: {  	v0 =	vld [tilespmem:$0x1B60]  }
0x309: {  	v1 =	vld [tilespmem:$0x1B70];
	v6 =	vbroadcast v3, $0x0  }
0x30a: {  	v2 =	vld [tilespmem:$0x1B80];
	v9 =	vbroadcast v8, $0x0  }
0x30b: {  	v11 =	vbroadcast v5, $0x0;
	v10 =	vsel vm0, v6, v7;
	vm0 =	vmmov $0x3;
	v6 =	vld [tilespmem:$0x1B90]  }
0x30c: {  	vm1 =	vmmov $0x7;
	v12 =	vbroadcast v4, $0x0;
	v10 =	vsel vm0, v10, v9;
	v9 =	vld [tilespmem:$0x1BA0]  }
0x30d: {  	vm2 =	vmmov $0xf;
	v13 =	vbroadcast v0, $0x0;
	v11 =	vsel vm1, v10, v11;
	v10 =	vld [tilespmem:$0x1BB0]  }
0x30e: {  	vm3 =	vmmov $0x1f;
	v14 =	vbroadcast v1, $0x0;
	v12 =	vsel vm2, v11, v12;
	v11 =	vld [tilespmem:$0x1BC0]  }
0x30f: {  	vm4 =	vmmov $0x3f;
	v15 =	vbroadcast v2, $0x0;
	v13 =	vsel vm3, v12, v13;
	v12 =	vld [tilespmem:$0x1BD0]  }
0x310: {  	vm5 =	vmmov $0x7f;
	v14 =	vsel vm4, v13, v14;
	v16 =	vbroadcast v6, $0x0;
	v13 =	vld [tilespmem:$0x1BE0]  }
0x311: {  	vm6 =	vmmov $0xff;
	v15 =	vsel vm5, v14, v15;
	v17 =	vbroadcast v9, $0x0;
	v14 =	vld [tilespmem:$0x1BF0]  }
0x312: {  	vm7 =	vmmov $0x1ff;
	v16 =	vsel vm6, v15, v16;
	v18 =	vbroadcast v10, $0x0;
	v15 =	vld [tilespmem:$0x1C00]  }
0x313: {  	vm8 =	vmmov $0x3ff;
	v16 =	vsel vm7, v16, v17;
	v17 =	vbroadcast v11, $0x0  }
0x314: {  	vm9 =	vmmov $0x7ff;
	v16 =	vsel vm8, v16, v18;
	v18 =	vbroadcast v12, $0x0  }
0x315: {  	vm10 =	vmmov $0xfff;
	v16 =	vsel vm9, v16, v17;
	v17 =	vbroadcast v13, $0x0  }
0x316: {  	vm11 =	vmmov $0x1fff;
	v16 =	vsel vm10, v16, v18;
	v18 =	vbroadcast v14, $0x0  }
0x317: {  	vm12 =	vmmov $0x3fff;
	v16 =	vsel vm11, v16, v17;
	v17 =	vbroadcast v15, $0x0  }
0x318: {  	vm13 =	vmmov $0x7fff;
	v16 =	vsel vm12, v16, v18  }
0x319: {  	v17 =	vsel vm13, v16, v17  }
0x31a: {  	(xrf0) =	vadd.scan.msk.s32 $0xffff, v17;
	_ =	sdelay $0x2  }
.Ltmp15:
0x31b: {  	_ = 	snop;
	(pc) =	sbr.rel .LBB2_30-.Ltmp15, $3  }
0x31c: {  	_ =	sdelay $0x1  }
0x31d: {  	v16, _, _ =	vpop (xrf0)  }
0x31e: {  	v19 =	vlaneseq.u32;
	s5 =	ssub.s32 s9, s11;
	s7 =	simm.s32 $0x0;
	v18 =	vsub.s32 v16, v17  }
.LBB2_33:
0x31f: {  	s7 =	sadd.s32 $0x1, s7  }
0x320: {  	p1 =	sne.s32 s7, $0x10  }
.Ltmp16:
0x321: {  	_ = 	snop;
	(pc) =	sbr.rel @!p1 .LBB2_34-.Ltmp16, $1  }
0x322: {  	_ =	sdelay $0x3  }
.LBB2_30:
0x323: {  	v20 =	vmov s7  }
0x324: {  	vm14 =	veq.s32 v20, v19  }
0x325: {  	v20 =	vnsel vm14, $0x0, v17  }
0x326: {  	(xrf0) =	vadd.scan.msk.s32 $0xffff, v20;
	_ =	sdelay $0x5  }
0x327: {  	v20, _, _ =	vpop (xrf0)  }
0x328: {  	(v2sf) =	vpush v20, $0xF;
	_ =	sdelay $0x9  }
0x329: {  	s9 =	smul.u32 $0x1440, s7;
	_ =	sdelay $0x1  }
0x32a: {  	s9 =	sshra.s32 s9, $0x2  }
0x32b: {  	s9 =	sadd.s32 s9, s4  }
0x32c: {  	[tilespmem:s12], [sflag:$0x2] =	stream.linear.gather [spmem:s9], $0x510, $0x38;
	[tilespmem:$0x39F0] =	vst v63  }
0x32d: {  	s11 =	spop (v2sf)  }
0x32e: {  	s30 =	sadd.s32 $0xF, s11  }
0x32f: {  	s11 =	sand.u32 $0xF, s30  }
0x330: {  	s31 =	sshra.s32 s30, $0x1F;
	p2 =	slt.s32 s30, $0x1;
	p1 =	sne.s32 s11, $0x0  }
0x331: {  	s11 =	sshrl.u32 s31, $0x1C;
	p1 =	por !p2, !p1  }
0x332: {  	s9 =	sadd.s32 s11, s30;
	s11 =	simm.s32 $0x1;
	p1 =	por !p1, !p1  }
0x333: {  	s9 =	sshra.s32 s9, $0x4;
	s11 =	simm.s32 @!p1 $0x0  }
0x334: {  	s11 =	ssub.s32 s9, s11  }
0x335: {  	p1 =	slt.s32 s11, $0x1  }
.Ltmp17:
0x336: {  	_ = 	snop;
	(pc) =	sbr.rel @p1 .LBB2_33-.Ltmp17, $4  }
0x337: {  	_ = 	snop  }
0x338: {  	_ =	swait.ge [sflag:s8], $0x510  }
0x339: {  	[sflag:s8] =	ssyncset.done $0x0  }
0x33a: {  	[sflag:s8] =	ssyncadd.s32 $0xFFFFFAF0  }
0x33b: {  	v20 =	vnsel vm14, $0x0, v18  }
0x33c: {  	(xrf0) =	vadd.scan.msk.s32 $0xffff, v20;
	_ =	sdelay $0x5  }
0x33d: {  	v20, _, _ =	vpop (xrf0)  }
0x33e: {  	(v2sf) =	vpush v20, $0xF;
	_ =	sdelay $0xa  }
0x33f: {  	s9 =	simm.s32 $0x1C10  }
0x340: {  	p1 =	sne.s32 s11, $0x1;
	v20 =	vld [tilespmem:s9+$0x0]  }
.Ltmp18:
0x341: {  	_ = 	snop;
	(pc) =	sbr.rel @!p1 .LBB2_33-.Ltmp18, $4  }
0x342: {  	_ = 	snop  }
0x343: {  	s31 =	spop (v2sf)  }
0x344: {  	s9 =	sadd.s32 $0x2630, s31  }
0x345: {  	s11 =	sadd.s32 $0xFFFFFFFF, s11;
	s13 =	simm.s32 $0x1C20;
	[tilespmem:s9+$0x0] =	vst v20  }
.LBB2_32:
0x346: {  	v20 =	vld [tilespmem:s13+$0x0];
	p1 =	sne.s32 s11, $0x1;
	s11 =	sadd.s32 $0xFFFFFFFF, s11  }
.Ltmp19:
0x347: {  	(pc) =	sbr.rel @p1 .LBB2_32-.Ltmp19, $3  }
0x348: {  	_ =	sdelay $0x1  }
0x349: {  	s9 =	sadd.s32 $0x10, s9  }
0x34a: {  	s13 =	sadd.s32 $0x10, s13;
	[tilespmem:s9+$0x0] =	vst v20  }
.Ltmp20:
0x34b: {  	_ = 	snop;
	(pc) =	sbr.rel .LBB2_33-.Ltmp20, $1  }
0x34c: {  	_ =	sdelay $0x3  }
.LBB2_34:
0x34d: {  	v7 =	vbroadcast v7, $0x1  }
0x34e: {  	vm14 =	vmmov $0x1;
	v8 =	vbroadcast v8, $0x1  }
0x34f: {  	v5 =	vbroadcast v5, $0x1;
	v3 =	vsel vm14, v7, v3  }
0x350: {  	v4 =	vbroadcast v4, $0x1;
	v3 =	vsel vm0, v3, v8  }
0x351: {  	v0 =	vbroadcast v0, $0x1;
	v3 =	vsel vm1, v3, v5  }
0x352: {  	v1 =	vbroadcast v1, $0x1;
	v3 =	vsel vm2, v3, v4  }
0x353: {  	v2 =	vbroadcast v2, $0x1;
	v0 =	vsel vm3, v3, v0  }
0x354: {  	v0 =	vsel vm4, v0, v1;
	v1 =	vbroadcast v6, $0x1  }
0x355: {  	v0 =	vsel vm5, v0, v2;
	v2 =	vbroadcast v9, $0x1  }
0x356: {  	v0 =	vsel vm6, v0, v1;
	v1 =	vbroadcast v10, $0x1  }
0x357: {  	v0 =	vsel vm7, v0, v2;
	v2 =	vbroadcast v11, $0x1  }
0x358: {  	v0 =	vsel vm8, v0, v1;
	v1 =	vbroadcast v12, $0x1  }
0x359: {  	v0 =	vsel vm9, v0, v2;
	v2 =	vbroadcast v13, $0x1  }
0x35a: {  	v0 =	vsel vm10, v0, v1;
	v1 =	vbroadcast v14, $0x1  }
0x35b: {  	v0 =	vsel vm11, v0, v2;
	v2 =	vbroadcast v15, $0x1  }
0x35c: {  	v0 =	vsel vm12, v0, v1  }
0x35d: {  	v0 =	vsel vm13, v0, v2  }
0x35e: {  	(xrf0) =	vadd.scan.msk.s32 $0xffff, v0;
	_ =	sdelay $0x5  }
0x35f: {  	v2 =	vadd.s32 s5, v0;
	v1, _, _ =	vpop (xrf0)  }
0x360: {  	v1 =	vsub.s32 v2, v1  }
0x361: {  	vm15 =	vgt.s32 v1, $0x0  }
0x362: {  	v1 =	vnsel vm15, $0x0, v1  }
0x363: {  	vm0 =	vlt.s32 v0, v1  }
0x364: {  	v0 =	vsel vm0, v0, v1  }
0x365: {  	(xrf0) =	vadd.scan.msk.s32 $0xffff, v0;
	_ =	sdelay $0x2  }
.Ltmp21:
0x366: {  	_ = 	snop;
	(pc) =	sbr.rel .LBB2_35-.Ltmp21, $3  }
0x367: {  	v1 =	vbroadcast v16, $0xF;
	_ =	sdelay $0x1  }
0x368: {  	v1 =	vsub.s32 v1, v0;
	v2, _, _ =	vpop (xrf0)  }
0x369: {  	s4 =	simm.s32 $0x0;
	v1 =	vadd.s32 v2, v1;
	v2 =	vlaneseq.u32  }
.LBB2_38:
0x36a: {  	s4 =	sadd.s32 $0x1, s4  }
0x36b: {  	p1 =	sne.s32 s4, $0x10  }
.Ltmp22:
0x36c: {  	_ = 	snop;
	(pc) =	sbr.rel @!p1 .LBB2_39-.Ltmp22, $1  }
0x36d: {  	_ =	sdelay $0x3  }
.LBB2_35:
0x36e: {  	v3 =	vmov s4  }
0x36f: {  	vm0 =	veq.s32 v3, v2  }
0x370: {  	v3 =	vnsel vm0, $0x0, v0  }
0x371: {  	(xrf0) =	vadd.scan.msk.s32 $0xffff, v3;
	_ =	sdelay $0x5  }
0x372: {  	v3, _, _ =	vpop (xrf0)  }
0x373: {  	(v2sf) =	vpush v3, $0xF;
	_ =	sdelay $0xe  }
0x374: {  	s5 =	spop (v2sf)  }
0x375: {  	p1 =	slt.s32 s5, $0x1  }
0x376: {  	s7 =	smul.u32 @!p1 $0x1440, s4;
	_ =	sdelay $0x1  }
0x377: {  	s7 =	sshra.s32 @!p1 s7, $0x2  }
0x378: {  	s9 =	simm.s32 @!p1 $0x2120;
	s5 =	sadd.s32 @!p1 $0xF, s5;
	s7 =	sadd.s32 @!p1 s7, s3  }
0x379: {  	[tilespmem:s9], [sflag:$0x2] =	stream.linear.gather @!p1 [spmem:s7], $0x510, $0x38;
	[tilespmem:$0x39F0] =	vst v63  }
0x37a: {  	s7 =	sand.u32 @!p1 $0xF, s5  }
0x37b: {  	p2 =	slt.s32 @!p1 s5, $0x0;
	p3 =	sne.s32 @!p1 s7, $0x0  }
0x37c: {  	s7 =	sshra.s32 @!p1 s5, $0x1F;
	p2 =	por @!p1 !p2, !p3  }
0x37d: {  	s7 =	sshrl.u32 @!p1 s7, $0x1C;
	p2 =	por @!p1 !p2, !p2  }
0x37e: {  	s5 =	sadd.s32 @!p1 s7, s5;
	s7 =	simm.s32 @!p1 $0x1;
	p2 =	por !p2, p1  }
0x37f: {  	s5 =	sshra.s32 @!p1 s5, $0x4;
	s7 =	simm.s32 @p2 $0x0  }
0x380: {  	s7 =	ssub.s32 @!p1 s5, s7  }
0x381: {  	p2 =	slt.s32 @!p1 s7, $0x1  }
0x382: {  	p2 =	por p1, p2  }
.Ltmp23:
0x383: {  	_ = 	snop;
	(pc) =	sbr.rel @p2 .LBB2_38-.Ltmp23, $4  }
0x384: {  	s9 =	simm.s32 @!p1 $0x2  }
0x385: {  	_ =	swait.ge @!p1 [sflag:s9], $0x510  }
0x386: {  	[sflag:s9] =	ssyncset.done @!p1 $0x0  }
0x387: {  	[sflag:s9] =	ssyncadd.s32 @!p1 $0xFFFFFAF0  }
0x388: {  	v3 =	vnsel vm0, $0x0, v1  }
0x389: {  	(xrf0) =	vadd.scan.msk.s32 $0xffff, v3;
	_ =	sdelay $0x5  }
0x38a: {  	v3, _, _ =	vpop (xrf0)  }
0x38b: {  	(v2sf) =	vpush v3, $0xF;
	_ =	sdelay $0xa  }
0x38c: {  	s5 =	simm.s32 $0x2120  }
0x38d: {  	p1 =	sne.s32 s7, $0x1;
	v3 =	vld [tilespmem:s5+$0x0]  }
.Ltmp24:
0x38e: {  	_ = 	snop;
	(pc) =	sbr.rel @!p1 .LBB2_38-.Ltmp24, $4  }
0x38f: {  	_ = 	snop  }
0x390: {  	s31 =	spop (v2sf)  }
0x391: {  	s5 =	sadd.s32 $0x2630, s31  }
0x392: {  	s7 =	sadd.s32 $0xFFFFFFFF, s7;
	s9 =	simm.s32 $0x2130;
	[tilespmem:s5+$0x0] =	vst v3  }
.LBB2_37:
0x393: {  	v3 =	vld [tilespmem:s9+$0x0];
	p1 =	sne.s32 s7, $0x1;
	s7 =	sadd.s32 $0xFFFFFFFF, s7  }
.Ltmp25:
0x394: {  	(pc) =	sbr.rel @p1 .LBB2_37-.Ltmp25, $3  }
0x395: {  	_ =	sdelay $0x1  }
0x396: {  	s5 =	sadd.s32 $0x10, s5  }
0x397: {  	s9 =	sadd.s32 $0x10, s9;
	[tilespmem:s5+$0x0] =	vst v3  }
.Ltmp26:
0x398: {  	_ = 	snop;
	(pc) =	sbr.rel .LBB2_38-.Ltmp26, $1  }
0x399: {  	_ =	sdelay $0x3  }
.LBB2_39:
0x39a: {  	v0 =	vlaneseq.u32  }
0x39b: {  	v1 =	vor.u32 $0x4E20, v0  }
0x39c: {  	v0 =	vadd.s32 $0x4E28, v0;
	[tilespmem:$0x2A18] =	vst v1  }
0x39d: {  	s3 =	simm.s32 $0x2630;
	s31 =	simm.s32 $0x2;
	[tilespmem:$0x2A20] =	vst v0  }
0x39e: {  	[spmem:s1] =	stream.linear.scatter [tilespmem:s3], [sflag:$0x2], $0x400, $0x38;
	[tilespmem:$0x39F0] =	vst v63  }
0x39f: {  	_ =	swait.ge [sflag:s31], $0x400  }
0x3a0: {  	[sflag:s31] =	ssyncset.done $0x0  }
0x3a1: {  	[sflag:s31] =	ssyncadd.s32 $0xFFFFFC00  }
.LBB2_40:
0x3a2: {  	[bflag:$0x0] =	sbarrier.arrive $0xFFFF;
	s1 =	simm.s32 $0x2A40  }
0x3a3: {  	[tilespmem:s1], [sflag:$0x2] =	stream.linear.gather [spmem:s10], $0x40, $0x38;
	[tilespmem:$0x39F0] =	vst v63  }
0x3a4: {  	_ =	swait.ge [sflag:s8], $0x40  }
0x3a5: {  	s3 =	simm.s32 $0x40;
	[sflag:s8] =	ssyncset.done $0x0  }
0x3a6: {  	s4 =	simm.s32 $0x2A80;
	s30 =	simm.s32 $0x1;
	[sflag:s8] =	ssyncadd.s32 $0xFFFFFFC0  }
0x3a7: {  	[tilespmem:s4], [sflag:$0x1] =	stream.indirect.gather [hbm4b:s2+s3], $0x10, s1, s3, $0xb8;
	[tilespmem:$0x39F0] =	vst v63  }
0x3a8: {  	_ =	swait.ge [sflag:s30], $0x400  }
0x3a9: {  	[sflag:s30] =	ssyncset.done $0x0  }
0x3aa: {  	s31 =	simm.s32 $0x0;
	[sflag:s30] =	ssyncadd.s32 $0xFFFFFC00  }
0x3ab: {  	[hbm4b:s6+s31] =	stream.linear.scatter [tilespmem:s4], [sflag:$0x2], $0x400, $0x38;
	[tilespmem:$0x39F0] =	vst v63  }
0x3ac: {  	_ =	swait.ge [sflag:s8], $0x400  }
0x3ad: {  	[sflag:s8] =	ssyncset.done $0x0  }
0x3ae: {  	[sflag:s8] =	ssyncadd.s32 $0xFFFFFC00  }
0x3af: {  	_ =	sfence.sel $0x180000  }
0x3b0: {  	[bflag:$0x0] =	sbarrier.arrive $0xFFFF  }
0x3b1: {  	_ =	strace $0x90000047  }
0x3b2: {  	s0 =	sadd.s32 @!p0 $0x100000, s0;
	[bflag:$0x2] =	sbarrier.arrive $0xFFFF  }
0x3b3: {  	[sflag:s0] =	ssyncadd.tile.s32 @!p0 $0x1;
	_ =	shalt  }
.Lfunc_end2:
_tile_overlayer_lowered:
.L_overlay_start_2:
0x3b4: {  	(tag) =	ssettag $0x2  }
0x3b5: {  	s0 =	rddreg [dreg:$0x0];
	s2 =	stileid.u32  }
0x3b6: {  	s1 =	rddreg [dreg:$0x1];
	p0 =	sne.s32 s2, $0x0  }
0x3b7: {  	s3 =	rddreg [dreg:$0x2];
	[bflag:$0x3] =	sbarrier.arrive $0xFFFF;
	s2 =	simm.s32 @!p0 $0x1C02  }
0x3b8: {  	[timem:s3], [sflag:s2] =	dma.local @!p0 [hbm:s0], s1  }
0x3b9: {  	s0 =	simm.s32 @!p0 $0x2  }
0x3ba: {  	_ =	swait.ge @!p0 [sflag:s0], s1  }
0x3bb: {  	s1 =	ssub.s32 @!p0 $0x0, s1;
	[sflag:s0] =	ssyncset.done @!p0 $0x0  }
0x3bc: {  	[sflag:s0] =	ssyncadd.s32 @!p0 s1  }
0x3bd: {  	[bflag:$0x3] =	sbarrier.arrive $0xFFFF  }
0x3be: {  	_ =	shalt  }

</sc_bundles>
